<compile_context>
chip_gen: v7x
topology: tpu7x:2x2x1
jax: 0.10.2.dev20260603
libtpu: 0.0.44.dev20260713+nightly
codegen_flags: <defaults>
</compile_context>

<pallas_src>
import functools

import jax
import jax.numpy as jnp
from jax import lax
from jax.experimental import pallas as pl
from jax.experimental.pallas import tpu as pltpu
from jax.experimental.pallas import tpu_sc as plsc

N = 10000
D = 128
H = 64
B = 64
E = 320000

NP = 10240
EP = 327680
NW = 32
EPW = EP // NW
CH = 128
NCH = EPW // CH
RPT = NP // 16
NBUF = 8
NAHEAD = 4
R = 1280
GRID = NP // R

_mesh = plsc.VectorSubcoreMesh(core_axis_name="c", subcore_axis_name="s")


@functools.partial(
    pl.kernel,
    out_type=jax.ShapeDtypeStruct((NW, NP), jnp.float32),
    mesh=_mesh,
    scratch_types=[
        pltpu.VMEM((EPW,), jnp.int32),
        pltpu.VMEM((NP,), jnp.float32),
    ],
    compiler_params=pltpu.CompilerParams(needs_layout_passes=False),
)
def _deg(dst_hbm, out_hbm, idx_v, deg_v):
    cid = lax.axis_index("c")
    sid = lax.axis_index("s")
    wid = sid * 2 + cid
    pltpu.sync_copy(dst_hbm.at[pl.ds(wid * EPW, EPW)], idx_v)

    zeros16 = jnp.zeros((16,), jnp.float32)
    ones16 = jnp.ones((16,), jnp.float32)

    def zbody(i, _):
        for u in range(4):
            deg_v[pl.ds((i * 4 + u) * 16, 16)] = zeros16
        return 0

    lax.fori_loop(0, NP // 64, zbody, 0)

    def sbody(t, _):
        for u in range(4):
            idx = idx_v[pl.ds((t * 4 + u) * 16, 16)]
            plsc.addupdate_scatter(deg_v, [idx], ones16)
        return 0

    lax.fori_loop(0, EPW // 64, sbody, 0)
    pltpu.sync_copy(deg_v, out_hbm.at[wid])


@functools.partial(
    pl.kernel,
    out_type=jax.ShapeDtypeStruct((2 * NP, H), jnp.bfloat16),
    mesh=_mesh,
    scratch_types=[
        pltpu.VMEM((NCH, CH), jnp.int32),
        pltpu.VMEM((NCH, CH), jnp.int32),
        [pltpu.VMEM((CH, H), jnp.bfloat16)] * NBUF,
        [pltpu.SemaphoreType.DMA] * NBUF,
        [pltpu.SemaphoreType.DMA] * NBUF,
        pltpu.VMEM_SHARED((NP, H), jnp.bfloat16),
        pltpu.VMEM_SHARED((NP, H), jnp.bfloat16),
    ],
    compiler_params=pltpu.CompilerParams(use_tc_tiling_on_sc=False),
)
def _agg(g_hbm, src_hbm, dst_hbm, z_hbm, out_hbm,
         sidx, didx, rows, gsem, ssem, acc, gsp):
    cid = lax.axis_index("c")
    sid = lax.axis_index("s")
    wid = sid * 2 + cid

    pltpu.sync_copy(z_hbm.at[pl.ds(sid * RPT, RPT)], acc.at[pl.ds(sid * RPT, RPT)])
    pltpu.sync_copy(g_hbm.at[pl.ds(sid * RPT, RPT)], gsp.at[pl.ds(sid * RPT, RPT)])
    pltpu.sync_copy(src_hbm.at[pl.ds(wid * NCH, NCH)], sidx)
    pltpu.sync_copy(dst_hbm.at[pl.ds(wid * NCH, NCH)], didx)
    plsc.subcore_barrier()

    def gather(c, b):
        pltpu.async_copy(gsp.at[sidx.at[c]], rows[b], gsem[b])

    def wait_gather(b):
        pltpu.make_async_copy(gsp.at[sidx.at[0]], rows[b], gsem[b]).wait()

    def scatter(c, b):
        pltpu.async_copy(rows[b], acc.at[didx.at[c]], ssem[b], add=True)

    def wait_scatter(b):
        pltpu.make_async_copy(rows[b], acc.at[didx.at[0]], ssem[b]).wait()

    for u in range(NAHEAD):
        gather(u, u)

    def body(t, _):
        for u in range(NBUF):
            c = t * NBUF + u
            wait_gather(u)
            scatter(c, u)
            c2 = c + NAHEAD
            b2 = (u + NAHEAD) % NBUF

            @pl.when(c2 < NCH)
            def _():
                @pl.when(c2 >= NBUF)
                def _():
                    wait_scatter(b2)

                gather(c2, b2)

        return 0

    lax.fori_loop(0, NCH // NBUF, body, 0)
    for u in range(NBUF):
        wait_scatter(u)
    plsc.subcore_barrier()

    def cbody(j, _):
        r0 = sid * RPT + j * CH
        pltpu.sync_copy(acc.at[pl.ds(r0, CH)], rows[0])
        pltpu.sync_copy(rows[0], out_hbm.at[pl.ds(cid * NP + r0, CH)])
        return 0

    lax.fori_loop(0, RPT // CH, cbody, 0)


def _dis_block(degp):
    return lax.rsqrt(1.0 + jnp.sum(degp, axis=0))[:, None]


def _tc1_body(degp_ref, x_ref, w1_ref, g1_ref):
    dis = _dis_block(degp_ref[...])
    h = jnp.dot(x_ref[...], w1_ref[...], preferred_element_type=jnp.float32)
    g1_ref[...] = (h * dis).astype(jnp.bfloat16)


def _tc2_body(accp_ref, g1_ref, degp_ref, b1_ref, w2_ref, g2_ref):
    dis = _dis_block(degp_ref[...])
    a = (accp_ref[0].astype(jnp.float32) + accp_ref[1].astype(jnp.float32)
         + g1_ref[...].astype(jnp.float32))
    h1 = jnp.maximum(a * dis + b1_ref[...], 0.0)
    g2_ref[...] = (jnp.dot(h1, w2_ref[...], preferred_element_type=jnp.float32)
                   * dis).astype(jnp.bfloat16)


def _tc3_body(accp_ref, g2_ref, degp_ref, b2_ref, batch_ref, wct_ref, bc_ref,
              out_ref, s_acc, c_acc):
    i = pl.program_id(0)

    @pl.when(i == 0)
    def _():
        s_acc[...] = jnp.zeros((B, H), jnp.float32)
        c_acc[...] = jnp.zeros((B, H), jnp.float32)

    dis = _dis_block(degp_ref[...])
    a = (accp_ref[0].astype(jnp.float32) + accp_ref[1].astype(jnp.float32)
         + g2_ref[...].astype(jnp.float32))
    h = jnp.maximum(a * dis + b2_ref[...], 0.0)

    bt = batch_ref[0, 0, :]
    classes = lax.broadcasted_iota(jnp.int32, (B, R), 0)
    onehot = (classes == bt[None, :]).astype(jnp.float32)
    s_acc[...] += jnp.dot(onehot, h, preferred_element_type=jnp.float32)
    c_acc[...] += jnp.broadcast_to(
        jnp.sum(onehot, axis=1, keepdims=True), (B, H))

    @pl.when(i == GRID - 1)
    def _():
        pooled = s_acc[...] / jnp.maximum(c_acc[...], 1.0)
        logits = jnp.sum(pooled * wct_ref[...], axis=1, keepdims=True) + bc_ref[0]
        out_ref[...] = jax.nn.sigmoid(logits)


def _tc1(degp, xp, W1):
    return pl.pallas_call(
        _tc1_body,
        grid=(GRID,),
        in_specs=[
            pl.BlockSpec((NW, R), lambda i: (0, i)),
            pl.BlockSpec((R, D), lambda i: (i, 0)),
            pl.BlockSpec((D, H), lambda i: (0, 0)),
        ],
        out_specs=pl.BlockSpec((R, H), lambda i: (i, 0)),
        out_shape=jax.ShapeDtypeStruct((NP, H), jnp.bfloat16),
    )(degp, xp, W1)


def _tc2(accp, g1, degp, b1r, W2):
    return pl.pallas_call(
        _tc2_body,
        grid=(GRID,),
        in_specs=[
            pl.BlockSpec((2, R, H), lambda i: (0, i, 0)),
            pl.BlockSpec((R, H), lambda i: (i, 0)),
            pl.BlockSpec((NW, R), lambda i: (0, i)),
            pl.BlockSpec((1, H), lambda i: (0, 0)),
            pl.BlockSpec((H, H), lambda i: (0, 0)),
        ],
        out_specs=pl.BlockSpec((R, H), lambda i: (i, 0)),
        out_shape=jax.ShapeDtypeStruct((NP, H), jnp.bfloat16),
    )(accp, g1, degp, b1r, W2)


def _tc3(accp, g2, degp, b2r, batch3d, WcT, bc):
    return pl.pallas_call(
        _tc3_body,
        grid=(GRID,),
        in_specs=[
            pl.BlockSpec((2, R, H), lambda i: (0, i, 0)),
            pl.BlockSpec((R, H), lambda i: (i, 0)),
            pl.BlockSpec((NW, R), lambda i: (0, i)),
            pl.BlockSpec((1, H), lambda i: (0, 0)),
            pl.BlockSpec((1, 1, R), lambda i: (i, 0, 0)),
            pl.BlockSpec((1, H), lambda i: (0, 0)),
            pl.BlockSpec(memory_space=pltpu.SMEM),
        ],
        out_specs=pl.BlockSpec((B, 1), lambda i: (0, 0)),
        out_shape=jax.ShapeDtypeStruct((B, 1), jnp.float32),
        scratch_shapes=[
            pltpu.VMEM((B, H), jnp.float32),
            pltpu.VMEM((B, H), jnp.float32),
        ],
    )(accp, g2, degp, b2r, batch3d, WcT, bc)


def kernel(x, edge_index, batch, W1, b1, W2, b2, Wc, bc):
    xp = jnp.pad(x, ((0, NP - N), (0, 0)))
    pad_idx = jnp.full((EP - E,), NP - 1, jnp.int32)
    src = jnp.concatenate([edge_index[0], pad_idx])
    dst = jnp.concatenate([edge_index[1], pad_idx])
    src2d = src.reshape(EP // CH, CH)
    dst2d = dst.reshape(EP // CH, CH)
    batch3d = jnp.pad(batch, (0, NP - N), constant_values=B).reshape(GRID, 1, R)
    zrows = jnp.zeros((NP, H), jnp.bfloat16)
    b1r = b1.reshape(1, H)
    b2r = b2.reshape(1, H)
    WcT = Wc.reshape(1, H)

    degp = _deg(dst)
    g1 = _tc1(degp, xp, W1)
    accp1 = _agg(g1, src2d, dst2d, zrows).reshape(2, NP, H)
    g2 = _tc2(accp1, g1, degp, b1r, W2)
    accp2 = _agg(g2, src2d, dst2d, zrows).reshape(2, NP, H)
    out2d = _tc3(accp2, g2, degp, b2r, batch3d, WcT, bc)
    return out2d.reshape(B)

# --- scband reference (transcript-rebuilt; emitter-appended) ---
"""Pipeline reference for scband-gnnclassifier-25666724561258 (READ-ONLY COPY).

The authoritative reference and input builder live on the scoring server;
editing this copy changes nothing except your own understanding.
"""

import jax, jax.numpy as jnp
import numpy as np

N = 10000
E = 320000
D = 128
H = 64
B = 64


def gcn_conv(x, edge_index, W, b):
    n = x.shape[0]
    loop = jnp.arange(n, dtype=edge_index.dtype)
    src = jnp.concatenate([edge_index[0], loop])
    dst = jnp.concatenate([edge_index[1], loop])
    deg = jnp.zeros((n,), x.dtype).at[dst].add(1.0)
    dis = jnp.where(deg > 0, 1.0 / jnp.sqrt(deg), 0.0)
    norm = dis[src] * dis[dst]
    h = x @ W
    msg = h[src] * norm[:, None]
    out = jnp.zeros((n, W.shape[1]), x.dtype).at[dst].add(msg)
    return out + b


def global_mean_pool(x, batch, num_graphs):
    s = jax.ops.segment_sum(x, batch, num_segments=num_graphs)
    cnt = jax.ops.segment_sum(jnp.ones((x.shape[0],), x.dtype), batch, num_segments=num_graphs)
    return s / jnp.clip(cnt, 1.0, None)[:, None]


def setup_inputs(seed: int = 0) -> dict:
    key = jax.random.key(seed)
    ks = jax.random.split(key, 9)
    x = jax.random.normal(ks[0], (N, D), dtype=jnp.float32)
    edge_index = jax.random.randint(ks[1], (2, E), 0, N, dtype=jnp.int32)
    batch = jnp.sort(jax.random.randint(ks[2], (N,), 0, B, dtype=jnp.int32))
    W1 = jax.random.normal(ks[3], (D, H), dtype=jnp.float32) * (1.0 / np.sqrt(D))
    b1 = jnp.zeros((H,), jnp.float32)
    W2 = jax.random.normal(ks[4], (H, H), dtype=jnp.float32) * (1.0 / np.sqrt(H))
    b2 = jnp.zeros((H,), jnp.float32)
    Wc = jax.random.normal(ks[5], (H, 1), dtype=jnp.float32) * (1.0 / np.sqrt(H))
    bc = jnp.zeros((1,), jnp.float32)
    return {"x": x, "edge_index": edge_index, "batch": batch,
            "W1": W1, "b1": b1, "W2": W2, "b2": b2, "Wc": Wc, "bc": bc}


def reference(x, edge_index, batch, W1, b1, W2, b2, Wc, bc):
    h = gcn_conv(x, edge_index, W1, b1)
    h = jax.nn.relu(h)
    h = gcn_conv(h, edge_index, W2, b2)
    h = jax.nn.relu(h)
    pooled = global_mean_pool(h, batch, B)
    out = pooled @ Wc + bc
    return jnp.squeeze(jax.nn.sigmoid(out))

if __name__ == "__main__":
    import jax
    _d = setup_inputs()
    print(jax.jit(kernel)(*tuple(_d.values())))

</pallas_src>

<mosaic_0001>
#map = affine_map<(d0, d1) -> (0, 0)>
module attributes {stable_mosaic.version = 14 : i64} {
  func.func @_agg(%arg0: i32, %arg1: i32, %arg2: memref<10240x64xbf16, #tpu.memory_space<hbm>>, %arg3: memref<2560x128xi32, #tpu.memory_space<hbm>>, %arg4: memref<2560x128xi32, #tpu.memory_space<hbm>>, %arg5: memref<10240x64xbf16, #tpu.memory_space<hbm>>, %arg6: memref<20480x64xbf16, #tpu.memory_space<hbm>>, %arg7: memref<80x128xi32, #tpu.memory_space<vmem>>, %arg8: memref<80x128xi32, #tpu.memory_space<vmem>>, %arg9: memref<128x64xbf16, #tpu.memory_space<vmem>>, %arg10: memref<128x64xbf16, #tpu.memory_space<vmem>>, %arg11: memref<128x64xbf16, #tpu.memory_space<vmem>>, %arg12: memref<128x64xbf16, #tpu.memory_space<vmem>>, %arg13: memref<128x64xbf16, #tpu.memory_space<vmem>>, %arg14: memref<128x64xbf16, #tpu.memory_space<vmem>>, %arg15: memref<128x64xbf16, #tpu.memory_space<vmem>>, %arg16: memref<128x64xbf16, #tpu.memory_space<vmem>>, %arg17: memref<!tpu.dma_semaphore, #tpu.memory_space<semaphore_mem>>, %arg18: memref<!tpu.dma_semaphore, #tpu.memory_space<semaphore_mem>>, %arg19: memref<!tpu.dma_semaphore, #tpu.memory_space<semaphore_mem>>, %arg20: memref<!tpu.dma_semaphore, #tpu.memory_space<semaphore_mem>>, %arg21: memref<!tpu.dma_semaphore, #tpu.memory_space<semaphore_mem>>, %arg22: memref<!tpu.dma_semaphore, #tpu.memory_space<semaphore_mem>>, %arg23: memref<!tpu.dma_semaphore, #tpu.memory_space<semaphore_mem>>, %arg24: memref<!tpu.dma_semaphore, #tpu.memory_space<semaphore_mem>>, %arg25: memref<!tpu.dma_semaphore, #tpu.memory_space<semaphore_mem>>, %arg26: memref<!tpu.dma_semaphore, #tpu.memory_space<semaphore_mem>>, %arg27: memref<!tpu.dma_semaphore, #tpu.memory_space<semaphore_mem>>, %arg28: memref<!tpu.dma_semaphore, #tpu.memory_space<semaphore_mem>>, %arg29: memref<!tpu.dma_semaphore, #tpu.memory_space<semaphore_mem>>, %arg30: memref<!tpu.dma_semaphore, #tpu.memory_space<semaphore_mem>>, %arg31: memref<!tpu.dma_semaphore, #tpu.memory_space<semaphore_mem>>, %arg32: memref<!tpu.dma_semaphore, #tpu.memory_space<semaphore_mem>>, %arg33: memref<10240x64xbf16, #tpu.memory_space<vmem_shared>>, %arg34: memref<10240x64xbf16, #tpu.memory_space<vmem_shared>>) attributes {dimension_semantics = [#tpu.dimension_semantics<core_parallel>, #tpu.dimension_semantics<subcore_parallel>], iteration_bounds = array<i64: 2, 16>, scalar_prefetch = 0 : i64, scratch_operands = 28 : i64, tpu.core_type = #tpu.core_type<sc_vector_subcore>, window_params = [{transform_indices = #map}, {transform_indices = #map}, {transform_indices = #map}, {transform_indices = #map}, {transform_indices = #map}]} {
    %mul3A = arith.constant 2 : i32
    %mul3A_0 = arith.muli %arg1, %mul3A : i32
    %add3A = arith.addi %mul3A_0, %arg0 : i32
    %mul3A_1 = arith.constant 640 : i32
    %mul3A_2 = arith.muli %arg1, %mul3A_1 : i32
    %mul3A_3 = arith.constant 640 : i32
    %mul3A_4 = arith.muli %arg1, %mul3A_3 : i32
    "tpu.region"() ({
      %run_scoped3A = tpu.sem_alloc : memref<!tpu.dma_semaphore, #tpu.memory_space<semaphore_mem>>
      %dma_start3A_109 = arith.constant 0 : i32
      %dma_start3A_110 = tpu.memref_slice %arg33[%mul3A_4, %dma_start3A_109] : memref<10240x64xbf16, #tpu.memory_space<vmem_shared>> -> memref<640x64xbf16, #tpu.memory_space<vmem_shared>>
      %dma_start3A_111 = arith.constant 0 : i32
      %dma_start3A_112 = tpu.memref_slice %arg5[%mul3A_2, %dma_start3A_111] : memref<10240x64xbf16, #tpu.memory_space<hbm>> -> memref<640x64xbf16, #tpu.memory_space<hbm>>
      tpu.enqueue_dma source(%dma_start3A_112 : memref<640x64xbf16, #tpu.memory_space<hbm>>) target(%dma_start3A_110 : memref<640x64xbf16, #tpu.memory_space<vmem_shared>>) target_semaphore(%run_scoped3A : memref<!tpu.dma_semaphore, #tpu.memory_space<semaphore_mem>>)
      %dma_wait3A_113 = arith.constant 0 : i32
      %dma_wait3A_114 = tpu.memref_slice %arg33[%mul3A_4, %dma_wait3A_113] : memref<10240x64xbf16, #tpu.memory_space<vmem_shared>> -> memref<640x64xbf16, #tpu.memory_space<vmem_shared>>
      %dma_wait3A_115 = arith.constant 0 : i32
      %dma_wait3A_116 = tpu.memref_slice %arg5[%mul3A_2, %dma_wait3A_115] : memref<10240x64xbf16, #tpu.memory_space<hbm>> -> memref<640x64xbf16, #tpu.memory_space<hbm>>
      tpu.wait_dma2 semaphore(%run_scoped3A : memref<!tpu.dma_semaphore, #tpu.memory_space<semaphore_mem>>) src(%dma_wait3A_116 : memref<640x64xbf16, #tpu.memory_space<hbm>>) dst(%dma_wait3A_114 : memref<640x64xbf16, #tpu.memory_space<vmem_shared>>)
      tpu.yield
    }) : () -> ()
    %mul3A_5 = arith.constant 640 : i32
    %mul3A_6 = arith.muli %arg1, %mul3A_5 : i32
    %mul3A_7 = arith.constant 640 : i32
    %mul3A_8 = arith.muli %arg1, %mul3A_7 : i32
    "tpu.region"() ({
      %run_scoped3A = tpu.sem_alloc : memref<!tpu.dma_semaphore, #tpu.memory_space<semaphore_mem>>
      %dma_start3A_109 = arith.constant 0 : i32
      %dma_start3A_110 = tpu.memref_slice %arg34[%mul3A_8, %dma_start3A_109] : memref<10240x64xbf16, #tpu.memory_space<vmem_shared>> -> memref<640x64xbf16, #tpu.memory_space<vmem_shared>>
      %dma_start3A_111 = arith.constant 0 : i32
      %dma_start3A_112 = tpu.memref_slice %arg2[%mul3A_6, %dma_start3A_111] : memref<10240x64xbf16, #tpu.memory_space<hbm>> -> memref<640x64xbf16, #tpu.memory_space<hbm>>
      tpu.enqueue_dma source(%dma_start3A_112 : memref<640x64xbf16, #tpu.memory_space<hbm>>) target(%dma_start3A_110 : memref<640x64xbf16, #tpu.memory_space<vmem_shared>>) target_semaphore(%run_scoped3A : memref<!tpu.dma_semaphore, #tpu.memory_space<semaphore_mem>>)
      %dma_wait3A_113 = arith.constant 0 : i32
      %dma_wait3A_114 = tpu.memref_slice %arg34[%mul3A_8, %dma_wait3A_113] : memref<10240x64xbf16, #tpu.memory_space<vmem_shared>> -> memref<640x64xbf16, #tpu.memory_space<vmem_shared>>
      %dma_wait3A_115 = arith.constant 0 : i32
      %dma_wait3A_116 = tpu.memref_slice %arg2[%mul3A_6, %dma_wait3A_115] : memref<10240x64xbf16, #tpu.memory_space<hbm>> -> memref<640x64xbf16, #tpu.memory_space<hbm>>
      tpu.wait_dma2 semaphore(%run_scoped3A : memref<!tpu.dma_semaphore, #tpu.memory_space<semaphore_mem>>) src(%dma_wait3A_116 : memref<640x64xbf16, #tpu.memory_space<hbm>>) dst(%dma_wait3A_114 : memref<640x64xbf16, #tpu.memory_space<vmem_shared>>)
      tpu.yield
    }) : () -> ()
    %mul3A_9 = arith.constant 80 : i32
    %mul3A_10 = arith.muli %add3A, %mul3A_9 : i32
    "tpu.region"() ({
      %run_scoped3A = tpu.sem_alloc : memref<!tpu.dma_semaphore, #tpu.memory_space<semaphore_mem>>
      %dma_start3A_109 = arith.constant 0 : i32
      %dma_start3A_110 = tpu.memref_slice %arg3[%mul3A_10, %dma_start3A_109] : memref<2560x128xi32, #tpu.memory_space<hbm>> -> memref<80x128xi32, #tpu.memory_space<hbm>>
      %dma_start3A_111 = arith.constant 0 : i32
      %dma_start3A_112 = tpu.memref_slice %arg3[%mul3A_10, %dma_start3A_111] : memref<2560x128xi32, #tpu.memory_space<hbm>> -> memref<80x128xi32, #tpu.memory_space<hbm>>
      tpu.enqueue_dma source(%dma_start3A_112 : memref<80x128xi32, #tpu.memory_space<hbm>>) target(%arg7 : memref<80x128xi32, #tpu.memory_space<vmem>>) target_semaphore(%run_scoped3A : memref<!tpu.dma_semaphore, #tpu.memory_space<semaphore_mem>>)
      %dma_wait3A_113 = arith.constant 0 : i32
      %dma_wait3A_114 = tpu.memref_slice %arg3[%mul3A_10, %dma_wait3A_113] : memref<2560x128xi32, #tpu.memory_space<hbm>> -> memref<80x128xi32, #tpu.memory_space<hbm>>
      %dma_wait3A_115 = arith.constant 0 : i32
      %dma_wait3A_116 = tpu.memref_slice %arg3[%mul3A_10, %dma_wait3A_115] : memref<2560x128xi32, #tpu.memory_space<hbm>> -> memref<80x128xi32, #tpu.memory_space<hbm>>
      tpu.wait_dma2 semaphore(%run_scoped3A : memref<!tpu.dma_semaphore, #tpu.memory_space<semaphore_mem>>) src(%dma_wait3A_116 : memref<80x128xi32, #tpu.memory_space<hbm>>) dst(%arg7 : memref<80x128xi32, #tpu.memory_space<vmem>>)
      tpu.yield
    }) : () -> ()
    %mul3A_11 = arith.constant 80 : i32
    %mul3A_12 = arith.muli %add3A, %mul3A_11 : i32
    "tpu.region"() ({
      %run_scoped3A = tpu.sem_alloc : memref<!tpu.dma_semaphore, #tpu.memory_space<semaphore_mem>>
      %dma_start3A_109 = arith.constant 0 : i32
      %dma_start3A_110 = tpu.memref_slice %arg4[%mul3A_12, %dma_start3A_109] : memref<2560x128xi32, #tpu.memory_space<hbm>> -> memref<80x128xi32, #tpu.memory_space<hbm>>
      %dma_start3A_111 = arith.constant 0 : i32
      %dma_start3A_112 = tpu.memref_slice %arg4[%mul3A_12, %dma_start3A_111] : memref<2560x128xi32, #tpu.memory_space<hbm>> -> memref<80x128xi32, #tpu.memory_space<hbm>>
      tpu.enqueue_dma source(%dma_start3A_112 : memref<80x128xi32, #tpu.memory_space<hbm>>) target(%arg8 : memref<80x128xi32, #tpu.memory_space<vmem>>) target_semaphore(%run_scoped3A : memref<!tpu.dma_semaphore, #tpu.memory_space<semaphore_mem>>)
      %dma_wait3A_113 = arith.constant 0 : i32
      %dma_wait3A_114 = tpu.memref_slice %arg4[%mul3A_12, %dma_wait3A_113] : memref<2560x128xi32, #tpu.memory_space<hbm>> -> memref<80x128xi32, #tpu.memory_space<hbm>>
      %dma_wait3A_115 = arith.constant 0 : i32
      %dma_wait3A_116 = tpu.memref_slice %arg4[%mul3A_12, %dma_wait3A_115] : memref<2560x128xi32, #tpu.memory_space<hbm>> -> memref<80x128xi32, #tpu.memory_space<hbm>>
      tpu.wait_dma2 semaphore(%run_scoped3A : memref<!tpu.dma_semaphore, #tpu.memory_space<semaphore_mem>>) src(%dma_wait3A_116 : memref<80x128xi32, #tpu.memory_space<hbm>>) dst(%arg8 : memref<80x128xi32, #tpu.memory_space<vmem>>)
      tpu.yield
    }) : () -> ()
    %barrier3A = arith.constant 0 : index
    tpu.barrier barrier_id(%barrier3A)
    %dma_start3A = arith.constant 0 : i32
    %dma_start3A_13 = arith.constant 0 : i32
    %dma_start3A_14 = tpu.memref_slice %arg7[%dma_start3A, %dma_start3A_13] : memref<80x128xi32, #tpu.memory_space<vmem>> -> memref<1x128xi32, #tpu.memory_space<vmem>>
    %dma_start3A_15 = tpu.memref_squeeze %dma_start3A_14 : memref<1x128xi32, #tpu.memory_space<vmem>> -> memref<128xi32, #tpu.memory_space<vmem>>
    %dma_start3A_16 = arith.constant 0 : i32
    %dma_start3A_17 = arith.constant 0 : i32
    %dma_start3A_18 = tpu.memref_slice %arg34[%dma_start3A_16, %dma_start3A_17] : memref<10240x64xbf16, #tpu.memory_space<vmem_shared>> -> memref<10240x64xbf16, #tpu.memory_space<vmem_shared>>
    tpu.enqueue_indirect_dma source(%dma_start3A_18 : memref<10240x64xbf16, #tpu.memory_space<vmem_shared>>) target(%arg9 : memref<128x64xbf16, #tpu.memory_space<vmem>>) offsets(%dma_start3A_15 : memref<128xi32, #tpu.memory_space<vmem>>) semaphore(%arg17 : memref<!tpu.dma_semaphore, #tpu.memory_space<semaphore_mem>>)
    %dma_start3A_19 = arith.constant 1 : i32
    %dma_start3A_20 = arith.constant 0 : i32
    %dma_start3A_21 = tpu.memref_slice %arg7[%dma_start3A_19, %dma_start3A_20] : memref<80x128xi32, #tpu.memory_space<vmem>> -> memref<1x128xi32, #tpu.memory_space<vmem>>
    %dma_start3A_22 = tpu.memref_squeeze %dma_start3A_21 : memref<1x128xi32, #tpu.memory_space<vmem>> -> memref<128xi32, #tpu.memory_space<vmem>>
    %dma_start3A_23 = arith.constant 0 : i32
    %dma_start3A_24 = arith.constant 0 : i32
    %dma_start3A_25 = tpu.memref_slice %arg34[%dma_start3A_23, %dma_start3A_24] : memref<10240x64xbf16, #tpu.memory_space<vmem_shared>> -> memref<10240x64xbf16, #tpu.memory_space<vmem_shared>>
    tpu.enqueue_indirect_dma source(%dma_start3A_25 : memref<10240x64xbf16, #tpu.memory_space<vmem_shared>>) target(%arg10 : memref<128x64xbf16, #tpu.memory_space<vmem>>) offsets(%dma_start3A_22 : memref<128xi32, #tpu.memory_space<vmem>>) semaphore(%arg18 : memref<!tpu.dma_semaphore, #tpu.memory_space<semaphore_mem>>)
    %dma_start3A_26 = arith.constant 2 : i32
    %dma_start3A_27 = arith.constant 0 : i32
    %dma_start3A_28 = tpu.memref_slice %arg7[%dma_start3A_26, %dma_start3A_27] : memref<80x128xi32, #tpu.memory_space<vmem>> -> memref<1x128xi32, #tpu.memory_space<vmem>>
    %dma_start3A_29 = tpu.memref_squeeze %dma_start3A_28 : memref<1x128xi32, #tpu.memory_space<vmem>> -> memref<128xi32, #tpu.memory_space<vmem>>
    %dma_start3A_30 = arith.constant 0 : i32
    %dma_start3A_31 = arith.constant 0 : i32
    %dma_start3A_32 = tpu.memref_slice %arg34[%dma_start3A_30, %dma_start3A_31] : memref<10240x64xbf16, #tpu.memory_space<vmem_shared>> -> memref<10240x64xbf16, #tpu.memory_space<vmem_shared>>
    tpu.enqueue_indirect_dma source(%dma_start3A_32 : memref<10240x64xbf16, #tpu.memory_space<vmem_shared>>) target(%arg11 : memref<128x64xbf16, #tpu.memory_space<vmem>>) offsets(%dma_start3A_29 : memref<128xi32, #tpu.memory_space<vmem>>) semaphore(%arg19 : memref<!tpu.dma_semaphore, #tpu.memory_space<semaphore_mem>>)
    %dma_start3A_33 = arith.constant 3 : i32
    %dma_start3A_34 = arith.constant 0 : i32
    %dma_start3A_35 = tpu.memref_slice %arg7[%dma_start3A_33, %dma_start3A_34] : memref<80x128xi32, #tpu.memory_space<vmem>> -> memref<1x128xi32, #tpu.memory_space<vmem>>
    %dma_start3A_36 = tpu.memref_squeeze %dma_start3A_35 : memref<1x128xi32, #tpu.memory_space<vmem>> -> memref<128xi32, #tpu.memory_space<vmem>>
    %dma_start3A_37 = arith.constant 0 : i32
    %dma_start3A_38 = arith.constant 0 : i32
    %dma_start3A_39 = tpu.memref_slice %arg34[%dma_start3A_37, %dma_start3A_38] : memref<10240x64xbf16, #tpu.memory_space<vmem_shared>> -> memref<10240x64xbf16, #tpu.memory_space<vmem_shared>>
    tpu.enqueue_indirect_dma source(%dma_start3A_39 : memref<10240x64xbf16, #tpu.memory_space<vmem_shared>>) target(%arg12 : memref<128x64xbf16, #tpu.memory_space<vmem>>) offsets(%dma_start3A_36 : memref<128xi32, #tpu.memory_space<vmem>>) semaphore(%arg20 : memref<!tpu.dma_semaphore, #tpu.memory_space<semaphore_mem>>)
    %scan3A = arith.constant 0 : i32
    %scan3A_40 = arith.constant 0 : i32
    %scan3A_41 = arith.constant 10 : i32
    %scan3A_42 = arith.addi %scan3A_40, %scan3A_41 : i32
    %scan3A_43 = arith.constant 1 : i32
    %scan3A_44 = scf.for %scan3A_109 = %scan3A_40 to %scan3A_42 step %scan3A_43 iter_args(%scan3A_110 = %scan3A) -> (i32)  : i32 {
      %mul3A_111 = arith.constant 8 : i32
      %mul3A_112 = arith.muli %scan3A_109, %mul3A_111 : i32
      %add3A_113 = arith.constant 0 : i32
      %add3A_114 = arith.addi %mul3A_112, %add3A_113 : i32
      %dma_wait3A_115 = arith.constant 0 : i32
      %dma_wait3A_116 = arith.constant 0 : i32
      %dma_wait3A_117 = tpu.memref_slice %arg7[%dma_wait3A_115, %dma_wait3A_116] : memref<80x128xi32, #tpu.memory_space<vmem>> -> memref<1x128xi32, #tpu.memory_space<vmem>>
      %dma_wait3A_118 = tpu.memref_squeeze %dma_wait3A_117 : memref<1x128xi32, #tpu.memory_space<vmem>> -> memref<128xi32, #tpu.memory_space<vmem>>
      %dma_wait3A_119 = arith.constant 0 : i32
      %dma_wait3A_120 = arith.constant 0 : i32
      %dma_wait3A_121 = tpu.memref_slice %arg34[%dma_wait3A_119, %dma_wait3A_120] : memref<10240x64xbf16, #tpu.memory_space<vmem_shared>> -> memref<10240x64xbf16, #tpu.memory_space<vmem_shared>>
      tpu.wait_indirect_dma semaphore(%arg17 : memref<!tpu.dma_semaphore, #tpu.memory_space<semaphore_mem>>) src(%dma_wait3A_121 : memref<10240x64xbf16, #tpu.memory_space<vmem_shared>>) dst(%arg9 : memref<128x64xbf16, #tpu.memory_space<vmem>>)
      %dma_start3A_122 = arith.constant 0 : i32
      %dma_start3A_123 = tpu.memref_slice %arg8[%add3A_114, %dma_start3A_122] : memref<80x128xi32, #tpu.memory_space<vmem>> -> memref<1x128xi32, #tpu.memory_space<vmem>>
      %dma_start3A_124 = tpu.memref_squeeze %dma_start3A_123 : memref<1x128xi32, #tpu.memory_space<vmem>> -> memref<128xi32, #tpu.memory_space<vmem>>
      %dma_start3A_125 = arith.constant 0 : i32
      %dma_start3A_126 = arith.constant 0 : i32
      %dma_start3A_127 = tpu.memref_slice %arg33[%dma_start3A_125, %dma_start3A_126] : memref<10240x64xbf16, #tpu.memory_space<vmem_shared>> -> memref<10240x64xbf16, #tpu.memory_space<vmem_shared>>
      tpu.enqueue_indirect_dma source(%arg9 : memref<128x64xbf16, #tpu.memory_space<vmem>>) target(%dma_start3A_127 : memref<10240x64xbf16, #tpu.memory_space<vmem_shared>>) offsets(%dma_start3A_124 : memref<128xi32, #tpu.memory_space<vmem>>) semaphore(%arg25 : memref<!tpu.dma_semaphore, #tpu.memory_space<semaphore_mem>>) {add = true}
      %add3A_128 = arith.constant 4 : i32
      %add3A_129 = arith.addi %add3A_114, %add3A_128 : i32
      %lt3A = arith.constant 80 : i32
      %lt3A_130 = arith.cmpi slt, %add3A_129, %lt3A : i32
      %convert_element_type3A = arith.extui %lt3A_130 : i1 to i32
      %cond3A = arith.constant 0 : i32
      %cond3A_131 = arith.cmpi ne, %convert_element_type3A, %cond3A : i32
      scf.if %cond3A_131 {
        %ge3A = arith.constant 8 : i32
        %ge3A_301 = arith.cmpi sge, %add3A_129, %ge3A : i32
        %convert_element_type3A_302 = arith.extui %ge3A_301 : i1 to i32
        %cond3A_303 = arith.constant 0 : i32
        %cond3A_304 = arith.cmpi ne, %convert_element_type3A_302, %cond3A_303 : i32
        scf.if %cond3A_304 {
          %dma_wait3A_311 = arith.constant 0 : i32
          %dma_wait3A_312 = arith.constant 0 : i32
          %dma_wait3A_313 = tpu.memref_slice %arg8[%dma_wait3A_311, %dma_wait3A_312] : memref<80x128xi32, #tpu.memory_space<vmem>> -> memref<1x128xi32, #tpu.memory_space<vmem>>
          %dma_wait3A_314 = tpu.memref_squeeze %dma_wait3A_313 : memref<1x128xi32, #tpu.memory_space<vmem>> -> memref<128xi32, #tpu.memory_space<vmem>>
          %dma_wait3A_315 = arith.constant 0 : i32
          %dma_wait3A_316 = arith.constant 0 : i32
          %dma_wait3A_317 = tpu.memref_slice %arg33[%dma_wait3A_315, %dma_wait3A_316] : memref<10240x64xbf16, #tpu.memory_space<vmem_shared>> -> memref<10240x64xbf16, #tpu.memory_space<vmem_shared>>
          tpu.wait_indirect_dma semaphore(%arg29 : memref<!tpu.dma_semaphore, #tpu.memory_space<semaphore_mem>>) src(%arg13 : memref<128x64xbf16, #tpu.memory_space<vmem>>) dst(%dma_wait3A_317 : memref<10240x64xbf16, #tpu.memory_space<vmem_shared>>)
        } else {
        }
        %dma_start3A_305 = arith.constant 0 : i32
        %dma_start3A_306 = tpu.memref_slice %arg7[%add3A_129, %dma_start3A_305] : memref<80x128xi32, #tpu.memory_space<vmem>> -> memref<1x128xi32, #tpu.memory_space<vmem>>
        %dma_start3A_307 = tpu.memref_squeeze %dma_start3A_306 : memref<1x128xi32, #tpu.memory_space<vmem>> -> memref<128xi32, #tpu.memory_space<vmem>>
        %dma_start3A_308 = arith.constant 0 : i32
        %dma_start3A_309 = arith.constant 0 : i32
        %dma_start3A_310 = tpu.memref_slice %arg34[%dma_start3A_308, %dma_start3A_309] : memref<10240x64xbf16, #tpu.memory_space<vmem_shared>> -> memref<10240x64xbf16, #tpu.memory_space<vmem_shared>>
        tpu.enqueue_indirect_dma source(%dma_start3A_310 : memref<10240x64xbf16, #tpu.memory_space<vmem_shared>>) target(%arg13 : memref<128x64xbf16, #tpu.memory_space<vmem>>) offsets(%dma_start3A_307 : memref<128xi32, #tpu.memory_space<vmem>>) semaphore(%arg21 : memref<!tpu.dma_semaphore, #tpu.memory_space<semaphore_mem>>)
      } else {
      }
      %mul3A_132 = arith.constant 8 : i32
      %mul3A_133 = arith.muli %scan3A_109, %mul3A_132 : i32
      %add3A_134 = arith.constant 1 : i32
      %add3A_135 = arith.addi %mul3A_133, %add3A_134 : i32
      %dma_wait3A_136 = arith.constant 0 : i32
      %dma_wait3A_137 = arith.constant 0 : i32
      %dma_wait3A_138 = tpu.memref_slice %arg7[%dma_wait3A_136, %dma_wait3A_137] : memref<80x128xi32, #tpu.memory_space<vmem>> -> memref<1x128xi32, #tpu.memory_space<vmem>>
      %dma_wait3A_139 = tpu.memref_squeeze %dma_wait3A_138 : memref<1x128xi32, #tpu.memory_space<vmem>> -> memref<128xi32, #tpu.memory_space<vmem>>
      %dma_wait3A_140 = arith.constant 0 : i32
      %dma_wait3A_141 = arith.constant 0 : i32
      %dma_wait3A_142 = tpu.memref_slice %arg34[%dma_wait3A_140, %dma_wait3A_141] : memref<10240x64xbf16, #tpu.memory_space<vmem_shared>> -> memref<10240x64xbf16, #tpu.memory_space<vmem_shared>>
      tpu.wait_indirect_dma semaphore(%arg18 : memref<!tpu.dma_semaphore, #tpu.memory_space<semaphore_mem>>) src(%dma_wait3A_142 : memref<10240x64xbf16, #tpu.memory_space<vmem_shared>>) dst(%arg10 : memref<128x64xbf16, #tpu.memory_space<vmem>>)
      %dma_start3A_143 = arith.constant 0 : i32
      %dma_start3A_144 = tpu.memref_slice %arg8[%add3A_135, %dma_start3A_143] : memref<80x128xi32, #tpu.memory_space<vmem>> -> memref<1x128xi32, #tpu.memory_space<vmem>>
      %dma_start3A_145 = tpu.memref_squeeze %dma_start3A_144 : memref<1x128xi32, #tpu.memory_space<vmem>> -> memref<128xi32, #tpu.memory_space<vmem>>
      %dma_start3A_146 = arith.constant 0 : i32
      %dma_start3A_147 = arith.constant 0 : i32
      %dma_start3A_148 = tpu.memref_slice %arg33[%dma_start3A_146, %dma_start3A_147] : memref<10240x64xbf16, #tpu.memory_space<vmem_shared>> -> memref<10240x64xbf16, #tpu.memory_space<vmem_shared>>
      tpu.enqueue_indirect_dma source(%arg10 : memref<128x64xbf16, #tpu.memory_space<vmem>>) target(%dma_start3A_148 : memref<10240x64xbf16, #tpu.memory_space<vmem_shared>>) offsets(%dma_start3A_145 : memref<128xi32, #tpu.memory_space<vmem>>) semaphore(%arg26 : memref<!tpu.dma_semaphore, #tpu.memory_space<semaphore_mem>>) {add = true}
      %add3A_149 = arith.constant 4 : i32
      %add3A_150 = arith.addi %add3A_135, %add3A_149 : i32
      %lt3A_151 = arith.constant 80 : i32
      %lt3A_152 = arith.cmpi slt, %add3A_150, %lt3A_151 : i32
      %convert_element_type3A_153 = arith.extui %lt3A_152 : i1 to i32
      %cond3A_154 = arith.constant 0 : i32
      %cond3A_155 = arith.cmpi ne, %convert_element_type3A_153, %cond3A_154 : i32
      scf.if %cond3A_155 {
        %ge3A = arith.constant 8 : i32
        %ge3A_301 = arith.cmpi sge, %add3A_150, %ge3A : i32
        %convert_element_type3A_302 = arith.extui %ge3A_301 : i1 to i32
        %cond3A_303 = arith.constant 0 : i32
        %cond3A_304 = arith.cmpi ne, %convert_element_type3A_302, %cond3A_303 : i32
        scf.if %cond3A_304 {
          %dma_wait3A_311 = arith.constant 0 : i32
          %dma_wait3A_312 = arith.constant 0 : i32
          %dma_wait3A_313 = tpu.memref_slice %arg8[%dma_wait3A_311, %dma_wait3A_312] : memref<80x128xi32, #tpu.memory_space<vmem>> -> memref<1x128xi32, #tpu.memory_space<vmem>>
          %dma_wait3A_314 = tpu.memref_squeeze %dma_wait3A_313 : memref<1x128xi32, #tpu.memory_space<vmem>> -> memref<128xi32, #tpu.memory_space<vmem>>
          %dma_wait3A_315 = arith.constant 0 : i32
          %dma_wait3A_316 = arith.constant 0 : i32
          %dma_wait3A_317 = tpu.memref_slice %arg33[%dma_wait3A_315, %dma_wait3A_316] : memref<10240x64xbf16, #tpu.memory_space<vmem_shared>> -> memref<10240x64xbf16, #tpu.memory_space<vmem_shared>>
          tpu.wait_indirect_dma semaphore(%arg30 : memref<!tpu.dma_semaphore, #tpu.memory_space<semaphore_mem>>) src(%arg14 : memref<128x64xbf16, #tpu.memory_space<vmem>>) dst(%dma_wait3A_317 : memref<10240x64xbf16, #tpu.memory_space<vmem_shared>>)
        } else {
        }
        %dma_start3A_305 = arith.constant 0 : i32
        %dma_start3A_306 = tpu.memref_slice %arg7[%add3A_150, %dma_start3A_305] : memref<80x128xi32, #tpu.memory_space<vmem>> -> memref<1x128xi32, #tpu.memory_space<vmem>>
        %dma_start3A_307 = tpu.memref_squeeze %dma_start3A_306 : memref<1x128xi32, #tpu.memory_space<vmem>> -> memref<128xi32, #tpu.memory_space<vmem>>
        %dma_start3A_308 = arith.constant 0 : i32
        %dma_start3A_309 = arith.constant 0 : i32
        %dma_start3A_310 = tpu.memref_slice %arg34[%dma_start3A_308, %dma_start3A_309] : memref<10240x64xbf16, #tpu.memory_space<vmem_shared>> -> memref<10240x64xbf16, #tpu.memory_space<vmem_shared>>
        tpu.enqueue_indirect_dma source(%dma_start3A_310 : memref<10240x64xbf16, #tpu.memory_space<vmem_shared>>) target(%arg14 : memref<128x64xbf16, #tpu.memory_space<vmem>>) offsets(%dma_start3A_307 : memref<128xi32, #tpu.memory_space<vmem>>) semaphore(%arg22 : memref<!tpu.dma_semaphore, #tpu.memory_space<semaphore_mem>>)
      } else {
      }
      %mul3A_156 = arith.constant 8 : i32
      %mul3A_157 = arith.muli %scan3A_109, %mul3A_156 : i32
      %add3A_158 = arith.constant 2 : i32
      %add3A_159 = arith.addi %mul3A_157, %add3A_158 : i32
      %dma_wait3A_160 = arith.constant 0 : i32
      %dma_wait3A_161 = arith.constant 0 : i32
      %dma_wait3A_162 = tpu.memref_slice %arg7[%dma_wait3A_160, %dma_wait3A_161] : memref<80x128xi32, #tpu.memory_space<vmem>> -> memref<1x128xi32, #tpu.memory_space<vmem>>
      %dma_wait3A_163 = tpu.memref_squeeze %dma_wait3A_162 : memref<1x128xi32, #tpu.memory_space<vmem>> -> memref<128xi32, #tpu.memory_space<vmem>>
      %dma_wait3A_164 = arith.constant 0 : i32
      %dma_wait3A_165 = arith.constant 0 : i32
      %dma_wait3A_166 = tpu.memref_slice %arg34[%dma_wait3A_164, %dma_wait3A_165] : memref<10240x64xbf16, #tpu.memory_space<vmem_shared>> -> memref<10240x64xbf16, #tpu.memory_space<vmem_shared>>
      tpu.wait_indirect_dma semaphore(%arg19 : memref<!tpu.dma_semaphore, #tpu.memory_space<semaphore_mem>>) src(%dma_wait3A_166 : memref<10240x64xbf16, #tpu.memory_space<vmem_shared>>) dst(%arg11 : memref<128x64xbf16, #tpu.memory_space<vmem>>)
      %dma_start3A_167 = arith.constant 0 : i32
      %dma_start3A_168 = tpu.memref_slice %arg8[%add3A_159, %dma_start3A_167] : memref<80x128xi32, #tpu.memory_space<vmem>> -> memref<1x128xi32, #tpu.memory_space<vmem>>
      %dma_start3A_169 = tpu.memref_squeeze %dma_start3A_168 : memref<1x128xi32, #tpu.memory_space<vmem>> -> memref<128xi32, #tpu.memory_space<vmem>>
      %dma_start3A_170 = arith.constant 0 : i32
      %dma_start3A_171 = arith.constant 0 : i32
      %dma_start3A_172 = tpu.memref_slice %arg33[%dma_start3A_170, %dma_start3A_171] : memref<10240x64xbf16, #tpu.memory_space<vmem_shared>> -> memref<10240x64xbf16, #tpu.memory_space<vmem_shared>>
      tpu.enqueue_indirect_dma source(%arg11 : memref<128x64xbf16, #tpu.memory_space<vmem>>) target(%dma_start3A_172 : memref<10240x64xbf16, #tpu.memory_space<vmem_shared>>) offsets(%dma_start3A_169 : memref<128xi32, #tpu.memory_space<vmem>>) semaphore(%arg27 : memref<!tpu.dma_semaphore, #tpu.memory_space<semaphore_mem>>) {add = true}
      %add3A_173 = arith.constant 4 : i32
      %add3A_174 = arith.addi %add3A_159, %add3A_173 : i32
      %lt3A_175 = arith.constant 80 : i32
      %lt3A_176 = arith.cmpi slt, %add3A_174, %lt3A_175 : i32
      %convert_element_type3A_177 = arith.extui %lt3A_176 : i1 to i32
      %cond3A_178 = arith.constant 0 : i32
      %cond3A_179 = arith.cmpi ne, %convert_element_type3A_177, %cond3A_178 : i32
      scf.if %cond3A_179 {
        %ge3A = arith.constant 8 : i32
        %ge3A_301 = arith.cmpi sge, %add3A_174, %ge3A : i32
        %convert_element_type3A_302 = arith.extui %ge3A_301 : i1 to i32
        %cond3A_303 = arith.constant 0 : i32
        %cond3A_304 = arith.cmpi ne, %convert_element_type3A_302, %cond3A_303 : i32
        scf.if %cond3A_304 {
          %dma_wait3A_311 = arith.constant 0 : i32
          %dma_wait3A_312 = arith.constant 0 : i32
          %dma_wait3A_313 = tpu.memref_slice %arg8[%dma_wait3A_311, %dma_wait3A_312] : memref<80x128xi32, #tpu.memory_space<vmem>> -> memref<1x128xi32, #tpu.memory_space<vmem>>
          %dma_wait3A_314 = tpu.memref_squeeze %dma_wait3A_313 : memref<1x128xi32, #tpu.memory_space<vmem>> -> memref<128xi32, #tpu.memory_space<vmem>>
          %dma_wait3A_315 = arith.constant 0 : i32
          %dma_wait3A_316 = arith.constant 0 : i32
          %dma_wait3A_317 = tpu.memref_slice %arg33[%dma_wait3A_315, %dma_wait3A_316] : memref<10240x64xbf16, #tpu.memory_space<vmem_shared>> -> memref<10240x64xbf16, #tpu.memory_space<vmem_shared>>
          tpu.wait_indirect_dma semaphore(%arg31 : memref<!tpu.dma_semaphore, #tpu.memory_space<semaphore_mem>>) src(%arg15 : memref<128x64xbf16, #tpu.memory_space<vmem>>) dst(%dma_wait3A_317 : memref<10240x64xbf16, #tpu.memory_space<vmem_shared>>)
        } else {
        }
        %dma_start3A_305 = arith.constant 0 : i32
        %dma_start3A_306 = tpu.memref_slice %arg7[%add3A_174, %dma_start3A_305] : memref<80x128xi32, #tpu.memory_space<vmem>> -> memref<1x128xi32, #tpu.memory_space<vmem>>
        %dma_start3A_307 = tpu.memref_squeeze %dma_start3A_306 : memref<1x128xi32, #tpu.memory_space<vmem>> -> memref<128xi32, #tpu.memory_space<vmem>>
        %dma_start3A_308 = arith.constant 0 : i32
        %dma_start3A_309 = arith.constant 0 : i32
        %dma_start3A_310 = tpu.memref_slice %arg34[%dma_start3A_308, %dma_start3A_309] : memref<10240x64xbf16, #tpu.memory_space<vmem_shared>> -> memref<10240x64xbf16, #tpu.memory_space<vmem_shared>>
        tpu.enqueue_indirect_dma source(%dma_start3A_310 : memref<10240x64xbf16, #tpu.memory_space<vmem_shared>>) target(%arg15 : memref<128x64xbf16, #tpu.memory_space<vmem>>) offsets(%dma_start3A_307 : memref<128xi32, #tpu.memory_space<vmem>>) semaphore(%arg23 : memref<!tpu.dma_semaphore, #tpu.memory_space<semaphore_mem>>)
      } else {
      }
      %mul3A_180 = arith.constant 8 : i32
      %mul3A_181 = arith.muli %scan3A_109, %mul3A_180 : i32
      %add3A_182 = arith.constant 3 : i32
      %add3A_183 = arith.addi %mul3A_181, %add3A_182 : i32
      %dma_wait3A_184 = arith.constant 0 : i32
      %dma_wait3A_185 = arith.constant 0 : i32
      %dma_wait3A_186 = tpu.memref_slice %arg7[%dma_wait3A_184, %dma_wait3A_185] : memref<80x128xi32, #tpu.memory_space<vmem>> -> memref<1x128xi32, #tpu.memory_space<vmem>>
      %dma_wait3A_187 = tpu.memref_squeeze %dma_wait3A_186 : memref<1x128xi32, #tpu.memory_space<vmem>> -> memref<128xi32, #tpu.memory_space<vmem>>
      %dma_wait3A_188 = arith.constant 0 : i32
      %dma_wait3A_189 = arith.constant 0 : i32
      %dma_wait3A_190 = tpu.memref_slice %arg34[%dma_wait3A_188, %dma_wait3A_189] : memref<10240x64xbf16, #tpu.memory_space<vmem_shared>> -> memref<10240x64xbf16, #tpu.memory_space<vmem_shared>>
      tpu.wait_indirect_dma semaphore(%arg20 : memref<!tpu.dma_semaphore, #tpu.memory_space<semaphore_mem>>) src(%dma_wait3A_190 : memref<10240x64xbf16, #tpu.memory_space<vmem_shared>>) dst(%arg12 : memref<128x64xbf16, #tpu.memory_space<vmem>>)
      %dma_start3A_191 = arith.constant 0 : i32
      %dma_start3A_192 = tpu.memref_slice %arg8[%add3A_183, %dma_start3A_191] : memref<80x128xi32, #tpu.memory_space<vmem>> -> memref<1x128xi32, #tpu.memory_space<vmem>>
      %dma_start3A_193 = tpu.memref_squeeze %dma_start3A_192 : memref<1x128xi32, #tpu.memory_space<vmem>> -> memref<128xi32, #tpu.memory_space<vmem>>
      %dma_start3A_194 = arith.constant 0 : i32
      %dma_start3A_195 = arith.constant 0 : i32
      %dma_start3A_196 = tpu.memref_slice %arg33[%dma_start3A_194, %dma_start3A_195] : memref<10240x64xbf16, #tpu.memory_space<vmem_shared>> -> memref<10240x64xbf16, #tpu.memory_space<vmem_shared>>
      tpu.enqueue_indirect_dma source(%arg12 : memref<128x64xbf16, #tpu.memory_space<vmem>>) target(%dma_start3A_196 : memref<10240x64xbf16, #tpu.memory_space<vmem_shared>>) offsets(%dma_start3A_193 : memref<128xi32, #tpu.memory_space<vmem>>) semaphore(%arg28 : memref<!tpu.dma_semaphore, #tpu.memory_space<semaphore_mem>>) {add = true}
      %add3A_197 = arith.constant 4 : i32
      %add3A_198 = arith.addi %add3A_183, %add3A_197 : i32
      %lt3A_199 = arith.constant 80 : i32
      %lt3A_200 = arith.cmpi slt, %add3A_198, %lt3A_199 : i32
      %convert_element_type3A_201 = arith.extui %lt3A_200 : i1 to i32
      %cond3A_202 = arith.constant 0 : i32
      %cond3A_203 = arith.cmpi ne, %convert_element_type3A_201, %cond3A_202 : i32
      scf.if %cond3A_203 {
        %ge3A = arith.constant 8 : i32
        %ge3A_301 = arith.cmpi sge, %add3A_198, %ge3A : i32
        %convert_element_type3A_302 = arith.extui %ge3A_301 : i1 to i32
        %cond3A_303 = arith.constant 0 : i32
        %cond3A_304 = arith.cmpi ne, %convert_element_type3A_302, %cond3A_303 : i32
        scf.if %cond3A_304 {
          %dma_wait3A_311 = arith.constant 0 : i32
          %dma_wait3A_312 = arith.constant 0 : i32
          %dma_wait3A_313 = tpu.memref_slice %arg8[%dma_wait3A_311, %dma_wait3A_312] : memref<80x128xi32, #tpu.memory_space<vmem>> -> memref<1x128xi32, #tpu.memory_space<vmem>>
          %dma_wait3A_314 = tpu.memref_squeeze %dma_wait3A_313 : memref<1x128xi32, #tpu.memory_space<vmem>> -> memref<128xi32, #tpu.memory_space<vmem>>
          %dma_wait3A_315 = arith.constant 0 : i32
          %dma_wait3A_316 = arith.constant 0 : i32
          %dma_wait3A_317 = tpu.memref_slice %arg33[%dma_wait3A_315, %dma_wait3A_316] : memref<10240x64xbf16, #tpu.memory_space<vmem_shared>> -> memref<10240x64xbf16, #tpu.memory_space<vmem_shared>>
          tpu.wait_indirect_dma semaphore(%arg32 : memref<!tpu.dma_semaphore, #tpu.memory_space<semaphore_mem>>) src(%arg16 : memref<128x64xbf16, #tpu.memory_space<vmem>>) dst(%dma_wait3A_317 : memref<10240x64xbf16, #tpu.memory_space<vmem_shared>>)
        } else {
        }
        %dma_start3A_305 = arith.constant 0 : i32
        %dma_start3A_306 = tpu.memref_slice %arg7[%add3A_198, %dma_start3A_305] : memref<80x128xi32, #tpu.memory_space<vmem>> -> memref<1x128xi32, #tpu.memory_space<vmem>>
        %dma_start3A_307 = tpu.memref_squeeze %dma_start3A_306 : memref<1x128xi32, #tpu.memory_space<vmem>> -> memref<128xi32, #tpu.memory_space<vmem>>
        %dma_start3A_308 = arith.constant 0 : i32
        %dma_start3A_309 = arith.constant 0 : i32
        %dma_start3A_310 = tpu.memref_slice %arg34[%dma_start3A_308, %dma_start3A_309] : memref<10240x64xbf16, #tpu.memory_space<vmem_shared>> -> memref<10240x64xbf16, #tpu.memory_space<vmem_shared>>
        tpu.enqueue_indirect_dma source(%dma_start3A_310 : memref<10240x64xbf16, #tpu.memory_space<vmem_shared>>) target(%arg16 : memref<128x64xbf16, #tpu.memory_space<vmem>>) offsets(%dma_start3A_307 : memref<128xi32, #tpu.memory_space<vmem>>) semaphore(%arg24 : memref<!tpu.dma_semaphore, #tpu.memory_space<semaphore_mem>>)
      } else {
      }
      %mul3A_204 = arith.constant 8 : i32
      %mul3A_205 = arith.muli %scan3A_109, %mul3A_204 : i32
      %add3A_206 = arith.constant 4 : i32
      %add3A_207 = arith.addi %mul3A_205, %add3A_206 : i32
      %dma_wait3A_208 = arith.constant 0 : i32
      %dma_wait3A_209 = arith.constant 0 : i32
      %dma_wait3A_210 = tpu.memref_slice %arg7[%dma_wait3A_208, %dma_wait3A_209] : memref<80x128xi32, #tpu.memory_space<vmem>> -> memref<1x128xi32, #tpu.memory_space<vmem>>
      %dma_wait3A_211 = tpu.memref_squeeze %dma_wait3A_210 : memref<1x128xi32, #tpu.memory_space<vmem>> -> memref<128xi32, #tpu.memory_space<vmem>>
      %dma_wait3A_212 = arith.constant 0 : i32
      %dma_wait3A_213 = arith.constant 0 : i32
      %dma_wait3A_214 = tpu.memref_slice %arg34[%dma_wait3A_212, %dma_wait3A_213] : memref<10240x64xbf16, #tpu.memory_space<vmem_shared>> -> memref<10240x64xbf16, #tpu.memory_space<vmem_shared>>
      tpu.wait_indirect_dma semaphore(%arg21 : memref<!tpu.dma_semaphore, #tpu.memory_space<semaphore_mem>>) src(%dma_wait3A_214 : memref<10240x64xbf16, #tpu.memory_space<vmem_shared>>) dst(%arg13 : memref<128x64xbf16, #tpu.memory_space<vmem>>)
      %dma_start3A_215 = arith.constant 0 : i32
      %dma_start3A_216 = tpu.memref_slice %arg8[%add3A_207, %dma_start3A_215] : memref<80x128xi32, #tpu.memory_space<vmem>> -> memref<1x128xi32, #tpu.memory_space<vmem>>
      %dma_start3A_217 = tpu.memref_squeeze %dma_start3A_216 : memref<1x128xi32, #tpu.memory_space<vmem>> -> memref<128xi32, #tpu.memory_space<vmem>>
      %dma_start3A_218 = arith.constant 0 : i32
      %dma_start3A_219 = arith.constant 0 : i32
      %dma_start3A_220 = tpu.memref_slice %arg33[%dma_start3A_218, %dma_start3A_219] : memref<10240x64xbf16, #tpu.memory_space<vmem_shared>> -> memref<10240x64xbf16, #tpu.memory_space<vmem_shared>>
      tpu.enqueue_indirect_dma source(%arg13 : memref<128x64xbf16, #tpu.memory_space<vmem>>) target(%dma_start3A_220 : memref<10240x64xbf16, #tpu.memory_space<vmem_shared>>) offsets(%dma_start3A_217 : memref<128xi32, #tpu.memory_space<vmem>>) semaphore(%arg29 : memref<!tpu.dma_semaphore, #tpu.memory_space<semaphore_mem>>) {add = true}
      %add3A_221 = arith.constant 4 : i32
      %add3A_222 = arith.addi %add3A_207, %add3A_221 : i32
      %lt3A_223 = arith.constant 80 : i32
      %lt3A_224 = arith.cmpi slt, %add3A_222, %lt3A_223 : i32
      %convert_element_type3A_225 = arith.extui %lt3A_224 : i1 to i32
      %cond3A_226 = arith.constant 0 : i32
      %cond3A_227 = arith.cmpi ne, %convert_element_type3A_225, %cond3A_226 : i32
      scf.if %cond3A_227 {
        %ge3A = arith.constant 8 : i32
        %ge3A_301 = arith.cmpi sge, %add3A_222, %ge3A : i32
        %convert_element_type3A_302 = arith.extui %ge3A_301 : i1 to i32
        %cond3A_303 = arith.constant 0 : i32
        %cond3A_304 = arith.cmpi ne, %convert_element_type3A_302, %cond3A_303 : i32
        scf.if %cond3A_304 {
          %dma_wait3A_311 = arith.constant 0 : i32
          %dma_wait3A_312 = arith.constant 0 : i32
          %dma_wait3A_313 = tpu.memref_slice %arg8[%dma_wait3A_311, %dma_wait3A_312] : memref<80x128xi32, #tpu.memory_space<vmem>> -> memref<1x128xi32, #tpu.memory_space<vmem>>
          %dma_wait3A_314 = tpu.memref_squeeze %dma_wait3A_313 : memref<1x128xi32, #tpu.memory_space<vmem>> -> memref<128xi32, #tpu.memory_space<vmem>>
          %dma_wait3A_315 = arith.constant 0 : i32
          %dma_wait3A_316 = arith.constant 0 : i32
          %dma_wait3A_317 = tpu.memref_slice %arg33[%dma_wait3A_315, %dma_wait3A_316] : memref<10240x64xbf16, #tpu.memory_space<vmem_shared>> -> memref<10240x64xbf16, #tpu.memory_space<vmem_shared>>
          tpu.wait_indirect_dma semaphore(%arg25 : memref<!tpu.dma_semaphore, #tpu.memory_space<semaphore_mem>>) src(%arg9 : memref<128x64xbf16, #tpu.memory_space<vmem>>) dst(%dma_wait3A_317 : memref<10240x64xbf16, #tpu.memory_space<vmem_shared>>)
        } else {
        }
        %dma_start3A_305 = arith.constant 0 : i32
        %dma_start3A_306 = tpu.memref_slice %arg7[%add3A_222, %dma_start3A_305] : memref<80x128xi32, #tpu.memory_space<vmem>> -> memref<1x128xi32, #tpu.memory_space<vmem>>
        %dma_start3A_307 = tpu.memref_squeeze %dma_start3A_306 : memref<1x128xi32, #tpu.memory_space<vmem>> -> memref<128xi32, #tpu.memory_space<vmem>>
        %dma_start3A_308 = arith.constant 0 : i32
        %dma_start3A_309 = arith.constant 0 : i32
        %dma_start3A_310 = tpu.memref_slice %arg34[%dma_start3A_308, %dma_start3A_309] : memref<10240x64xbf16, #tpu.memory_space<vmem_shared>> -> memref<10240x64xbf16, #tpu.memory_space<vmem_shared>>
        tpu.enqueue_indirect_dma source(%dma_start3A_310 : memref<10240x64xbf16, #tpu.memory_space<vmem_shared>>) target(%arg9 : memref<128x64xbf16, #tpu.memory_space<vmem>>) offsets(%dma_start3A_307 : memref<128xi32, #tpu.memory_space<vmem>>) semaphore(%arg17 : memref<!tpu.dma_semaphore, #tpu.memory_space<semaphore_mem>>)
      } else {
      }
      %mul3A_228 = arith.constant 8 : i32
      %mul3A_229 = arith.muli %scan3A_109, %mul3A_228 : i32
      %add3A_230 = arith.constant 5 : i32
      %add3A_231 = arith.addi %mul3A_229, %add3A_230 : i32
      %dma_wait3A_232 = arith.constant 0 : i32
      %dma_wait3A_233 = arith.constant 0 : i32
      %dma_wait3A_234 = tpu.memref_slice %arg7[%dma_wait3A_232, %dma_wait3A_233] : memref<80x128xi32, #tpu.memory_space<vmem>> -> memref<1x128xi32, #tpu.memory_space<vmem>>
      %dma_wait3A_235 = tpu.memref_squeeze %dma_wait3A_234 : memref<1x128xi32, #tpu.memory_space<vmem>> -> memref<128xi32, #tpu.memory_space<vmem>>
      %dma_wait3A_236 = arith.constant 0 : i32
      %dma_wait3A_237 = arith.constant 0 : i32
      %dma_wait3A_238 = tpu.memref_slice %arg34[%dma_wait3A_236, %dma_wait3A_237] : memref<10240x64xbf16, #tpu.memory_space<vmem_shared>> -> memref<10240x64xbf16, #tpu.memory_space<vmem_shared>>
      tpu.wait_indirect_dma semaphore(%arg22 : memref<!tpu.dma_semaphore, #tpu.memory_space<semaphore_mem>>) src(%dma_wait3A_238 : memref<10240x64xbf16, #tpu.memory_space<vmem_shared>>) dst(%arg14 : memref<128x64xbf16, #tpu.memory_space<vmem>>)
      %dma_start3A_239 = arith.constant 0 : i32
      %dma_start3A_240 = tpu.memref_slice %arg8[%add3A_231, %dma_start3A_239] : memref<80x128xi32, #tpu.memory_space<vmem>> -> memref<1x128xi32, #tpu.memory_space<vmem>>
      %dma_start3A_241 = tpu.memref_squeeze %dma_start3A_240 : memref<1x128xi32, #tpu.memory_space<vmem>> -> memref<128xi32, #tpu.memory_space<vmem>>
      %dma_start3A_242 = arith.constant 0 : i32
      %dma_start3A_243 = arith.constant 0 : i32
      %dma_start3A_244 = tpu.memref_slice %arg33[%dma_start3A_242, %dma_start3A_243] : memref<10240x64xbf16, #tpu.memory_space<vmem_shared>> -> memref<10240x64xbf16, #tpu.memory_space<vmem_shared>>
      tpu.enqueue_indirect_dma source(%arg14 : memref<128x64xbf16, #tpu.memory_space<vmem>>) target(%dma_start3A_244 : memref<10240x64xbf16, #tpu.memory_space<vmem_shared>>) offsets(%dma_start3A_241 : memref<128xi32, #tpu.memory_space<vmem>>) semaphore(%arg30 : memref<!tpu.dma_semaphore, #tpu.memory_space<semaphore_mem>>) {add = true}
      %add3A_245 = arith.constant 4 : i32
      %add3A_246 = arith.addi %add3A_231, %add3A_245 : i32
      %lt3A_247 = arith.constant 80 : i32
      %lt3A_248 = arith.cmpi slt, %add3A_246, %lt3A_247 : i32
      %convert_element_type3A_249 = arith.extui %lt3A_248 : i1 to i32
      %cond3A_250 = arith.constant 0 : i32
      %cond3A_251 = arith.cmpi ne, %convert_element_type3A_249, %cond3A_250 : i32
      scf.if %cond3A_251 {
        %ge3A = arith.constant 8 : i32
        %ge3A_301 = arith.cmpi sge, %add3A_246, %ge3A : i32
        %convert_element_type3A_302 = arith.extui %ge3A_301 : i1 to i32
        %cond3A_303 = arith.constant 0 : i32
        %cond3A_304 = arith.cmpi ne, %convert_element_type3A_302, %cond3A_303 : i32
        scf.if %cond3A_304 {
          %dma_wait3A_311 = arith.constant 0 : i32
          %dma_wait3A_312 = arith.constant 0 : i32
          %dma_wait3A_313 = tpu.memref_slice %arg8[%dma_wait3A_311, %dma_wait3A_312] : memref<80x128xi32, #tpu.memory_space<vmem>> -> memref<1x128xi32, #tpu.memory_space<vmem>>
          %dma_wait3A_314 = tpu.memref_squeeze %dma_wait3A_313 : memref<1x128xi32, #tpu.memory_space<vmem>> -> memref<128xi32, #tpu.memory_space<vmem>>
          %dma_wait3A_315 = arith.constant 0 : i32
          %dma_wait3A_316 = arith.constant 0 : i32
          %dma_wait3A_317 = tpu.memref_slice %arg33[%dma_wait3A_315, %dma_wait3A_316] : memref<10240x64xbf16, #tpu.memory_space<vmem_shared>> -> memref<10240x64xbf16, #tpu.memory_space<vmem_shared>>
          tpu.wait_indirect_dma semaphore(%arg26 : memref<!tpu.dma_semaphore, #tpu.memory_space<semaphore_mem>>) src(%arg10 : memref<128x64xbf16, #tpu.memory_space<vmem>>) dst(%dma_wait3A_317 : memref<10240x64xbf16, #tpu.memory_space<vmem_shared>>)
        } else {
        }
        %dma_start3A_305 = arith.constant 0 : i32
        %dma_start3A_306 = tpu.memref_slice %arg7[%add3A_246, %dma_start3A_305] : memref<80x128xi32, #tpu.memory_space<vmem>> -> memref<1x128xi32, #tpu.memory_space<vmem>>
        %dma_start3A_307 = tpu.memref_squeeze %dma_start3A_306 : memref<1x128xi32, #tpu.memory_space<vmem>> -> memref<128xi32, #tpu.memory_space<vmem>>
        %dma_start3A_308 = arith.constant 0 : i32
        %dma_start3A_309 = arith.constant 0 : i32
        %dma_start3A_310 = tpu.memref_slice %arg34[%dma_start3A_308, %dma_start3A_309] : memref<10240x64xbf16, #tpu.memory_space<vmem_shared>> -> memref<10240x64xbf16, #tpu.memory_space<vmem_shared>>
        tpu.enqueue_indirect_dma source(%dma_start3A_310 : memref<10240x64xbf16, #tpu.memory_space<vmem_shared>>) target(%arg10 : memref<128x64xbf16, #tpu.memory_space<vmem>>) offsets(%dma_start3A_307 : memref<128xi32, #tpu.memory_space<vmem>>) semaphore(%arg18 : memref<!tpu.dma_semaphore, #tpu.memory_space<semaphore_mem>>)
      } else {
      }
      %mul3A_252 = arith.constant 8 : i32
      %mul3A_253 = arith.muli %scan3A_109, %mul3A_252 : i32
      %add3A_254 = arith.constant 6 : i32
      %add3A_255 = arith.addi %mul3A_253, %add3A_254 : i32
      %dma_wait3A_256 = arith.constant 0 : i32
      %dma_wait3A_257 = arith.constant 0 : i32
      %dma_wait3A_258 = tpu.memref_slice %arg7[%dma_wait3A_256, %dma_wait3A_257] : memref<80x128xi32, #tpu.memory_space<vmem>> -> memref<1x128xi32, #tpu.memory_space<vmem>>
      %dma_wait3A_259 = tpu.memref_squeeze %dma_wait3A_258 : memref<1x128xi32, #tpu.memory_space<vmem>> -> memref<128xi32, #tpu.memory_space<vmem>>
      %dma_wait3A_260 = arith.constant 0 : i32
      %dma_wait3A_261 = arith.constant 0 : i32
      %dma_wait3A_262 = tpu.memref_slice %arg34[%dma_wait3A_260, %dma_wait3A_261] : memref<10240x64xbf16, #tpu.memory_space<vmem_shared>> -> memref<10240x64xbf16, #tpu.memory_space<vmem_shared>>
      tpu.wait_indirect_dma semaphore(%arg23 : memref<!tpu.dma_semaphore, #tpu.memory_space<semaphore_mem>>) src(%dma_wait3A_262 : memref<10240x64xbf16, #tpu.memory_space<vmem_shared>>) dst(%arg15 : memref<128x64xbf16, #tpu.memory_space<vmem>>)
      %dma_start3A_263 = arith.constant 0 : i32
      %dma_start3A_264 = tpu.memref_slice %arg8[%add3A_255, %dma_start3A_263] : memref<80x128xi32, #tpu.memory_space<vmem>> -> memref<1x128xi32, #tpu.memory_space<vmem>>
      %dma_start3A_265 = tpu.memref_squeeze %dma_start3A_264 : memref<1x128xi32, #tpu.memory_space<vmem>> -> memref<128xi32, #tpu.memory_space<vmem>>
      %dma_start3A_266 = arith.constant 0 : i32
      %dma_start3A_267 = arith.constant 0 : i32
      %dma_start3A_268 = tpu.memref_slice %arg33[%dma_start3A_266, %dma_start3A_267] : memref<10240x64xbf16, #tpu.memory_space<vmem_shared>> -> memref<10240x64xbf16, #tpu.memory_space<vmem_shared>>
      tpu.enqueue_indirect_dma source(%arg15 : memref<128x64xbf16, #tpu.memory_space<vmem>>) target(%dma_start3A_268 : memref<10240x64xbf16, #tpu.memory_space<vmem_shared>>) offsets(%dma_start3A_265 : memref<128xi32, #tpu.memory_space<vmem>>) semaphore(%arg31 : memref<!tpu.dma_semaphore, #tpu.memory_space<semaphore_mem>>) {add = true}
      %add3A_269 = arith.constant 4 : i32
      %add3A_270 = arith.addi %add3A_255, %add3A_269 : i32
      %lt3A_271 = arith.constant 80 : i32
      %lt3A_272 = arith.cmpi slt, %add3A_270, %lt3A_271 : i32
      %convert_element_type3A_273 = arith.extui %lt3A_272 : i1 to i32
      %cond3A_274 = arith.constant 0 : i32
      %cond3A_275 = arith.cmpi ne, %convert_element_type3A_273, %cond3A_274 : i32
      scf.if %cond3A_275 {
        %ge3A = arith.constant 8 : i32
        %ge3A_301 = arith.cmpi sge, %add3A_270, %ge3A : i32
        %convert_element_type3A_302 = arith.extui %ge3A_301 : i1 to i32
        %cond3A_303 = arith.constant 0 : i32
        %cond3A_304 = arith.cmpi ne, %convert_element_type3A_302, %cond3A_303 : i32
        scf.if %cond3A_304 {
          %dma_wait3A_311 = arith.constant 0 : i32
          %dma_wait3A_312 = arith.constant 0 : i32
          %dma_wait3A_313 = tpu.memref_slice %arg8[%dma_wait3A_311, %dma_wait3A_312] : memref<80x128xi32, #tpu.memory_space<vmem>> -> memref<1x128xi32, #tpu.memory_space<vmem>>
          %dma_wait3A_314 = tpu.memref_squeeze %dma_wait3A_313 : memref<1x128xi32, #tpu.memory_space<vmem>> -> memref<128xi32, #tpu.memory_space<vmem>>
          %dma_wait3A_315 = arith.constant 0 : i32
          %dma_wait3A_316 = arith.constant 0 : i32
          %dma_wait3A_317 = tpu.memref_slice %arg33[%dma_wait3A_315, %dma_wait3A_316] : memref<10240x64xbf16, #tpu.memory_space<vmem_shared>> -> memref<10240x64xbf16, #tpu.memory_space<vmem_shared>>
          tpu.wait_indirect_dma semaphore(%arg27 : memref<!tpu.dma_semaphore, #tpu.memory_space<semaphore_mem>>) src(%arg11 : memref<128x64xbf16, #tpu.memory_space<vmem>>) dst(%dma_wait3A_317 : memref<10240x64xbf16, #tpu.memory_space<vmem_shared>>)
        } else {
        }
        %dma_start3A_305 = arith.constant 0 : i32
        %dma_start3A_306 = tpu.memref_slice %arg7[%add3A_270, %dma_start3A_305] : memref<80x128xi32, #tpu.memory_space<vmem>> -> memref<1x128xi32, #tpu.memory_space<vmem>>
        %dma_start3A_307 = tpu.memref_squeeze %dma_start3A_306 : memref<1x128xi32, #tpu.memory_space<vmem>> -> memref<128xi32, #tpu.memory_space<vmem>>
        %dma_start3A_308 = arith.constant 0 : i32
        %dma_start3A_309 = arith.constant 0 : i32
        %dma_start3A_310 = tpu.memref_slice %arg34[%dma_start3A_308, %dma_start3A_309] : memref<10240x64xbf16, #tpu.memory_space<vmem_shared>> -> memref<10240x64xbf16, #tpu.memory_space<vmem_shared>>
        tpu.enqueue_indirect_dma source(%dma_start3A_310 : memref<10240x64xbf16, #tpu.memory_space<vmem_shared>>) target(%arg11 : memref<128x64xbf16, #tpu.memory_space<vmem>>) offsets(%dma_start3A_307 : memref<128xi32, #tpu.memory_space<vmem>>) semaphore(%arg19 : memref<!tpu.dma_semaphore, #tpu.memory_space<semaphore_mem>>)
      } else {
      }
      %mul3A_276 = arith.constant 8 : i32
      %mul3A_277 = arith.muli %scan3A_109, %mul3A_276 : i32
      %add3A_278 = arith.constant 7 : i32
      %add3A_279 = arith.addi %mul3A_277, %add3A_278 : i32
      %dma_wait3A_280 = arith.constant 0 : i32
      %dma_wait3A_281 = arith.constant 0 : i32
      %dma_wait3A_282 = tpu.memref_slice %arg7[%dma_wait3A_280, %dma_wait3A_281] : memref<80x128xi32, #tpu.memory_space<vmem>> -> memref<1x128xi32, #tpu.memory_space<vmem>>
      %dma_wait3A_283 = tpu.memref_squeeze %dma_wait3A_282 : memref<1x128xi32, #tpu.memory_space<vmem>> -> memref<128xi32, #tpu.memory_space<vmem>>
      %dma_wait3A_284 = arith.constant 0 : i32
      %dma_wait3A_285 = arith.constant 0 : i32
      %dma_wait3A_286 = tpu.memref_slice %arg34[%dma_wait3A_284, %dma_wait3A_285] : memref<10240x64xbf16, #tpu.memory_space<vmem_shared>> -> memref<10240x64xbf16, #tpu.memory_space<vmem_shared>>
      tpu.wait_indirect_dma semaphore(%arg24 : memref<!tpu.dma_semaphore, #tpu.memory_space<semaphore_mem>>) src(%dma_wait3A_286 : memref<10240x64xbf16, #tpu.memory_space<vmem_shared>>) dst(%arg16 : memref<128x64xbf16, #tpu.memory_space<vmem>>)
      %dma_start3A_287 = arith.constant 0 : i32
      %dma_start3A_288 = tpu.memref_slice %arg8[%add3A_279, %dma_start3A_287] : memref<80x128xi32, #tpu.memory_space<vmem>> -> memref<1x128xi32, #tpu.memory_space<vmem>>
      %dma_start3A_289 = tpu.memref_squeeze %dma_start3A_288 : memref<1x128xi32, #tpu.memory_space<vmem>> -> memref<128xi32, #tpu.memory_space<vmem>>
      %dma_start3A_290 = arith.constant 0 : i32
      %dma_start3A_291 = arith.constant 0 : i32
      %dma_start3A_292 = tpu.memref_slice %arg33[%dma_start3A_290, %dma_start3A_291] : memref<10240x64xbf16, #tpu.memory_space<vmem_shared>> -> memref<10240x64xbf16, #tpu.memory_space<vmem_shared>>
      tpu.enqueue_indirect_dma source(%arg16 : memref<128x64xbf16, #tpu.memory_space<vmem>>) target(%dma_start3A_292 : memref<10240x64xbf16, #tpu.memory_space<vmem_shared>>) offsets(%dma_start3A_289 : memref<128xi32, #tpu.memory_space<vmem>>) semaphore(%arg32 : memref<!tpu.dma_semaphore, #tpu.memory_space<semaphore_mem>>) {add = true}
      %add3A_293 = arith.constant 4 : i32
      %add3A_294 = arith.addi %add3A_279, %add3A_293 : i32
      %lt3A_295 = arith.constant 80 : i32
      %lt3A_296 = arith.cmpi slt, %add3A_294, %lt3A_295 : i32
      %convert_element_type3A_297 = arith.extui %lt3A_296 : i1 to i32
      %cond3A_298 = arith.constant 0 : i32
      %cond3A_299 = arith.cmpi ne, %convert_element_type3A_297, %cond3A_298 : i32
      scf.if %cond3A_299 {
        %ge3A = arith.constant 8 : i32
        %ge3A_301 = arith.cmpi sge, %add3A_294, %ge3A : i32
        %convert_element_type3A_302 = arith.extui %ge3A_301 : i1 to i32
        %cond3A_303 = arith.constant 0 : i32
        %cond3A_304 = arith.cmpi ne, %convert_element_type3A_302, %cond3A_303 : i32
        scf.if %cond3A_304 {
          %dma_wait3A_311 = arith.constant 0 : i32
          %dma_wait3A_312 = arith.constant 0 : i32
          %dma_wait3A_313 = tpu.memref_slice %arg8[%dma_wait3A_311, %dma_wait3A_312] : memref<80x128xi32, #tpu.memory_space<vmem>> -> memref<1x128xi32, #tpu.memory_space<vmem>>
          %dma_wait3A_314 = tpu.memref_squeeze %dma_wait3A_313 : memref<1x128xi32, #tpu.memory_space<vmem>> -> memref<128xi32, #tpu.memory_space<vmem>>
          %dma_wait3A_315 = arith.constant 0 : i32
          %dma_wait3A_316 = arith.constant 0 : i32
          %dma_wait3A_317 = tpu.memref_slice %arg33[%dma_wait3A_315, %dma_wait3A_316] : memref<10240x64xbf16, #tpu.memory_space<vmem_shared>> -> memref<10240x64xbf16, #tpu.memory_space<vmem_shared>>
          tpu.wait_indirect_dma semaphore(%arg28 : memref<!tpu.dma_semaphore, #tpu.memory_space<semaphore_mem>>) src(%arg12 : memref<128x64xbf16, #tpu.memory_space<vmem>>) dst(%dma_wait3A_317 : memref<10240x64xbf16, #tpu.memory_space<vmem_shared>>)
        } else {
        }
        %dma_start3A_305 = arith.constant 0 : i32
        %dma_start3A_306 = tpu.memref_slice %arg7[%add3A_294, %dma_start3A_305] : memref<80x128xi32, #tpu.memory_space<vmem>> -> memref<1x128xi32, #tpu.memory_space<vmem>>
        %dma_start3A_307 = tpu.memref_squeeze %dma_start3A_306 : memref<1x128xi32, #tpu.memory_space<vmem>> -> memref<128xi32, #tpu.memory_space<vmem>>
        %dma_start3A_308 = arith.constant 0 : i32
        %dma_start3A_309 = arith.constant 0 : i32
        %dma_start3A_310 = tpu.memref_slice %arg34[%dma_start3A_308, %dma_start3A_309] : memref<10240x64xbf16, #tpu.memory_space<vmem_shared>> -> memref<10240x64xbf16, #tpu.memory_space<vmem_shared>>
        tpu.enqueue_indirect_dma source(%dma_start3A_310 : memref<10240x64xbf16, #tpu.memory_space<vmem_shared>>) target(%arg12 : memref<128x64xbf16, #tpu.memory_space<vmem>>) offsets(%dma_start3A_307 : memref<128xi32, #tpu.memory_space<vmem>>) semaphore(%arg20 : memref<!tpu.dma_semaphore, #tpu.memory_space<semaphore_mem>>)
      } else {
      }
      %scan3A_300 = arith.constant 0 : i32
      scf.yield %scan3A_300 : i32
    }
    %scan3A_45 = arith.constant 10 : i32
    %dma_wait3A = arith.constant 0 : i32
    %dma_wait3A_46 = arith.constant 0 : i32
    %dma_wait3A_47 = tpu.memref_slice %arg8[%dma_wait3A, %dma_wait3A_46] : memref<80x128xi32, #tpu.memory_space<vmem>> -> memref<1x128xi32, #tpu.memory_space<vmem>>
    %dma_wait3A_48 = tpu.memref_squeeze %dma_wait3A_47 : memref<1x128xi32, #tpu.memory_space<vmem>> -> memref<128xi32, #tpu.memory_space<vmem>>
    %dma_wait3A_49 = arith.constant 0 : i32
    %dma_wait3A_50 = arith.constant 0 : i32
    %dma_wait3A_51 = tpu.memref_slice %arg33[%dma_wait3A_49, %dma_wait3A_50] : memref<10240x64xbf16, #tpu.memory_space<vmem_shared>> -> memref<10240x64xbf16, #tpu.memory_space<vmem_shared>>
    tpu.wait_indirect_dma semaphore(%arg25 : memref<!tpu.dma_semaphore, #tpu.memory_space<semaphore_mem>>) src(%arg9 : memref<128x64xbf16, #tpu.memory_space<vmem>>) dst(%dma_wait3A_51 : memref<10240x64xbf16, #tpu.memory_space<vmem_shared>>)
    %dma_wait3A_52 = arith.constant 0 : i32
    %dma_wait3A_53 = arith.constant 0 : i32
    %dma_wait3A_54 = tpu.memref_slice %arg8[%dma_wait3A_52, %dma_wait3A_53] : memref<80x128xi32, #tpu.memory_space<vmem>> -> memref<1x128xi32, #tpu.memory_space<vmem>>
    %dma_wait3A_55 = tpu.memref_squeeze %dma_wait3A_54 : memref<1x128xi32, #tpu.memory_space<vmem>> -> memref<128xi32, #tpu.memory_space<vmem>>
    %dma_wait3A_56 = arith.constant 0 : i32
    %dma_wait3A_57 = arith.constant 0 : i32
    %dma_wait3A_58 = tpu.memref_slice %arg33[%dma_wait3A_56, %dma_wait3A_57] : memref<10240x64xbf16, #tpu.memory_space<vmem_shared>> -> memref<10240x64xbf16, #tpu.memory_space<vmem_shared>>
    tpu.wait_indirect_dma semaphore(%arg26 : memref<!tpu.dma_semaphore, #tpu.memory_space<semaphore_mem>>) src(%arg10 : memref<128x64xbf16, #tpu.memory_space<vmem>>) dst(%dma_wait3A_58 : memref<10240x64xbf16, #tpu.memory_space<vmem_shared>>)
    %dma_wait3A_59 = arith.constant 0 : i32
    %dma_wait3A_60 = arith.constant 0 : i32
    %dma_wait3A_61 = tpu.memref_slice %arg8[%dma_wait3A_59, %dma_wait3A_60] : memref<80x128xi32, #tpu.memory_space<vmem>> -> memref<1x128xi32, #tpu.memory_space<vmem>>
    %dma_wait3A_62 = tpu.memref_squeeze %dma_wait3A_61 : memref<1x128xi32, #tpu.memory_space<vmem>> -> memref<128xi32, #tpu.memory_space<vmem>>
    %dma_wait3A_63 = arith.constant 0 : i32
    %dma_wait3A_64 = arith.constant 0 : i32
    %dma_wait3A_65 = tpu.memref_slice %arg33[%dma_wait3A_63, %dma_wait3A_64] : memref<10240x64xbf16, #tpu.memory_space<vmem_shared>> -> memref<10240x64xbf16, #tpu.memory_space<vmem_shared>>
    tpu.wait_indirect_dma semaphore(%arg27 : memref<!tpu.dma_semaphore, #tpu.memory_space<semaphore_mem>>) src(%arg11 : memref<128x64xbf16, #tpu.memory_space<vmem>>) dst(%dma_wait3A_65 : memref<10240x64xbf16, #tpu.memory_space<vmem_shared>>)
    %dma_wait3A_66 = arith.constant 0 : i32
    %dma_wait3A_67 = arith.constant 0 : i32
    %dma_wait3A_68 = tpu.memref_slice %arg8[%dma_wait3A_66, %dma_wait3A_67] : memref<80x128xi32, #tpu.memory_space<vmem>> -> memref<1x128xi32, #tpu.memory_space<vmem>>
    %dma_wait3A_69 = tpu.memref_squeeze %dma_wait3A_68 : memref<1x128xi32, #tpu.memory_space<vmem>> -> memref<128xi32, #tpu.memory_space<vmem>>
    %dma_wait3A_70 = arith.constant 0 : i32
    %dma_wait3A_71 = arith.constant 0 : i32
    %dma_wait3A_72 = tpu.memref_slice %arg33[%dma_wait3A_70, %dma_wait3A_71] : memref<10240x64xbf16, #tpu.memory_space<vmem_shared>> -> memref<10240x64xbf16, #tpu.memory_space<vmem_shared>>
    tpu.wait_indirect_dma semaphore(%arg28 : memref<!tpu.dma_semaphore, #tpu.memory_space<semaphore_mem>>) src(%arg12 : memref<128x64xbf16, #tpu.memory_space<vmem>>) dst(%dma_wait3A_72 : memref<10240x64xbf16, #tpu.memory_space<vmem_shared>>)
    %dma_wait3A_73 = arith.constant 0 : i32
    %dma_wait3A_74 = arith.constant 0 : i32
    %dma_wait3A_75 = tpu.memref_slice %arg8[%dma_wait3A_73, %dma_wait3A_74] : memref<80x128xi32, #tpu.memory_space<vmem>> -> memref<1x128xi32, #tpu.memory_space<vmem>>
    %dma_wait3A_76 = tpu.memref_squeeze %dma_wait3A_75 : memref<1x128xi32, #tpu.memory_space<vmem>> -> memref<128xi32, #tpu.memory_space<vmem>>
    %dma_wait3A_77 = arith.constant 0 : i32
    %dma_wait3A_78 = arith.constant 0 : i32
    %dma_wait3A_79 = tpu.memref_slice %arg33[%dma_wait3A_77, %dma_wait3A_78] : memref<10240x64xbf16, #tpu.memory_space<vmem_shared>> -> memref<10240x64xbf16, #tpu.memory_space<vmem_shared>>
    tpu.wait_indirect_dma semaphore(%arg29 : memref<!tpu.dma_semaphore, #tpu.memory_space<semaphore_mem>>) src(%arg13 : memref<128x64xbf16, #tpu.memory_space<vmem>>) dst(%dma_wait3A_79 : memref<10240x64xbf16, #tpu.memory_space<vmem_shared>>)
    %dma_wait3A_80 = arith.constant 0 : i32
    %dma_wait3A_81 = arith.constant 0 : i32
    %dma_wait3A_82 = tpu.memref_slice %arg8[%dma_wait3A_80, %dma_wait3A_81] : memref<80x128xi32, #tpu.memory_space<vmem>> -> memref<1x128xi32, #tpu.memory_space<vmem>>
    %dma_wait3A_83 = tpu.memref_squeeze %dma_wait3A_82 : memref<1x128xi32, #tpu.memory_space<vmem>> -> memref<128xi32, #tpu.memory_space<vmem>>
    %dma_wait3A_84 = arith.constant 0 : i32
    %dma_wait3A_85 = arith.constant 0 : i32
    %dma_wait3A_86 = tpu.memref_slice %arg33[%dma_wait3A_84, %dma_wait3A_85] : memref<10240x64xbf16, #tpu.memory_space<vmem_shared>> -> memref<10240x64xbf16, #tpu.memory_space<vmem_shared>>
    tpu.wait_indirect_dma semaphore(%arg30 : memref<!tpu.dma_semaphore, #tpu.memory_space<semaphore_mem>>) src(%arg14 : memref<128x64xbf16, #tpu.memory_space<vmem>>) dst(%dma_wait3A_86 : memref<10240x64xbf16, #tpu.memory_space<vmem_shared>>)
    %dma_wait3A_87 = arith.constant 0 : i32
    %dma_wait3A_88 = arith.constant 0 : i32
    %dma_wait3A_89 = tpu.memref_slice %arg8[%dma_wait3A_87, %dma_wait3A_88] : memref<80x128xi32, #tpu.memory_space<vmem>> -> memref<1x128xi32, #tpu.memory_space<vmem>>
    %dma_wait3A_90 = tpu.memref_squeeze %dma_wait3A_89 : memref<1x128xi32, #tpu.memory_space<vmem>> -> memref<128xi32, #tpu.memory_space<vmem>>
    %dma_wait3A_91 = arith.constant 0 : i32
    %dma_wait3A_92 = arith.constant 0 : i32
    %dma_wait3A_93 = tpu.memref_slice %arg33[%dma_wait3A_91, %dma_wait3A_92] : memref<10240x64xbf16, #tpu.memory_space<vmem_shared>> -> memref<10240x64xbf16, #tpu.memory_space<vmem_shared>>
    tpu.wait_indirect_dma semaphore(%arg31 : memref<!tpu.dma_semaphore, #tpu.memory_space<semaphore_mem>>) src(%arg15 : memref<128x64xbf16, #tpu.memory_space<vmem>>) dst(%dma_wait3A_93 : memref<10240x64xbf16, #tpu.memory_space<vmem_shared>>)
    %dma_wait3A_94 = arith.constant 0 : i32
    %dma_wait3A_95 = arith.constant 0 : i32
    %dma_wait3A_96 = tpu.memref_slice %arg8[%dma_wait3A_94, %dma_wait3A_95] : memref<80x128xi32, #tpu.memory_space<vmem>> -> memref<1x128xi32, #tpu.memory_space<vmem>>
    %dma_wait3A_97 = tpu.memref_squeeze %dma_wait3A_96 : memref<1x128xi32, #tpu.memory_space<vmem>> -> memref<128xi32, #tpu.memory_space<vmem>>
    %dma_wait3A_98 = arith.constant 0 : i32
    %dma_wait3A_99 = arith.constant 0 : i32
    %dma_wait3A_100 = tpu.memref_slice %arg33[%dma_wait3A_98, %dma_wait3A_99] : memref<10240x64xbf16, #tpu.memory_space<vmem_shared>> -> memref<10240x64xbf16, #tpu.memory_space<vmem_shared>>
    tpu.wait_indirect_dma semaphore(%arg32 : memref<!tpu.dma_semaphore, #tpu.memory_space<semaphore_mem>>) src(%arg16 : memref<128x64xbf16, #tpu.memory_space<vmem>>) dst(%dma_wait3A_100 : memref<10240x64xbf16, #tpu.memory_space<vmem_shared>>)
    %barrier3A_101 = arith.constant 0 : index
    tpu.barrier barrier_id(%barrier3A_101)
    %scan3A_102 = arith.constant 0 : i32
    %scan3A_103 = arith.constant 0 : i32
    %scan3A_104 = arith.constant 5 : i32
    %scan3A_105 = arith.addi %scan3A_103, %scan3A_104 : i32
    %scan3A_106 = arith.constant 1 : i32
    %scan3A_107 = scf.for %scan3A_109 = %scan3A_103 to %scan3A_105 step %scan3A_106 iter_args(%scan3A_110 = %scan3A_102) -> (i32)  : i32 {
      %mul3A_111 = arith.constant 640 : i32
      %mul3A_112 = arith.muli %arg1, %mul3A_111 : i32
      %mul3A_113 = arith.constant 128 : i32
      %mul3A_114 = arith.muli %scan3A_109, %mul3A_113 : i32
      %add3A_115 = arith.addi %mul3A_112, %mul3A_114 : i32
      "tpu.region"() ({
        %run_scoped3A = tpu.sem_alloc : memref<!tpu.dma_semaphore, #tpu.memory_space<semaphore_mem>>
        %dma_start3A_120 = arith.constant 0 : i32
        %dma_start3A_121 = tpu.memref_slice %arg33[%add3A_115, %dma_start3A_120] : memref<10240x64xbf16, #tpu.memory_space<vmem_shared>> -> memref<128x64xbf16, #tpu.memory_space<vmem_shared>>
        %dma_start3A_122 = arith.constant 0 : i32
        %dma_start3A_123 = tpu.memref_slice %arg33[%add3A_115, %dma_start3A_122] : memref<10240x64xbf16, #tpu.memory_space<vmem_shared>> -> memref<128x64xbf16, #tpu.memory_space<vmem_shared>>
        tpu.enqueue_dma source(%dma_start3A_123 : memref<128x64xbf16, #tpu.memory_space<vmem_shared>>) target(%arg9 : memref<128x64xbf16, #tpu.memory_space<vmem>>) target_semaphore(%run_scoped3A : memref<!tpu.dma_semaphore, #tpu.memory_space<semaphore_mem>>)
        %dma_wait3A_124 = arith.constant 0 : i32
        %dma_wait3A_125 = tpu.memref_slice %arg33[%add3A_115, %dma_wait3A_124] : memref<10240x64xbf16, #tpu.memory_space<vmem_shared>> -> memref<128x64xbf16, #tpu.memory_space<vmem_shared>>
        %dma_wait3A_126 = arith.constant 0 : i32
        %dma_wait3A_127 = tpu.memref_slice %arg33[%add3A_115, %dma_wait3A_126] : memref<10240x64xbf16, #tpu.memory_space<vmem_shared>> -> memref<128x64xbf16, #tpu.memory_space<vmem_shared>>
        tpu.wait_dma2 semaphore(%run_scoped3A : memref<!tpu.dma_semaphore, #tpu.memory_space<semaphore_mem>>) src(%dma_wait3A_127 : memref<128x64xbf16, #tpu.memory_space<vmem_shared>>) dst(%arg9 : memref<128x64xbf16, #tpu.memory_space<vmem>>)
        tpu.yield
      }) : () -> ()
      %mul3A_116 = arith.constant 10240 : i32
      %mul3A_117 = arith.muli %arg0, %mul3A_116 : i32
      %add3A_118 = arith.addi %mul3A_117, %add3A_115 : i32
      "tpu.region"() ({
        %run_scoped3A = tpu.sem_alloc : memref<!tpu.dma_semaphore, #tpu.memory_space<semaphore_mem>>
        %dma_start3A_120 = arith.constant 0 : i32
        %dma_start3A_121 = tpu.memref_slice %arg6[%add3A_118, %dma_start3A_120] : memref<20480x64xbf16, #tpu.memory_space<hbm>> -> memref<128x64xbf16, #tpu.memory_space<hbm>>
        %dma_start3A_122 = arith.constant 0 : i32
        %dma_start3A_123 = tpu.memref_slice %arg6[%add3A_118, %dma_start3A_122] : memref<20480x64xbf16, #tpu.memory_space<hbm>> -> memref<128x64xbf16, #tpu.memory_space<hbm>>
        tpu.enqueue_dma source(%arg9 : memref<128x64xbf16, #tpu.memory_space<vmem>>) target(%dma_start3A_123 : memref<128x64xbf16, #tpu.memory_space<hbm>>) target_semaphore(%run_scoped3A : memref<!tpu.dma_semaphore, #tpu.memory_space<semaphore_mem>>)
        %dma_wait3A_124 = arith.constant 0 : i32
        %dma_wait3A_125 = tpu.memref_slice %arg6[%add3A_118, %dma_wait3A_124] : memref<20480x64xbf16, #tpu.memory_space<hbm>> -> memref<128x64xbf16, #tpu.memory_space<hbm>>
        %dma_wait3A_126 = arith.constant 0 : i32
        %dma_wait3A_127 = tpu.memref_slice %arg6[%add3A_118, %dma_wait3A_126] : memref<20480x64xbf16, #tpu.memory_space<hbm>> -> memref<128x64xbf16, #tpu.memory_space<hbm>>
        tpu.wait_dma2 semaphore(%run_scoped3A : memref<!tpu.dma_semaphore, #tpu.memory_space<semaphore_mem>>) src(%arg9 : memref<128x64xbf16, #tpu.memory_space<vmem>>) dst(%dma_wait3A_127 : memref<128x64xbf16, #tpu.memory_space<hbm>>)
        tpu.yield
      }) : () -> ()
      %scan3A_119 = arith.constant 0 : i32
      scf.yield %scan3A_119 : i32
    }
    %scan3A_108 = arith.constant 5 : i32
    return
  }
}

#map = affine_map<(d0, d1) -> (0)>
#map1 = affine_map<(d0, d1) -> (0, 0)>
module attributes {stable_mosaic.version = 14 : i64} {
  func.func @_deg(%arg0: i32, %arg1: i32, %arg2: memref<327680xi32, #tpu.memory_space<hbm>>, %arg3: memref<32x10240xf32, #tpu.memory_space<hbm>>, %arg4: memref<10240xi32, #tpu.memory_space<vmem>>, %arg5: memref<10240xf32, #tpu.memory_space<vmem>>) attributes {dimension_semantics = [#tpu.dimension_semantics<core_parallel>, #tpu.dimension_semantics<subcore_parallel>], iteration_bounds = array<i64: 2, 16>, scalar_prefetch = 0 : i64, scratch_operands = 2 : i64, tpu.core_type = #tpu.core_type<sc_vector_subcore>, window_params = [{transform_indices = #map}, {transform_indices = #map1}]} {
    %mul3A = arith.constant 2 : i32
    %mul3A_0 = arith.muli %arg1, %mul3A : i32
    %add3A = arith.addi %mul3A_0, %arg0 : i32
    %mul3A_1 = arith.constant 10240 : i32
    %mul3A_2 = arith.muli %add3A, %mul3A_1 : i32
    "tpu.region"() ({
      %run_scoped3A = tpu.sem_alloc : memref<!tpu.dma_semaphore, #tpu.memory_space<semaphore_mem>>
      %dma_start3A = tpu.memref_slice %arg2[%mul3A_2] : memref<327680xi32, #tpu.memory_space<hbm>> -> memref<10240xi32, #tpu.memory_space<hbm>>
      %dma_start3A_19 = tpu.memref_slice %arg2[%mul3A_2] : memref<327680xi32, #tpu.memory_space<hbm>> -> memref<10240xi32, #tpu.memory_space<hbm>>
      tpu.enqueue_dma source(%dma_start3A_19 : memref<10240xi32, #tpu.memory_space<hbm>>) target(%arg4 : memref<10240xi32, #tpu.memory_space<vmem>>) target_semaphore(%run_scoped3A : memref<!tpu.dma_semaphore, #tpu.memory_space<semaphore_mem>>)
      %dma_wait3A = tpu.memref_slice %arg2[%mul3A_2] : memref<327680xi32, #tpu.memory_space<hbm>> -> memref<10240xi32, #tpu.memory_space<hbm>>
      %dma_wait3A_20 = tpu.memref_slice %arg2[%mul3A_2] : memref<327680xi32, #tpu.memory_space<hbm>> -> memref<10240xi32, #tpu.memory_space<hbm>>
      tpu.wait_dma2 semaphore(%run_scoped3A : memref<!tpu.dma_semaphore, #tpu.memory_space<semaphore_mem>>) src(%dma_wait3A_20 : memref<10240xi32, #tpu.memory_space<hbm>>) dst(%arg4 : memref<10240xi32, #tpu.memory_space<vmem>>)
      tpu.yield
    }) : () -> ()
    %broadcast_in_dim3A = arith.constant 0.000000e+00 : f32
    %broadcast_in_dim3A_3 = vector.broadcast %broadcast_in_dim3A : f32 to vector<16xf32>
    %broadcast_in_dim3A_4 = arith.constant 1.000000e+00 : f32
    %broadcast_in_dim3A_5 = vector.broadcast %broadcast_in_dim3A_4 : f32 to vector<16xf32>
    %scan3A = arith.constant 0 : i32
    %scan3A_6 = arith.constant 0 : i32
    %scan3A_7 = arith.constant 160 : i32
    %scan3A_8 = arith.addi %scan3A_6, %scan3A_7 : i32
    %scan3A_9 = arith.constant 1 : i32
    %scan3A_10 = scf.for %scan3A_19 = %scan3A_6 to %scan3A_8 step %scan3A_9 iter_args(%scan3A_20 = %scan3A) -> (i32)  : i32 {
      %mul3A_21 = arith.constant 4 : i32
      %mul3A_22 = arith.muli %scan3A_19, %mul3A_21 : i32
      %add3A_23 = arith.constant 0 : i32
      %add3A_24 = arith.addi %mul3A_22, %add3A_23 : i32
      %mul3A_25 = arith.constant 16 : i32
      %mul3A_26 = arith.muli %add3A_24, %mul3A_25 : i32
      %swap3A = arith.index_cast %mul3A_26 : i32 to index
      %swap3A_27 = tpu.vector_load %arg5[%swap3A] {strides = array<i32>} : memref<10240xf32, #tpu.memory_space<vmem>>, vector<16xf32>,
      tpu.vector_store %arg5[%swap3A], %broadcast_in_dim3A_3 {strides = array<i32>} : memref<10240xf32, #tpu.memory_space<vmem>>, vector<16xf32>,
      %mul3A_28 = arith.constant 4 : i32
      %mul3A_29 = arith.muli %scan3A_19, %mul3A_28 : i32
      %add3A_30 = arith.constant 1 : i32
      %add3A_31 = arith.addi %mul3A_29, %add3A_30 : i32
      %mul3A_32 = arith.constant 16 : i32
      %mul3A_33 = arith.muli %add3A_31, %mul3A_32 : i32
      %swap3A_34 = arith.index_cast %mul3A_33 : i32 to index
      %swap3A_35 = tpu.vector_load %arg5[%swap3A_34] {strides = array<i32>} : memref<10240xf32, #tpu.memory_space<vmem>>, vector<16xf32>,
      tpu.vector_store %arg5[%swap3A_34], %broadcast_in_dim3A_3 {strides = array<i32>} : memref<10240xf32, #tpu.memory_space<vmem>>, vector<16xf32>,
      %mul3A_36 = arith.constant 4 : i32
      %mul3A_37 = arith.muli %scan3A_19, %mul3A_36 : i32
      %add3A_38 = arith.constant 2 : i32
      %add3A_39 = arith.addi %mul3A_37, %add3A_38 : i32
      %mul3A_40 = arith.constant 16 : i32
      %mul3A_41 = arith.muli %add3A_39, %mul3A_40 : i32
      %swap3A_42 = arith.index_cast %mul3A_41 : i32 to index
      %swap3A_43 = tpu.vector_load %arg5[%swap3A_42] {strides = array<i32>} : memref<10240xf32, #tpu.memory_space<vmem>>, vector<16xf32>,
      tpu.vector_store %arg5[%swap3A_42], %broadcast_in_dim3A_3 {strides = array<i32>} : memref<10240xf32, #tpu.memory_space<vmem>>, vector<16xf32>,
      %mul3A_44 = arith.constant 4 : i32
      %mul3A_45 = arith.muli %scan3A_19, %mul3A_44 : i32
      %add3A_46 = arith.constant 3 : i32
      %add3A_47 = arith.addi %mul3A_45, %add3A_46 : i32
      %mul3A_48 = arith.constant 16 : i32
      %mul3A_49 = arith.muli %add3A_47, %mul3A_48 : i32
      %swap3A_50 = arith.index_cast %mul3A_49 : i32 to index
      %swap3A_51 = tpu.vector_load %arg5[%swap3A_50] {strides = array<i32>} : memref<10240xf32, #tpu.memory_space<vmem>>, vector<16xf32>,
      tpu.vector_store %arg5[%swap3A_50], %broadcast_in_dim3A_3 {strides = array<i32>} : memref<10240xf32, #tpu.memory_space<vmem>>, vector<16xf32>,
      %scan3A_52 = arith.constant 0 : i32
      scf.yield %scan3A_52 : i32
    }
    %scan3A_11 = arith.constant 160 : i32
    %scan3A_12 = arith.constant 0 : i32
    %scan3A_13 = arith.constant 0 : i32
    %scan3A_14 = arith.constant 160 : i32
    %scan3A_15 = arith.addi %scan3A_13, %scan3A_14 : i32
    %scan3A_16 = arith.constant 1 : i32
    %scan3A_17 = scf.for %scan3A_19 = %scan3A_13 to %scan3A_15 step %scan3A_16 iter_args(%scan3A_20 = %scan3A_12) -> (i32)  : i32 {
      %mul3A_21 = arith.constant 4 : i32
      %mul3A_22 = arith.muli %scan3A_19, %mul3A_21 : i32
      %add3A_23 = arith.constant 0 : i32
      %add3A_24 = arith.addi %mul3A_22, %add3A_23 : i32
      %mul3A_25 = arith.constant 16 : i32
      %mul3A_26 = arith.muli %add3A_24, %mul3A_25 : i32
      %get3A = arith.index_cast %mul3A_26 : i32 to index
      %get3A_27 = tpu.vector_load %arg4[%get3A] {strides = array<i32>} : memref<10240xi32, #tpu.memory_space<vmem>>, vector<16xi32>,
      tpu.vector_store_idx %arg5[%get3A_27], %broadcast_in_dim3A_5 {add = true} : memref<10240xf32, #tpu.memory_space<vmem>>[vector<16xi32>], vector<16xf32>,
      %mul3A_28 = arith.constant 4 : i32
      %mul3A_29 = arith.muli %scan3A_19, %mul3A_28 : i32
      %add3A_30 = arith.constant 1 : i32
      %add3A_31 = arith.addi %mul3A_29, %add3A_30 : i32
      %mul3A_32 = arith.constant 16 : i32
      %mul3A_33 = arith.muli %add3A_31, %mul3A_32 : i32
      %get3A_34 = arith.index_cast %mul3A_33 : i32 to index
      %get3A_35 = tpu.vector_load %arg4[%get3A_34] {strides = array<i32>} : memref<10240xi32, #tpu.memory_space<vmem>>, vector<16xi32>,
      tpu.vector_store_idx %arg5[%get3A_35], %broadcast_in_dim3A_5 {add = true} : memref<10240xf32, #tpu.memory_space<vmem>>[vector<16xi32>], vector<16xf32>,
      %mul3A_36 = arith.constant 4 : i32
      %mul3A_37 = arith.muli %scan3A_19, %mul3A_36 : i32
      %add3A_38 = arith.constant 2 : i32
      %add3A_39 = arith.addi %mul3A_37, %add3A_38 : i32
      %mul3A_40 = arith.constant 16 : i32
      %mul3A_41 = arith.muli %add3A_39, %mul3A_40 : i32
      %get3A_42 = arith.index_cast %mul3A_41 : i32 to index
      %get3A_43 = tpu.vector_load %arg4[%get3A_42] {strides = array<i32>} : memref<10240xi32, #tpu.memory_space<vmem>>, vector<16xi32>,
      tpu.vector_store_idx %arg5[%get3A_43], %broadcast_in_dim3A_5 {add = true} : memref<10240xf32, #tpu.memory_space<vmem>>[vector<16xi32>], vector<16xf32>,
      %mul3A_44 = arith.constant 4 : i32
      %mul3A_45 = arith.muli %scan3A_19, %mul3A_44 : i32
      %add3A_46 = arith.constant 3 : i32
      %add3A_47 = arith.addi %mul3A_45, %add3A_46 : i32
      %mul3A_48 = arith.constant 16 : i32
      %mul3A_49 = arith.muli %add3A_47, %mul3A_48 : i32
      %get3A_50 = arith.index_cast %mul3A_49 : i32 to index
      %get3A_51 = tpu.vector_load %arg4[%get3A_50] {strides = array<i32>} : memref<10240xi32, #tpu.memory_space<vmem>>, vector<16xi32>,
      tpu.vector_store_idx %arg5[%get3A_51], %broadcast_in_dim3A_5 {add = true} : memref<10240xf32, #tpu.memory_space<vmem>>[vector<16xi32>], vector<16xf32>,
      %scan3A_52 = arith.constant 0 : i32
      scf.yield %scan3A_52 : i32
    }
    %scan3A_18 = arith.constant 160 : i32
    "tpu.region"() ({
      %run_scoped3A = tpu.sem_alloc : memref<!tpu.dma_semaphore, #tpu.memory_space<semaphore_mem>>
      %dma_start3A = arith.constant 0 : i32
      %dma_start3A_19 = tpu.memref_slice %arg3[%add3A, %dma_start3A] : memref<32x10240xf32, #tpu.memory_space<hbm>> -> memref<1x10240xf32, #tpu.memory_space<hbm>>
      %dma_start3A_20 = tpu.memref_squeeze %dma_start3A_19 : memref<1x10240xf32, #tpu.memory_space<hbm>> -> memref<10240xf32, #tpu.memory_space<hbm>>
      %dma_start3A_21 = arith.constant 0 : i32
      %dma_start3A_22 = tpu.memref_slice %arg3[%add3A, %dma_start3A_21] : memref<32x10240xf32, #tpu.memory_space<hbm>> -> memref<1x10240xf32, #tpu.memory_space<hbm>>
      %dma_start3A_23 = tpu.memref_squeeze %dma_start3A_22 : memref<1x10240xf32, #tpu.memory_space<hbm>> -> memref<10240xf32, #tpu.memory_space<hbm>>
      tpu.enqueue_dma source(%arg5 : memref<10240xf32, #tpu.memory_space<vmem>>) target(%dma_start3A_23 : memref<10240xf32, #tpu.memory_space<hbm>>) target_semaphore(%run_scoped3A : memref<!tpu.dma_semaphore, #tpu.memory_space<semaphore_mem>>)
      %dma_wait3A = arith.constant 0 : i32
      %dma_wait3A_24 = tpu.memref_slice %arg3[%add3A, %dma_wait3A] : memref<32x10240xf32, #tpu.memory_space<hbm>> -> memref<1x10240xf32, #tpu.memory_space<hbm>>
      %dma_wait3A_25 = tpu.memref_squeeze %dma_wait3A_24 : memref<1x10240xf32, #tpu.memory_space<hbm>> -> memref<10240xf32, #tpu.memory_space<hbm>>
      %dma_wait3A_26 = arith.constant 0 : i32
      %dma_wait3A_27 = tpu.memref_slice %arg3[%add3A, %dma_wait3A_26] : memref<32x10240xf32, #tpu.memory_space<hbm>> -> memref<1x10240xf32, #tpu.memory_space<hbm>>
      %dma_wait3A_28 = tpu.memref_squeeze %dma_wait3A_27 : memref<1x10240xf32, #tpu.memory_space<hbm>> -> memref<10240xf32, #tpu.memory_space<hbm>>
      tpu.wait_dma2 semaphore(%run_scoped3A : memref<!tpu.dma_semaphore, #tpu.memory_space<semaphore_mem>>) src(%arg5 : memref<10240xf32, #tpu.memory_space<vmem>>) dst(%dma_wait3A_28 : memref<10240xf32, #tpu.memory_space<hbm>>)
      tpu.yield
    }) : () -> ()
    return
  }
}

#map = affine_map<(d0, d1) -> (0, 0)>
module attributes {stable_mosaic.version = 14 : i64} {
  func.func @_agg(%arg0: i32, %arg1: i32, %arg2: memref<10240x64xbf16, #tpu.memory_space<hbm>>, %arg3: memref<2560x128xi32, #tpu.memory_space<hbm>>, %arg4: memref<2560x128xi32, #tpu.memory_space<hbm>>, %arg5: memref<10240x64xbf16, #tpu.memory_space<hbm>>, %arg6: memref<20480x64xbf16, #tpu.memory_space<hbm>>, %arg7: memref<80x128xi32, #tpu.memory_space<vmem>>, %arg8: memref<80x128xi32, #tpu.memory_space<vmem>>, %arg9: memref<128x64xbf16, #tpu.memory_space<vmem>>, %arg10: memref<128x64xbf16, #tpu.memory_space<vmem>>, %arg11: memref<128x64xbf16, #tpu.memory_space<vmem>>, %arg12: memref<128x64xbf16, #tpu.memory_space<vmem>>, %arg13: memref<128x64xbf16, #tpu.memory_space<vmem>>, %arg14: memref<128x64xbf16, #tpu.memory_space<vmem>>, %arg15: memref<128x64xbf16, #tpu.memory_space<vmem>>, %arg16: memref<128x64xbf16, #tpu.memory_space<vmem>>, %arg17: memref<!tpu.dma_semaphore, #tpu.memory_space<semaphore_mem>>, %arg18: memref<!tpu.dma_semaphore, #tpu.memory_space<semaphore_mem>>, %arg19: memref<!tpu.dma_semaphore, #tpu.memory_space<semaphore_mem>>, %arg20: memref<!tpu.dma_semaphore, #tpu.memory_space<semaphore_mem>>, %arg21: memref<!tpu.dma_semaphore, #tpu.memory_space<semaphore_mem>>, %arg22: memref<!tpu.dma_semaphore, #tpu.memory_space<semaphore_mem>>, %arg23: memref<!tpu.dma_semaphore, #tpu.memory_space<semaphore_mem>>, %arg24: memref<!tpu.dma_semaphore, #tpu.memory_space<semaphore_mem>>, %arg25: memref<!tpu.dma_semaphore, #tpu.memory_space<semaphore_mem>>, %arg26: memref<!tpu.dma_semaphore, #tpu.memory_space<semaphore_mem>>, %arg27: memref<!tpu.dma_semaphore, #tpu.memory_space<semaphore_mem>>, %arg28: memref<!tpu.dma_semaphore, #tpu.memory_space<semaphore_mem>>, %arg29: memref<!tpu.dma_semaphore, #tpu.memory_space<semaphore_mem>>, %arg30: memref<!tpu.dma_semaphore, #tpu.memory_space<semaphore_mem>>, %arg31: memref<!tpu.dma_semaphore, #tpu.memory_space<semaphore_mem>>, %arg32: memref<!tpu.dma_semaphore, #tpu.memory_space<semaphore_mem>>, %arg33: memref<10240x64xbf16, #tpu.memory_space<vmem_shared>>, %arg34: memref<10240x64xbf16, #tpu.memory_space<vmem_shared>>) attributes {dimension_semantics = [#tpu.dimension_semantics<core_parallel>, #tpu.dimension_semantics<subcore_parallel>], iteration_bounds = array<i64: 2, 16>, scalar_prefetch = 0 : i64, scratch_operands = 28 : i64, tpu.core_type = #tpu.core_type<sc_vector_subcore>, window_params = [{transform_indices = #map}, {transform_indices = #map}, {transform_indices = #map}, {transform_indices = #map}, {transform_indices = #map}]} {
    %mul3A = arith.constant 2 : i32
    %mul3A_0 = arith.muli %arg1, %mul3A : i32
    %add3A = arith.addi %mul3A_0, %arg0 : i32
    %mul3A_1 = arith.constant 640 : i32
    %mul3A_2 = arith.muli %arg1, %mul3A_1 : i32
    %mul3A_3 = arith.constant 640 : i32
    %mul3A_4 = arith.muli %arg1, %mul3A_3 : i32
    "tpu.region"() ({
      %run_scoped3A = tpu.sem_alloc : memref<!tpu.dma_semaphore, #tpu.memory_space<semaphore_mem>>
      %dma_start3A_109 = arith.constant 0 : i32
      %dma_start3A_110 = tpu.memref_slice %arg33[%mul3A_4, %dma_start3A_109] : memref<10240x64xbf16, #tpu.memory_space<vmem_shared>> -> memref<640x64xbf16, #tpu.memory_space<vmem_shared>>
      %dma_start3A_111 = arith.constant 0 : i32
      %dma_start3A_112 = tpu.memref_slice %arg5[%mul3A_2, %dma_start3A_111] : memref<10240x64xbf16, #tpu.memory_space<hbm>> -> memref<640x64xbf16, #tpu.memory_space<hbm>>
      tpu.enqueue_dma source(%dma_start3A_112 : memref<640x64xbf16, #tpu.memory_space<hbm>>) target(%dma_start3A_110 : memref<640x64xbf16, #tpu.memory_space<vmem_shared>>) target_semaphore(%run_scoped3A : memref<!tpu.dma_semaphore, #tpu.memory_space<semaphore_mem>>)
      %dma_wait3A_113 = arith.constant 0 : i32
      %dma_wait3A_114 = tpu.memref_slice %arg33[%mul3A_4, %dma_wait3A_113] : memref<10240x64xbf16, #tpu.memory_space<vmem_shared>> -> memref<640x64xbf16, #tpu.memory_space<vmem_shared>>
      %dma_wait3A_115 = arith.constant 0 : i32
      %dma_wait3A_116 = tpu.memref_slice %arg5[%mul3A_2, %dma_wait3A_115] : memref<10240x64xbf16, #tpu.memory_space<hbm>> -> memref<640x64xbf16, #tpu.memory_space<hbm>>
      tpu.wait_dma2 semaphore(%run_scoped3A : memref<!tpu.dma_semaphore, #tpu.memory_space<semaphore_mem>>) src(%dma_wait3A_116 : memref<640x64xbf16, #tpu.memory_space<hbm>>) dst(%dma_wait3A_114 : memref<640x64xbf16, #tpu.memory_space<vmem_shared>>)
      tpu.yield
    }) : () -> ()
    %mul3A_5 = arith.constant 640 : i32
    %mul3A_6 = arith.muli %arg1, %mul3A_5 : i32
    %mul3A_7 = arith.constant 640 : i32
    %mul3A_8 = arith.muli %arg1, %mul3A_7 : i32
    "tpu.region"() ({
      %run_scoped3A = tpu.sem_alloc : memref<!tpu.dma_semaphore, #tpu.memory_space<semaphore_mem>>
      %dma_start3A_109 = arith.constant 0 : i32
      %dma_start3A_110 = tpu.memref_slice %arg34[%mul3A_8, %dma_start3A_109] : memref<10240x64xbf16, #tpu.memory_space<vmem_shared>> -> memref<640x64xbf16, #tpu.memory_space<vmem_shared>>
      %dma_start3A_111 = arith.constant 0 : i32
      %dma_start3A_112 = tpu.memref_slice %arg2[%mul3A_6, %dma_start3A_111] : memref<10240x64xbf16, #tpu.memory_space<hbm>> -> memref<640x64xbf16, #tpu.memory_space<hbm>>
      tpu.enqueue_dma source(%dma_start3A_112 : memref<640x64xbf16, #tpu.memory_space<hbm>>) target(%dma_start3A_110 : memref<640x64xbf16, #tpu.memory_space<vmem_shared>>) target_semaphore(%run_scoped3A : memref<!tpu.dma_semaphore, #tpu.memory_space<semaphore_mem>>)
      %dma_wait3A_113 = arith.constant 0 : i32
      %dma_wait3A_114 = tpu.memref_slice %arg34[%mul3A_8, %dma_wait3A_113] : memref<10240x64xbf16, #tpu.memory_space<vmem_shared>> -> memref<640x64xbf16, #tpu.memory_space<vmem_shared>>
      %dma_wait3A_115 = arith.constant 0 : i32
      %dma_wait3A_116 = tpu.memref_slice %arg2[%mul3A_6, %dma_wait3A_115] : memref<10240x64xbf16, #tpu.memory_space<hbm>> -> memref<640x64xbf16, #tpu.memory_space<hbm>>
      tpu.wait_dma2 semaphore(%run_scoped3A : memref<!tpu.dma_semaphore, #tpu.memory_space<semaphore_mem>>) src(%dma_wait3A_116 : memref<640x64xbf16, #tpu.memory_space<hbm>>) dst(%dma_wait3A_114 : memref<640x64xbf16, #tpu.memory_space<vmem_shared>>)
      tpu.yield
    }) : () -> ()
    %mul3A_9 = arith.constant 80 : i32
    %mul3A_10 = arith.muli %add3A, %mul3A_9 : i32
    "tpu.region"() ({
      %run_scoped3A = tpu.sem_alloc : memref<!tpu.dma_semaphore, #tpu.memory_space<semaphore_mem>>
      %dma_start3A_109 = arith.constant 0 : i32
      %dma_start3A_110 = tpu.memref_slice %arg3[%mul3A_10, %dma_start3A_109] : memref<2560x128xi32, #tpu.memory_space<hbm>> -> memref<80x128xi32, #tpu.memory_space<hbm>>
      %dma_start3A_111 = arith.constant 0 : i32
      %dma_start3A_112 = tpu.memref_slice %arg3[%mul3A_10, %dma_start3A_111] : memref<2560x128xi32, #tpu.memory_space<hbm>> -> memref<80x128xi32, #tpu.memory_space<hbm>>
      tpu.enqueue_dma source(%dma_start3A_112 : memref<80x128xi32, #tpu.memory_space<hbm>>) target(%arg7 : memref<80x128xi32, #tpu.memory_space<vmem>>) target_semaphore(%run_scoped3A : memref<!tpu.dma_semaphore, #tpu.memory_space<semaphore_mem>>)
      %dma_wait3A_113 = arith.constant 0 : i32
      %dma_wait3A_114 = tpu.memref_slice %arg3[%mul3A_10, %dma_wait3A_113] : memref<2560x128xi32, #tpu.memory_space<hbm>> -> memref<80x128xi32, #tpu.memory_space<hbm>>
      %dma_wait3A_115 = arith.constant 0 : i32
      %dma_wait3A_116 = tpu.memref_slice %arg3[%mul3A_10, %dma_wait3A_115] : memref<2560x128xi32, #tpu.memory_space<hbm>> -> memref<80x128xi32, #tpu.memory_space<hbm>>
      tpu.wait_dma2 semaphore(%run_scoped3A : memref<!tpu.dma_semaphore, #tpu.memory_space<semaphore_mem>>) src(%dma_wait3A_116 : memref<80x128xi32, #tpu.memory_space<hbm>>) dst(%arg7 : memref<80x128xi32, #tpu.memory_space<vmem>>)
      tpu.yield
    }) : () -> ()
    %mul3A_11 = arith.constant 80 : i32
    %mul3A_12 = arith.muli %add3A, %mul3A_11 : i32
    "tpu.region"() ({
      %run_scoped3A = tpu.sem_alloc : memref<!tpu.dma_semaphore, #tpu.memory_space<semaphore_mem>>
      %dma_start3A_109 = arith.constant 0 : i32
      %dma_start3A_110 = tpu.memref_slice %arg4[%mul3A_12, %dma_start3A_109] : memref<2560x128xi32, #tpu.memory_space<hbm>> -> memref<80x128xi32, #tpu.memory_space<hbm>>
      %dma_start3A_111 = arith.constant 0 : i32
      %dma_start3A_112 = tpu.memref_slice %arg4[%mul3A_12, %dma_start3A_111] : memref<2560x128xi32, #tpu.memory_space<hbm>> -> memref<80x128xi32, #tpu.memory_space<hbm>>
      tpu.enqueue_dma source(%dma_start3A_112 : memref<80x128xi32, #tpu.memory_space<hbm>>) target(%arg8 : memref<80x128xi32, #tpu.memory_space<vmem>>) target_semaphore(%run_scoped3A : memref<!tpu.dma_semaphore, #tpu.memory_space<semaphore_mem>>)
      %dma_wait3A_113 = arith.constant 0 : i32
      %dma_wait3A_114 = tpu.memref_slice %arg4[%mul3A_12, %dma_wait3A_113] : memref<2560x128xi32, #tpu.memory_space<hbm>> -> memref<80x128xi32, #tpu.memory_space<hbm>>
      %dma_wait3A_115 = arith.constant 0 : i32
      %dma_wait3A_116 = tpu.memref_slice %arg4[%mul3A_12, %dma_wait3A_115] : memref<2560x128xi32, #tpu.memory_space<hbm>> -> memref<80x128xi32, #tpu.memory_space<hbm>>
      tpu.wait_dma2 semaphore(%run_scoped3A : memref<!tpu.dma_semaphore, #tpu.memory_space<semaphore_mem>>) src(%dma_wait3A_116 : memref<80x128xi32, #tpu.memory_space<hbm>>) dst(%arg8 : memref<80x128xi32, #tpu.memory_space<vmem>>)
      tpu.yield
    }) : () -> ()
    %barrier3A = arith.constant 0 : index
    tpu.barrier barrier_id(%barrier3A)
    %dma_start3A = arith.constant 0 : i32
    %dma_start3A_13 = arith.constant 0 : i32
    %dma_start3A_14 = tpu.memref_slice %arg7[%dma_start3A, %dma_start3A_13] : memref<80x128xi32, #tpu.memory_space<vmem>> -> memref<1x128xi32, #tpu.memory_space<vmem>>
    %dma_start3A_15 = tpu.memref_squeeze %dma_start3A_14 : memref<1x128xi32, #tpu.memory_space<vmem>> -> memref<128xi32, #tpu.memory_space<vmem>>
    %dma_start3A_16 = arith.constant 0 : i32
    %dma_start3A_17 = arith.constant 0 : i32
    %dma_start3A_18 = tpu.memref_slice %arg34[%dma_start3A_16, %dma_start3A_17] : memref<10240x64xbf16, #tpu.memory_space<vmem_shared>> -> memref<10240x64xbf16, #tpu.memory_space<vmem_shared>>
    tpu.enqueue_indirect_dma source(%dma_start3A_18 : memref<10240x64xbf16, #tpu.memory_space<vmem_shared>>) target(%arg9 : memref<128x64xbf16, #tpu.memory_space<vmem>>) offsets(%dma_start3A_15 : memref<128xi32, #tpu.memory_space<vmem>>) semaphore(%arg17 : memref<!tpu.dma_semaphore, #tpu.memory_space<semaphore_mem>>)
    %dma_start3A_19 = arith.constant 1 : i32
    %dma_start3A_20 = arith.constant 0 : i32
    %dma_start3A_21 = tpu.memref_slice %arg7[%dma_start3A_19, %dma_start3A_20] : memref<80x128xi32, #tpu.memory_space<vmem>> -> memref<1x128xi32, #tpu.memory_space<vmem>>
    %dma_start3A_22 = tpu.memref_squeeze %dma_start3A_21 : memref<1x128xi32, #tpu.memory_space<vmem>> -> memref<128xi32, #tpu.memory_space<vmem>>
    %dma_start3A_23 = arith.constant 0 : i32
    %dma_start3A_24 = arith.constant 0 : i32
    %dma_start3A_25 = tpu.memref_slice %arg34[%dma_start3A_23, %dma_start3A_24] : memref<10240x64xbf16, #tpu.memory_space<vmem_shared>> -> memref<10240x64xbf16, #tpu.memory_space<vmem_shared>>
    tpu.enqueue_indirect_dma source(%dma_start3A_25 : memref<10240x64xbf16, #tpu.memory_space<vmem_shared>>) target(%arg10 : memref<128x64xbf16, #tpu.memory_space<vmem>>) offsets(%dma_start3A_22 : memref<128xi32, #tpu.memory_space<vmem>>) semaphore(%arg18 : memref<!tpu.dma_semaphore, #tpu.memory_space<semaphore_mem>>)
    %dma_start3A_26 = arith.constant 2 : i32
    %dma_start3A_27 = arith.constant 0 : i32
    %dma_start3A_28 = tpu.memref_slice %arg7[%dma_start3A_26, %dma_start3A_27] : memref<80x128xi32, #tpu.memory_space<vmem>> -> memref<1x128xi32, #tpu.memory_space<vmem>>
    %dma_start3A_29 = tpu.memref_squeeze %dma_start3A_28 : memref<1x128xi32, #tpu.memory_space<vmem>> -> memref<128xi32, #tpu.memory_space<vmem>>
    %dma_start3A_30 = arith.constant 0 : i32
    %dma_start3A_31 = arith.constant 0 : i32
    %dma_start3A_32 = tpu.memref_slice %arg34[%dma_start3A_30, %dma_start3A_31] : memref<10240x64xbf16, #tpu.memory_space<vmem_shared>> -> memref<10240x64xbf16, #tpu.memory_space<vmem_shared>>
    tpu.enqueue_indirect_dma source(%dma_start3A_32 : memref<10240x64xbf16, #tpu.memory_space<vmem_shared>>) target(%arg11 : memref<128x64xbf16, #tpu.memory_space<vmem>>) offsets(%dma_start3A_29 : memref<128xi32, #tpu.memory_space<vmem>>) semaphore(%arg19 : memref<!tpu.dma_semaphore, #tpu.memory_space<semaphore_mem>>)
    %dma_start3A_33 = arith.constant 3 : i32
    %dma_start3A_34 = arith.constant 0 : i32
    %dma_start3A_35 = tpu.memref_slice %arg7[%dma_start3A_33, %dma_start3A_34] : memref<80x128xi32, #tpu.memory_space<vmem>> -> memref<1x128xi32, #tpu.memory_space<vmem>>
    %dma_start3A_36 = tpu.memref_squeeze %dma_start3A_35 : memref<1x128xi32, #tpu.memory_space<vmem>> -> memref<128xi32, #tpu.memory_space<vmem>>
    %dma_start3A_37 = arith.constant 0 : i32
    %dma_start3A_38 = arith.constant 0 : i32
    %dma_start3A_39 = tpu.memref_slice %arg34[%dma_start3A_37, %dma_start3A_38] : memref<10240x64xbf16, #tpu.memory_space<vmem_shared>> -> memref<10240x64xbf16, #tpu.memory_space<vmem_shared>>
    tpu.enqueue_indirect_dma source(%dma_start3A_39 : memref<10240x64xbf16, #tpu.memory_space<vmem_shared>>) target(%arg12 : memref<128x64xbf16, #tpu.memory_space<vmem>>) offsets(%dma_start3A_36 : memref<128xi32, #tpu.memory_space<vmem>>) semaphore(%arg20 : memref<!tpu.dma_semaphore, #tpu.memory_space<semaphore_mem>>)
    %scan3A = arith.constant 0 : i32
    %scan3A_40 = arith.constant 0 : i32
    %scan3A_41 = arith.constant 10 : i32
    %scan3A_42 = arith.addi %scan3A_40, %scan3A_41 : i32
    %scan3A_43 = arith.constant 1 : i32
    %scan3A_44 = scf.for %scan3A_109 = %scan3A_40 to %scan3A_42 step %scan3A_43 iter_args(%scan3A_110 = %scan3A) -> (i32)  : i32 {
      %mul3A_111 = arith.constant 8 : i32
      %mul3A_112 = arith.muli %scan3A_109, %mul3A_111 : i32
      %add3A_113 = arith.constant 0 : i32
      %add3A_114 = arith.addi %mul3A_112, %add3A_113 : i32
      %dma_wait3A_115 = arith.constant 0 : i32
      %dma_wait3A_116 = arith.constant 0 : i32
      %dma_wait3A_117 = tpu.memref_slice %arg7[%dma_wait3A_115, %dma_wait3A_116] : memref<80x128xi32, #tpu.memory_space<vmem>> -> memref<1x128xi32, #tpu.memory_space<vmem>>
      %dma_wait3A_118 = tpu.memref_squeeze %dma_wait3A_117 : memref<1x128xi32, #tpu.memory_space<vmem>> -> memref<128xi32, #tpu.memory_space<vmem>>
      %dma_wait3A_119 = arith.constant 0 : i32
      %dma_wait3A_120 = arith.constant 0 : i32
      %dma_wait3A_121 = tpu.memref_slice %arg34[%dma_wait3A_119, %dma_wait3A_120] : memref<10240x64xbf16, #tpu.memory_space<vmem_shared>> -> memref<10240x64xbf16, #tpu.memory_space<vmem_shared>>
      tpu.wait_indirect_dma semaphore(%arg17 : memref<!tpu.dma_semaphore, #tpu.memory_space<semaphore_mem>>) src(%dma_wait3A_121 : memref<10240x64xbf16, #tpu.memory_space<vmem_shared>>) dst(%arg9 : memref<128x64xbf16, #tpu.memory_space<vmem>>)
      %dma_start3A_122 = arith.constant 0 : i32
      %dma_start3A_123 = tpu.memref_slice %arg8[%add3A_114, %dma_start3A_122] : memref<80x128xi32, #tpu.memory_space<vmem>> -> memref<1x128xi32, #tpu.memory_space<vmem>>
      %dma_start3A_124 = tpu.memref_squeeze %dma_start3A_123 : memref<1x128xi32, #tpu.memory_space<vmem>> -> memref<128xi32, #tpu.memory_space<vmem>>
      %dma_start3A_125 = arith.constant 0 : i32
      %dma_start3A_126 = arith.constant 0 : i32
      %dma_start3A_127 = tpu.memref_slice %arg33[%dma_start3A_125, %dma_start3A_126] : memref<10240x64xbf16, #tpu.memory_space<vmem_shared>> -> memref<10240x64xbf16, #tpu.memory_space<vmem_shared>>
      tpu.enqueue_indirect_dma source(%arg9 : memref<128x64xbf16, #tpu.memory_space<vmem>>) target(%dma_start3A_127 : memref<10240x64xbf16, #tpu.memory_space<vmem_shared>>) offsets(%dma_start3A_124 : memref<128xi32, #tpu.memory_space<vmem>>) semaphore(%arg25 : memref<!tpu.dma_semaphore, #tpu.memory_space<semaphore_mem>>) {add = true}
      %add3A_128 = arith.constant 4 : i32
      %add3A_129 = arith.addi %add3A_114, %add3A_128 : i32
      %lt3A = arith.constant 80 : i32
      %lt3A_130 = arith.cmpi slt, %add3A_129, %lt3A : i32
      %convert_element_type3A = arith.extui %lt3A_130 : i1 to i32
      %cond3A = arith.constant 0 : i32
      %cond3A_131 = arith.cmpi ne, %convert_element_type3A, %cond3A : i32
      scf.if %cond3A_131 {
        %ge3A = arith.constant 8 : i32
        %ge3A_301 = arith.cmpi sge, %add3A_129, %ge3A : i32
        %convert_element_type3A_302 = arith.extui %ge3A_301 : i1 to i32
        %cond3A_303 = arith.constant 0 : i32
        %cond3A_304 = arith.cmpi ne, %convert_element_type3A_302, %cond3A_303 : i32
        scf.if %cond3A_304 {
          %dma_wait3A_311 = arith.constant 0 : i32
          %dma_wait3A_312 = arith.constant 0 : i32
          %dma_wait3A_313 = tpu.memref_slice %arg8[%dma_wait3A_311, %dma_wait3A_312] : memref<80x128xi32, #tpu.memory_space<vmem>> -> memref<1x128xi32, #tpu.memory_space<vmem>>
          %dma_wait3A_314 = tpu.memref_squeeze %dma_wait3A_313 : memref<1x128xi32, #tpu.memory_space<vmem>> -> memref<128xi32, #tpu.memory_space<vmem>>
          %dma_wait3A_315 = arith.constant 0 : i32
          %dma_wait3A_316 = arith.constant 0 : i32
          %dma_wait3A_317 = tpu.memref_slice %arg33[%dma_wait3A_315, %dma_wait3A_316] : memref<10240x64xbf16, #tpu.memory_space<vmem_shared>> -> memref<10240x64xbf16, #tpu.memory_space<vmem_shared>>
          tpu.wait_indirect_dma semaphore(%arg29 : memref<!tpu.dma_semaphore, #tpu.memory_space<semaphore_mem>>) src(%arg13 : memref<128x64xbf16, #tpu.memory_space<vmem>>) dst(%dma_wait3A_317 : memref<10240x64xbf16, #tpu.memory_space<vmem_shared>>)
        } else {
        }
        %dma_start3A_305 = arith.constant 0 : i32
        %dma_start3A_306 = tpu.memref_slice %arg7[%add3A_129, %dma_start3A_305] : memref<80x128xi32, #tpu.memory_space<vmem>> -> memref<1x128xi32, #tpu.memory_space<vmem>>
        %dma_start3A_307 = tpu.memref_squeeze %dma_start3A_306 : memref<1x128xi32, #tpu.memory_space<vmem>> -> memref<128xi32, #tpu.memory_space<vmem>>
        %dma_start3A_308 = arith.constant 0 : i32
        %dma_start3A_309 = arith.constant 0 : i32
        %dma_start3A_310 = tpu.memref_slice %arg34[%dma_start3A_308, %dma_start3A_309] : memref<10240x64xbf16, #tpu.memory_space<vmem_shared>> -> memref<10240x64xbf16, #tpu.memory_space<vmem_shared>>
        tpu.enqueue_indirect_dma source(%dma_start3A_310 : memref<10240x64xbf16, #tpu.memory_space<vmem_shared>>) target(%arg13 : memref<128x64xbf16, #tpu.memory_space<vmem>>) offsets(%dma_start3A_307 : memref<128xi32, #tpu.memory_space<vmem>>) semaphore(%arg21 : memref<!tpu.dma_semaphore, #tpu.memory_space<semaphore_mem>>)
      } else {
      }
      %mul3A_132 = arith.constant 8 : i32
      %mul3A_133 = arith.muli %scan3A_109, %mul3A_132 : i32
      %add3A_134 = arith.constant 1 : i32
      %add3A_135 = arith.addi %mul3A_133, %add3A_134 : i32
      %dma_wait3A_136 = arith.constant 0 : i32
      %dma_wait3A_137 = arith.constant 0 : i32
      %dma_wait3A_138 = tpu.memref_slice %arg7[%dma_wait3A_136, %dma_wait3A_137] : memref<80x128xi32, #tpu.memory_space<vmem>> -> memref<1x128xi32, #tpu.memory_space<vmem>>
      %dma_wait3A_139 = tpu.memref_squeeze %dma_wait3A_138 : memref<1x128xi32, #tpu.memory_space<vmem>> -> memref<128xi32, #tpu.memory_space<vmem>>
      %dma_wait3A_140 = arith.constant 0 : i32
      %dma_wait3A_141 = arith.constant 0 : i32
      %dma_wait3A_142 = tpu.memref_slice %arg34[%dma_wait3A_140, %dma_wait3A_141] : memref<10240x64xbf16, #tpu.memory_space<vmem_shared>> -> memref<10240x64xbf16, #tpu.memory_space<vmem_shared>>
      tpu.wait_indirect_dma semaphore(%arg18 : memref<!tpu.dma_semaphore, #tpu.memory_space<semaphore_mem>>) src(%dma_wait3A_142 : memref<10240x64xbf16, #tpu.memory_space<vmem_shared>>) dst(%arg10 : memref<128x64xbf16, #tpu.memory_space<vmem>>)
      %dma_start3A_143 = arith.constant 0 : i32
      %dma_start3A_144 = tpu.memref_slice %arg8[%add3A_135, %dma_start3A_143] : memref<80x128xi32, #tpu.memory_space<vmem>> -> memref<1x128xi32, #tpu.memory_space<vmem>>
      %dma_start3A_145 = tpu.memref_squeeze %dma_start3A_144 : memref<1x128xi32, #tpu.memory_space<vmem>> -> memref<128xi32, #tpu.memory_space<vmem>>
      %dma_start3A_146 = arith.constant 0 : i32
      %dma_start3A_147 = arith.constant 0 : i32
      %dma_start3A_148 = tpu.memref_slice %arg33[%dma_start3A_146, %dma_start3A_147] : memref<10240x64xbf16, #tpu.memory_space<vmem_shared>> -> memref<10240x64xbf16, #tpu.memory_space<vmem_shared>>
      tpu.enqueue_indirect_dma source(%arg10 : memref<128x64xbf16, #tpu.memory_space<vmem>>) target(%dma_start3A_148 : memref<10240x64xbf16, #tpu.memory_space<vmem_shared>>) offsets(%dma_start3A_145 : memref<128xi32, #tpu.memory_space<vmem>>) semaphore(%arg26 : memref<!tpu.dma_semaphore, #tpu.memory_space<semaphore_mem>>) {add = true}
      %add3A_149 = arith.constant 4 : i32
      %add3A_150 = arith.addi %add3A_135, %add3A_149 : i32
      %lt3A_151 = arith.constant 80 : i32
      %lt3A_152 = arith.cmpi slt, %add3A_150, %lt3A_151 : i32
      %convert_element_type3A_153 = arith.extui %lt3A_152 : i1 to i32
      %cond3A_154 = arith.constant 0 : i32
      %cond3A_155 = arith.cmpi ne, %convert_element_type3A_153, %cond3A_154 : i32
      scf.if %cond3A_155 {
        %ge3A = arith.constant 8 : i32
        %ge3A_301 = arith.cmpi sge, %add3A_150, %ge3A : i32
        %convert_element_type3A_302 = arith.extui %ge3A_301 : i1 to i32
        %cond3A_303 = arith.constant 0 : i32
        %cond3A_304 = arith.cmpi ne, %convert_element_type3A_302, %cond3A_303 : i32
        scf.if %cond3A_304 {
          %dma_wait3A_311 = arith.constant 0 : i32
          %dma_wait3A_312 = arith.constant 0 : i32
          %dma_wait3A_313 = tpu.memref_slice %arg8[%dma_wait3A_311, %dma_wait3A_312] : memref<80x128xi32, #tpu.memory_space<vmem>> -> memref<1x128xi32, #tpu.memory_space<vmem>>
          %dma_wait3A_314 = tpu.memref_squeeze %dma_wait3A_313 : memref<1x128xi32, #tpu.memory_space<vmem>> -> memref<128xi32, #tpu.memory_space<vmem>>
          %dma_wait3A_315 = arith.constant 0 : i32
          %dma_wait3A_316 = arith.constant 0 : i32
          %dma_wait3A_317 = tpu.memref_slice %arg33[%dma_wait3A_315, %dma_wait3A_316] : memref<10240x64xbf16, #tpu.memory_space<vmem_shared>> -> memref<10240x64xbf16, #tpu.memory_space<vmem_shared>>
          tpu.wait_indirect_dma semaphore(%arg30 : memref<!tpu.dma_semaphore, #tpu.memory_space<semaphore_mem>>) src(%arg14 : memref<128x64xbf16, #tpu.memory_space<vmem>>) dst(%dma_wait3A_317 : memref<10240x64xbf16, #tpu.memory_space<vmem_shared>>)
        } else {
        }
        %dma_start3A_305 = arith.constant 0 : i32
        %dma_start3A_306 = tpu.memref_slice %arg7[%add3A_150, %dma_start3A_305] : memref<80x128xi32, #tpu.memory_space<vmem>> -> memref<1x128xi32, #tpu.memory_space<vmem>>
        %dma_start3A_307 = tpu.memref_squeeze %dma_start3A_306 : memref<1x128xi32, #tpu.memory_space<vmem>> -> memref<128xi32, #tpu.memory_space<vmem>>
        %dma_start3A_308 = arith.constant 0 : i32
        %dma_start3A_309 = arith.constant 0 : i32
        %dma_start3A_310 = tpu.memref_slice %arg34[%dma_start3A_308, %dma_start3A_309] : memref<10240x64xbf16, #tpu.memory_space<vmem_shared>> -> memref<10240x64xbf16, #tpu.memory_space<vmem_shared>>
        tpu.enqueue_indirect_dma source(%dma_start3A_310 : memref<10240x64xbf16, #tpu.memory_space<vmem_shared>>) target(%arg14 : memref<128x64xbf16, #tpu.memory_space<vmem>>) offsets(%dma_start3A_307 : memref<128xi32, #tpu.memory_space<vmem>>) semaphore(%arg22 : memref<!tpu.dma_semaphore, #tpu.memory_space<semaphore_mem>>)
      } else {
      }
      %mul3A_156 = arith.constant 8 : i32
      %mul3A_157 = arith.muli %scan3A_109, %mul3A_156 : i32
      %add3A_158 = arith.constant 2 : i32
      %add3A_159 = arith.addi %mul3A_157, %add3A_158 : i32
      %dma_wait3A_160 = arith.constant 0 : i32
      %dma_wait3A_161 = arith.constant 0 : i32
      %dma_wait3A_162 = tpu.memref_slice %arg7[%dma_wait3A_160, %dma_wait3A_161] : memref<80x128xi32, #tpu.memory_space<vmem>> -> memref<1x128xi32, #tpu.memory_space<vmem>>
      %dma_wait3A_163 = tpu.memref_squeeze %dma_wait3A_162 : memref<1x128xi32, #tpu.memory_space<vmem>> -> memref<128xi32, #tpu.memory_space<vmem>>
      %dma_wait3A_164 = arith.constant 0 : i32
      %dma_wait3A_165 = arith.constant 0 : i32
      %dma_wait3A_166 = tpu.memref_slice %arg34[%dma_wait3A_164, %dma_wait3A_165] : memref<10240x64xbf16, #tpu.memory_space<vmem_shared>> -> memref<10240x64xbf16, #tpu.memory_space<vmem_shared>>
      tpu.wait_indirect_dma semaphore(%arg19 : memref<!tpu.dma_semaphore, #tpu.memory_space<semaphore_mem>>) src(%dma_wait3A_166 : memref<10240x64xbf16, #tpu.memory_space<vmem_shared>>) dst(%arg11 : memref<128x64xbf16, #tpu.memory_space<vmem>>)
      %dma_start3A_167 = arith.constant 0 : i32
      %dma_start3A_168 = tpu.memref_slice %arg8[%add3A_159, %dma_start3A_167] : memref<80x128xi32, #tpu.memory_space<vmem>> -> memref<1x128xi32, #tpu.memory_space<vmem>>
      %dma_start3A_169 = tpu.memref_squeeze %dma_start3A_168 : memref<1x128xi32, #tpu.memory_space<vmem>> -> memref<128xi32, #tpu.memory_space<vmem>>
      %dma_start3A_170 = arith.constant 0 : i32
      %dma_start3A_171 = arith.constant 0 : i32
      %dma_start3A_172 = tpu.memref_slice %arg33[%dma_start3A_170, %dma_start3A_171] : memref<10240x64xbf16, #tpu.memory_space<vmem_shared>> -> memref<10240x64xbf16, #tpu.memory_space<vmem_shared>>
      tpu.enqueue_indirect_dma source(%arg11 : memref<128x64xbf16, #tpu.memory_space<vmem>>) target(%dma_start3A_172 : memref<10240x64xbf16, #tpu.memory_space<vmem_shared>>) offsets(%dma_start3A_169 : memref<128xi32, #tpu.memory_space<vmem>>) semaphore(%arg27 : memref<!tpu.dma_semaphore, #tpu.memory_space<semaphore_mem>>) {add = true}
      %add3A_173 = arith.constant 4 : i32
      %add3A_174 = arith.addi %add3A_159, %add3A_173 : i32
      %lt3A_175 = arith.constant 80 : i32
      %lt3A_176 = arith.cmpi slt, %add3A_174, %lt3A_175 : i32
      %convert_element_type3A_177 = arith.extui %lt3A_176 : i1 to i32
      %cond3A_178 = arith.constant 0 : i32
      %cond3A_179 = arith.cmpi ne, %convert_element_type3A_177, %cond3A_178 : i32
      scf.if %cond3A_179 {
        %ge3A = arith.constant 8 : i32
        %ge3A_301 = arith.cmpi sge, %add3A_174, %ge3A : i32
        %convert_element_type3A_302 = arith.extui %ge3A_301 : i1 to i32
        %cond3A_303 = arith.constant 0 : i32
        %cond3A_304 = arith.cmpi ne, %convert_element_type3A_302, %cond3A_303 : i32
        scf.if %cond3A_304 {
          %dma_wait3A_311 = arith.constant 0 : i32
          %dma_wait3A_312 = arith.constant 0 : i32
          %dma_wait3A_313 = tpu.memref_slice %arg8[%dma_wait3A_311, %dma_wait3A_312] : memref<80x128xi32, #tpu.memory_space<vmem>> -> memref<1x128xi32, #tpu.memory_space<vmem>>
          %dma_wait3A_314 = tpu.memref_squeeze %dma_wait3A_313 : memref<1x128xi32, #tpu.memory_space<vmem>> -> memref<128xi32, #tpu.memory_space<vmem>>
          %dma_wait3A_315 = arith.constant 0 : i32
          %dma_wait3A_316 = arith.constant 0 : i32
          %dma_wait3A_317 = tpu.memref_slice %arg33[%dma_wait3A_315, %dma_wait3A_316] : memref<10240x64xbf16, #tpu.memory_space<vmem_shared>> -> memref<10240x64xbf16, #tpu.memory_space<vmem_shared>>
          tpu.wait_indirect_dma semaphore(%arg31 : memref<!tpu.dma_semaphore, #tpu.memory_space<semaphore_mem>>) src(%arg15 : memref<128x64xbf16, #tpu.memory_space<vmem>>) dst(%dma_wait3A_317 : memref<10240x64xbf16, #tpu.memory_space<vmem_shared>>)
        } else {
        }
        %dma_start3A_305 = arith.constant 0 : i32
        %dma_start3A_306 = tpu.memref_slice %arg7[%add3A_174, %dma_start3A_305] : memref<80x128xi32, #tpu.memory_space<vmem>> -> memref<1x128xi32, #tpu.memory_space<vmem>>
        %dma_start3A_307 = tpu.memref_squeeze %dma_start3A_306 : memref<1x128xi32, #tpu.memory_space<vmem>> -> memref<128xi32, #tpu.memory_space<vmem>>
        %dma_start3A_308 = arith.constant 0 : i32
        %dma_start3A_309 = arith.constant 0 : i32
        %dma_start3A_310 = tpu.memref_slice %arg34[%dma_start3A_308, %dma_start3A_309] : memref<10240x64xbf16, #tpu.memory_space<vmem_shared>> -> memref<10240x64xbf16, #tpu.memory_space<vmem_shared>>
        tpu.enqueue_indirect_dma source(%dma_start3A_310 : memref<10240x64xbf16, #tpu.memory_space<vmem_shared>>) target(%arg15 : memref<128x64xbf16, #tpu.memory_space<vmem>>) offsets(%dma_start3A_307 : memref<128xi32, #tpu.memory_space<vmem>>) semaphore(%arg23 : memref<!tpu.dma_semaphore, #tpu.memory_space<semaphore_mem>>)
      } else {
      }
      %mul3A_180 = arith.constant 8 : i32
      %mul3A_181 = arith.muli %scan3A_109, %mul3A_180 : i32
      %add3A_182 = arith.constant 3 : i32
      %add3A_183 = arith.addi %mul3A_181, %add3A_182 : i32
      %dma_wait3A_184 = arith.constant 0 : i32
      %dma_wait3A_185 = arith.constant 0 : i32
      %dma_wait3A_186 = tpu.memref_slice %arg7[%dma_wait3A_184, %dma_wait3A_185] : memref<80x128xi32, #tpu.memory_space<vmem>> -> memref<1x128xi32, #tpu.memory_space<vmem>>
      %dma_wait3A_187 = tpu.memref_squeeze %dma_wait3A_186 : memref<1x128xi32, #tpu.memory_space<vmem>> -> memref<128xi32, #tpu.memory_space<vmem>>
      %dma_wait3A_188 = arith.constant 0 : i32
      %dma_wait3A_189 = arith.constant 0 : i32
      %dma_wait3A_190 = tpu.memref_slice %arg34[%dma_wait3A_188, %dma_wait3A_189] : memref<10240x64xbf16, #tpu.memory_space<vmem_shared>> -> memref<10240x64xbf16, #tpu.memory_space<vmem_shared>>
      tpu.wait_indirect_dma semaphore(%arg20 : memref<!tpu.dma_semaphore, #tpu.memory_space<semaphore_mem>>) src(%dma_wait3A_190 : memref<10240x64xbf16, #tpu.memory_space<vmem_shared>>) dst(%arg12 : memref<128x64xbf16, #tpu.memory_space<vmem>>)
      %dma_start3A_191 = arith.constant 0 : i32
      %dma_start3A_192 = tpu.memref_slice %arg8[%add3A_183, %dma_start3A_191] : memref<80x128xi32, #tpu.memory_space<vmem>> -> memref<1x128xi32, #tpu.memory_space<vmem>>
      %dma_start3A_193 = tpu.memref_squeeze %dma_start3A_192 : memref<1x128xi32, #tpu.memory_space<vmem>> -> memref<128xi32, #tpu.memory_space<vmem>>
      %dma_start3A_194 = arith.constant 0 : i32
      %dma_start3A_195 = arith.constant 0 : i32
      %dma_start3A_196 = tpu.memref_slice %arg33[%dma_start3A_194, %dma_start3A_195] : memref<10240x64xbf16, #tpu.memory_space<vmem_shared>> -> memref<10240x64xbf16, #tpu.memory_space<vmem_shared>>
      tpu.enqueue_indirect_dma source(%arg12 : memref<128x64xbf16, #tpu.memory_space<vmem>>) target(%dma_start3A_196 : memref<10240x64xbf16, #tpu.memory_space<vmem_shared>>) offsets(%dma_start3A_193 : memref<128xi32, #tpu.memory_space<vmem>>) semaphore(%arg28 : memref<!tpu.dma_semaphore, #tpu.memory_space<semaphore_mem>>) {add = true}
      %add3A_197 = arith.constant 4 : i32
      %add3A_198 = arith.addi %add3A_183, %add3A_197 : i32
      %lt3A_199 = arith.constant 80 : i32
      %lt3A_200 = arith.cmpi slt, %add3A_198, %lt3A_199 : i32
      %convert_element_type3A_201 = arith.extui %lt3A_200 : i1 to i32
      %cond3A_202 = arith.constant 0 : i32
      %cond3A_203 = arith.cmpi ne, %convert_element_type3A_201, %cond3A_202 : i32
      scf.if %cond3A_203 {
        %ge3A = arith.constant 8 : i32
        %ge3A_301 = arith.cmpi sge, %add3A_198, %ge3A : i32
        %convert_element_type3A_302 = arith.extui %ge3A_301 : i1 to i32
        %cond3A_303 = arith.constant 0 : i32
        %cond3A_304 = arith.cmpi ne, %convert_element_type3A_302, %cond3A_303 : i32
        scf.if %cond3A_304 {
          %dma_wait3A_311 = arith.constant 0 : i32
          %dma_wait3A_312 = arith.constant 0 : i32
          %dma_wait3A_313 = tpu.memref_slice %arg8[%dma_wait3A_311, %dma_wait3A_312] : memref<80x128xi32, #tpu.memory_space<vmem>> -> memref<1x128xi32, #tpu.memory_space<vmem>>
          %dma_wait3A_314 = tpu.memref_squeeze %dma_wait3A_313 : memref<1x128xi32, #tpu.memory_space<vmem>> -> memref<128xi32, #tpu.memory_space<vmem>>
          %dma_wait3A_315 = arith.constant 0 : i32
          %dma_wait3A_316 = arith.constant 0 : i32
          %dma_wait3A_317 = tpu.memref_slice %arg33[%dma_wait3A_315, %dma_wait3A_316] : memref<10240x64xbf16, #tpu.memory_space<vmem_shared>> -> memref<10240x64xbf16, #tpu.memory_space<vmem_shared>>
          tpu.wait_indirect_dma semaphore(%arg32 : memref<!tpu.dma_semaphore, #tpu.memory_space<semaphore_mem>>) src(%arg16 : memref<128x64xbf16, #tpu.memory_space<vmem>>) dst(%dma_wait3A_317 : memref<10240x64xbf16, #tpu.memory_space<vmem_shared>>)
        } else {
        }
        %dma_start3A_305 = arith.constant 0 : i32
        %dma_start3A_306 = tpu.memref_slice %arg7[%add3A_198, %dma_start3A_305] : memref<80x128xi32, #tpu.memory_space<vmem>> -> memref<1x128xi32, #tpu.memory_space<vmem>>
        %dma_start3A_307 = tpu.memref_squeeze %dma_start3A_306 : memref<1x128xi32, #tpu.memory_space<vmem>> -> memref<128xi32, #tpu.memory_space<vmem>>
        %dma_start3A_308 = arith.constant 0 : i32
        %dma_start3A_309 = arith.constant 0 : i32
        %dma_start3A_310 = tpu.memref_slice %arg34[%dma_start3A_308, %dma_start3A_309] : memref<10240x64xbf16, #tpu.memory_space<vmem_shared>> -> memref<10240x64xbf16, #tpu.memory_space<vmem_shared>>
        tpu.enqueue_indirect_dma source(%dma_start3A_310 : memref<10240x64xbf16, #tpu.memory_space<vmem_shared>>) target(%arg16 : memref<128x64xbf16, #tpu.memory_space<vmem>>) offsets(%dma_start3A_307 : memref<128xi32, #tpu.memory_space<vmem>>) semaphore(%arg24 : memref<!tpu.dma_semaphore, #tpu.memory_space<semaphore_mem>>)
      } else {
      }
      %mul3A_204 = arith.constant 8 : i32
      %mul3A_205 = arith.muli %scan3A_109, %mul3A_204 : i32
      %add3A_206 = arith.constant 4 : i32
      %add3A_207 = arith.addi %mul3A_205, %add3A_206 : i32
      %dma_wait3A_208 = arith.constant 0 : i32
      %dma_wait3A_209 = arith.constant 0 : i32
      %dma_wait3A_210 = tpu.memref_slice %arg7[%dma_wait3A_208, %dma_wait3A_209] : memref<80x128xi32, #tpu.memory_space<vmem>> -> memref<1x128xi32, #tpu.memory_space<vmem>>
      %dma_wait3A_211 = tpu.memref_squeeze %dma_wait3A_210 : memref<1x128xi32, #tpu.memory_space<vmem>> -> memref<128xi32, #tpu.memory_space<vmem>>
      %dma_wait3A_212 = arith.constant 0 : i32
      %dma_wait3A_213 = arith.constant 0 : i32
      %dma_wait3A_214 = tpu.memref_slice %arg34[%dma_wait3A_212, %dma_wait3A_213] : memref<10240x64xbf16, #tpu.memory_space<vmem_shared>> -> memref<10240x64xbf16, #tpu.memory_space<vmem_shared>>
      tpu.wait_indirect_dma semaphore(%arg21 : memref<!tpu.dma_semaphore, #tpu.memory_space<semaphore_mem>>) src(%dma_wait3A_214 : memref<10240x64xbf16, #tpu.memory_space<vmem_shared>>) dst(%arg13 : memref<128x64xbf16, #tpu.memory_space<vmem>>)
      %dma_start3A_215 = arith.constant 0 : i32
      %dma_start3A_216 = tpu.memref_slice %arg8[%add3A_207, %dma_start3A_215] : memref<80x128xi32, #tpu.memory_space<vmem>> -> memref<1x128xi32, #tpu.memory_space<vmem>>
      %dma_start3A_217 = tpu.memref_squeeze %dma_start3A_216 : memref<1x128xi32, #tpu.memory_space<vmem>> -> memref<128xi32, #tpu.memory_space<vmem>>
      %dma_start3A_218 = arith.constant 0 : i32
      %dma_start3A_219 = arith.constant 0 : i32
      %dma_start3A_220 = tpu.memref_slice %arg33[%dma_start3A_218, %dma_start3A_219] : memref<10240x64xbf16, #tpu.memory_space<vmem_shared>> -> memref<10240x64xbf16, #tpu.memory_space<vmem_shared>>
      tpu.enqueue_indirect_dma source(%arg13 : memref<128x64xbf16, #tpu.memory_space<vmem>>) target(%dma_start3A_220 : memref<10240x64xbf16, #tpu.memory_space<vmem_shared>>) offsets(%dma_start3A_217 : memref<128xi32, #tpu.memory_space<vmem>>) semaphore(%arg29 : memref<!tpu.dma_semaphore, #tpu.memory_space<semaphore_mem>>) {add = true}
      %add3A_221 = arith.constant 4 : i32
      %add3A_222 = arith.addi %add3A_207, %add3A_221 : i32
      %lt3A_223 = arith.constant 80 : i32
      %lt3A_224 = arith.cmpi slt, %add3A_222, %lt3A_223 : i32
      %convert_element_type3A_225 = arith.extui %lt3A_224 : i1 to i32
      %cond3A_226 = arith.constant 0 : i32
      %cond3A_227 = arith.cmpi ne, %convert_element_type3A_225, %cond3A_226 : i32
      scf.if %cond3A_227 {
        %ge3A = arith.constant 8 : i32
        %ge3A_301 = arith.cmpi sge, %add3A_222, %ge3A : i32
        %convert_element_type3A_302 = arith.extui %ge3A_301 : i1 to i32
        %cond3A_303 = arith.constant 0 : i32
        %cond3A_304 = arith.cmpi ne, %convert_element_type3A_302, %cond3A_303 : i32
        scf.if %cond3A_304 {
          %dma_wait3A_311 = arith.constant 0 : i32
          %dma_wait3A_312 = arith.constant 0 : i32
          %dma_wait3A_313 = tpu.memref_slice %arg8[%dma_wait3A_311, %dma_wait3A_312] : memref<80x128xi32, #tpu.memory_space<vmem>> -> memref<1x128xi32, #tpu.memory_space<vmem>>
          %dma_wait3A_314 = tpu.memref_squeeze %dma_wait3A_313 : memref<1x128xi32, #tpu.memory_space<vmem>> -> memref<128xi32, #tpu.memory_space<vmem>>
          %dma_wait3A_315 = arith.constant 0 : i32
          %dma_wait3A_316 = arith.constant 0 : i32
          %dma_wait3A_317 = tpu.memref_slice %arg33[%dma_wait3A_315, %dma_wait3A_316] : memref<10240x64xbf16, #tpu.memory_space<vmem_shared>> -> memref<10240x64xbf16, #tpu.memory_space<vmem_shared>>
          tpu.wait_indirect_dma semaphore(%arg25 : memref<!tpu.dma_semaphore, #tpu.memory_space<semaphore_mem>>) src(%arg9 : memref<128x64xbf16, #tpu.memory_space<vmem>>) dst(%dma_wait3A_317 : memref<10240x64xbf16, #tpu.memory_space<vmem_shared>>)
        } else {
        }
        %dma_start3A_305 = arith.constant 0 : i32
        %dma_start3A_306 = tpu.memref_slice %arg7[%add3A_222, %dma_start3A_305] : memref<80x128xi32, #tpu.memory_space<vmem>> -> memref<1x128xi32, #tpu.memory_space<vmem>>
        %dma_start3A_307 = tpu.memref_squeeze %dma_start3A_306 : memref<1x128xi32, #tpu.memory_space<vmem>> -> memref<128xi32, #tpu.memory_space<vmem>>
        %dma_start3A_308 = arith.constant 0 : i32
        %dma_start3A_309 = arith.constant 0 : i32
        %dma_start3A_310 = tpu.memref_slice %arg34[%dma_start3A_308, %dma_start3A_309] : memref<10240x64xbf16, #tpu.memory_space<vmem_shared>> -> memref<10240x64xbf16, #tpu.memory_space<vmem_shared>>
        tpu.enqueue_indirect_dma source(%dma_start3A_310 : memref<10240x64xbf16, #tpu.memory_space<vmem_shared>>) target(%arg9 : memref<128x64xbf16, #tpu.memory_space<vmem>>) offsets(%dma_start3A_307 : memref<128xi32, #tpu.memory_space<vmem>>) semaphore(%arg17 : memref<!tpu.dma_semaphore, #tpu.memory_space<semaphore_mem>>)
      } else {
      }
      %mul3A_228 = arith.constant 8 : i32
      %mul3A_229 = arith.muli %scan3A_109, %mul3A_228 : i32
      %add3A_230 = arith.constant 5 : i32
      %add3A_231 = arith.addi %mul3A_229, %add3A_230 : i32
      %dma_wait3A_232 = arith.constant 0 : i32
      %dma_wait3A_233 = arith.constant 0 : i32
      %dma_wait3A_234 = tpu.memref_slice %arg7[%dma_wait3A_232, %dma_wait3A_233] : memref<80x128xi32, #tpu.memory_space<vmem>> -> memref<1x128xi32, #tpu.memory_space<vmem>>
      %dma_wait3A_235 = tpu.memref_squeeze %dma_wait3A_234 : memref<1x128xi32, #tpu.memory_space<vmem>> -> memref<128xi32, #tpu.memory_space<vmem>>
      %dma_wait3A_236 = arith.constant 0 : i32
      %dma_wait3A_237 = arith.constant 0 : i32
      %dma_wait3A_238 = tpu.memref_slice %arg34[%dma_wait3A_236, %dma_wait3A_237] : memref<10240x64xbf16, #tpu.memory_space<vmem_shared>> -> memref<10240x64xbf16, #tpu.memory_space<vmem_shared>>
      tpu.wait_indirect_dma semaphore(%arg22 : memref<!tpu.dma_semaphore, #tpu.memory_space<semaphore_mem>>) src(%dma_wait3A_238 : memref<10240x64xbf16, #tpu.memory_space<vmem_shared>>) dst(%arg14 : memref<128x64xbf16, #tpu.memory_space<vmem>>)
      %dma_start3A_239 = arith.constant 0 : i32
      %dma_start3A_240 = tpu.memref_slice %arg8[%add3A_231, %dma_start3A_239] : memref<80x128xi32, #tpu.memory_space<vmem>> -> memref<1x128xi32, #tpu.memory_space<vmem>>
      %dma_start3A_241 = tpu.memref_squeeze %dma_start3A_240 : memref<1x128xi32, #tpu.memory_space<vmem>> -> memref<128xi32, #tpu.memory_space<vmem>>
      %dma_start3A_242 = arith.constant 0 : i32
      %dma_start3A_243 = arith.constant 0 : i32
      %dma_start3A_244 = tpu.memref_slice %arg33[%dma_start3A_242, %dma_start3A_243] : memref<10240x64xbf16, #tpu.memory_space<vmem_shared>> -> memref<10240x64xbf16, #tpu.memory_space<vmem_shared>>
      tpu.enqueue_indirect_dma source(%arg14 : memref<128x64xbf16, #tpu.memory_space<vmem>>) target(%dma_start3A_244 : memref<10240x64xbf16, #tpu.memory_space<vmem_shared>>) offsets(%dma_start3A_241 : memref<128xi32, #tpu.memory_space<vmem>>) semaphore(%arg30 : memref<!tpu.dma_semaphore, #tpu.memory_space<semaphore_mem>>) {add = true}
      %add3A_245 = arith.constant 4 : i32
      %add3A_246 = arith.addi %add3A_231, %add3A_245 : i32
      %lt3A_247 = arith.constant 80 : i32
      %lt3A_248 = arith.cmpi slt, %add3A_246, %lt3A_247 : i32
      %convert_element_type3A_249 = arith.extui %lt3A_248 : i1 to i32
      %cond3A_250 = arith.constant 0 : i32
      %cond3A_251 = arith.cmpi ne, %convert_element_type3A_249, %cond3A_250 : i32
      scf.if %cond3A_251 {
        %ge3A = arith.constant 8 : i32
        %ge3A_301 = arith.cmpi sge, %add3A_246, %ge3A : i32
        %convert_element_type3A_302 = arith.extui %ge3A_301 : i1 to i32
        %cond3A_303 = arith.constant 0 : i32
        %cond3A_304 = arith.cmpi ne, %convert_element_type3A_302, %cond3A_303 : i32
        scf.if %cond3A_304 {
          %dma_wait3A_311 = arith.constant 0 : i32
          %dma_wait3A_312 = arith.constant 0 : i32
          %dma_wait3A_313 = tpu.memref_slice %arg8[%dma_wait3A_311, %dma_wait3A_312] : memref<80x128xi32, #tpu.memory_space<vmem>> -> memref<1x128xi32, #tpu.memory_space<vmem>>
          %dma_wait3A_314 = tpu.memref_squeeze %dma_wait3A_313 : memref<1x128xi32, #tpu.memory_space<vmem>> -> memref<128xi32, #tpu.memory_space<vmem>>
          %dma_wait3A_315 = arith.constant 0 : i32
          %dma_wait3A_316 = arith.constant 0 : i32
          %dma_wait3A_317 = tpu.memref_slice %arg33[%dma_wait3A_315, %dma_wait3A_316] : memref<10240x64xbf16, #tpu.memory_space<vmem_shared>> -> memref<10240x64xbf16, #tpu.memory_space<vmem_shared>>
          tpu.wait_indirect_dma semaphore(%arg26 : memref<!tpu.dma_semaphore, #tpu.memory_space<semaphore_mem>>) src(%arg10 : memref<128x64xbf16, #tpu.memory_space<vmem>>) dst(%dma_wait3A_317 : memref<10240x64xbf16, #tpu.memory_space<vmem_shared>>)
        } else {
        }
        %dma_start3A_305 = arith.constant 0 : i32
        %dma_start3A_306 = tpu.memref_slice %arg7[%add3A_246, %dma_start3A_305] : memref<80x128xi32, #tpu.memory_space<vmem>> -> memref<1x128xi32, #tpu.memory_space<vmem>>
        %dma_start3A_307 = tpu.memref_squeeze %dma_start3A_306 : memref<1x128xi32, #tpu.memory_space<vmem>> -> memref<128xi32, #tpu.memory_space<vmem>>
        %dma_start3A_308 = arith.constant 0 : i32
        %dma_start3A_309 = arith.constant 0 : i32
        %dma_start3A_310 = tpu.memref_slice %arg34[%dma_start3A_308, %dma_start3A_309] : memref<10240x64xbf16, #tpu.memory_space<vmem_shared>> -> memref<10240x64xbf16, #tpu.memory_space<vmem_shared>>
        tpu.enqueue_indirect_dma source(%dma_start3A_310 : memref<10240x64xbf16, #tpu.memory_space<vmem_shared>>) target(%arg10 : memref<128x64xbf16, #tpu.memory_space<vmem>>) offsets(%dma_start3A_307 : memref<128xi32, #tpu.memory_space<vmem>>) semaphore(%arg18 : memref<!tpu.dma_semaphore, #tpu.memory_space<semaphore_mem>>)
      } else {
      }
      %mul3A_252 = arith.constant 8 : i32
      %mul3A_253 = arith.muli %scan3A_109, %mul3A_252 : i32
      %add3A_254 = arith.constant 6 : i32
      %add3A_255 = arith.addi %mul3A_253, %add3A_254 : i32
      %dma_wait3A_256 = arith.constant 0 : i32
      %dma_wait3A_257 = arith.constant 0 : i32
      %dma_wait3A_258 = tpu.memref_slice %arg7[%dma_wait3A_256, %dma_wait3A_257] : memref<80x128xi32, #tpu.memory_space<vmem>> -> memref<1x128xi32, #tpu.memory_space<vmem>>
      %dma_wait3A_259 = tpu.memref_squeeze %dma_wait3A_258 : memref<1x128xi32, #tpu.memory_space<vmem>> -> memref<128xi32, #tpu.memory_space<vmem>>
      %dma_wait3A_260 = arith.constant 0 : i32
      %dma_wait3A_261 = arith.constant 0 : i32
      %dma_wait3A_262 = tpu.memref_slice %arg34[%dma_wait3A_260, %dma_wait3A_261] : memref<10240x64xbf16, #tpu.memory_space<vmem_shared>> -> memref<10240x64xbf16, #tpu.memory_space<vmem_shared>>
      tpu.wait_indirect_dma semaphore(%arg23 : memref<!tpu.dma_semaphore, #tpu.memory_space<semaphore_mem>>) src(%dma_wait3A_262 : memref<10240x64xbf16, #tpu.memory_space<vmem_shared>>) dst(%arg15 : memref<128x64xbf16, #tpu.memory_space<vmem>>)
      %dma_start3A_263 = arith.constant 0 : i32
      %dma_start3A_264 = tpu.memref_slice %arg8[%add3A_255, %dma_start3A_263] : memref<80x128xi32, #tpu.memory_space<vmem>> -> memref<1x128xi32, #tpu.memory_space<vmem>>
      %dma_start3A_265 = tpu.memref_squeeze %dma_start3A_264 : memref<1x128xi32, #tpu.memory_space<vmem>> -> memref<128xi32, #tpu.memory_space<vmem>>
      %dma_start3A_266 = arith.constant 0 : i32
      %dma_start3A_267 = arith.constant 0 : i32
      %dma_start3A_268 = tpu.memref_slice %arg33[%dma_start3A_266, %dma_start3A_267] : memref<10240x64xbf16, #tpu.memory_space<vmem_shared>> -> memref<10240x64xbf16, #tpu.memory_space<vmem_shared>>
      tpu.enqueue_indirect_dma source(%arg15 : memref<128x64xbf16, #tpu.memory_space<vmem>>) target(%dma_start3A_268 : memref<10240x64xbf16, #tpu.memory_space<vmem_shared>>) offsets(%dma_start3A_265 : memref<128xi32, #tpu.memory_space<vmem>>) semaphore(%arg31 : memref<!tpu.dma_semaphore, #tpu.memory_space<semaphore_mem>>) {add = true}
      %add3A_269 = arith.constant 4 : i32
      %add3A_270 = arith.addi %add3A_255, %add3A_269 : i32
      %lt3A_271 = arith.constant 80 : i32
      %lt3A_272 = arith.cmpi slt, %add3A_270, %lt3A_271 : i32
      %convert_element_type3A_273 = arith.extui %lt3A_272 : i1 to i32
      %cond3A_274 = arith.constant 0 : i32
      %cond3A_275 = arith.cmpi ne, %convert_element_type3A_273, %cond3A_274 : i32
      scf.if %cond3A_275 {
        %ge3A = arith.constant 8 : i32
        %ge3A_301 = arith.cmpi sge, %add3A_270, %ge3A : i32
        %convert_element_type3A_302 = arith.extui %ge3A_301 : i1 to i32
        %cond3A_303 = arith.constant 0 : i32
        %cond3A_304 = arith.cmpi ne, %convert_element_type3A_302, %cond3A_303 : i32
        scf.if %cond3A_304 {
          %dma_wait3A_311 = arith.constant 0 : i32
          %dma_wait3A_312 = arith.constant 0 : i32
          %dma_wait3A_313 = tpu.memref_slice %arg8[%dma_wait3A_311, %dma_wait3A_312] : memref<80x128xi32, #tpu.memory_space<vmem>> -> memref<1x128xi32, #tpu.memory_space<vmem>>
          %dma_wait3A_314 = tpu.memref_squeeze %dma_wait3A_313 : memref<1x128xi32, #tpu.memory_space<vmem>> -> memref<128xi32, #tpu.memory_space<vmem>>
          %dma_wait3A_315 = arith.constant 0 : i32
          %dma_wait3A_316 = arith.constant 0 : i32
          %dma_wait3A_317 = tpu.memref_slice %arg33[%dma_wait3A_315, %dma_wait3A_316] : memref<10240x64xbf16, #tpu.memory_space<vmem_shared>> -> memref<10240x64xbf16, #tpu.memory_space<vmem_shared>>
          tpu.wait_indirect_dma semaphore(%arg27 : memref<!tpu.dma_semaphore, #tpu.memory_space<semaphore_mem>>) src(%arg11 : memref<128x64xbf16, #tpu.memory_space<vmem>>) dst(%dma_wait3A_317 : memref<10240x64xbf16, #tpu.memory_space<vmem_shared>>)
        } else {
        }
        %dma_start3A_305 = arith.constant 0 : i32
        %dma_start3A_306 = tpu.memref_slice %arg7[%add3A_270, %dma_start3A_305] : memref<80x128xi32, #tpu.memory_space<vmem>> -> memref<1x128xi32, #tpu.memory_space<vmem>>
        %dma_start3A_307 = tpu.memref_squeeze %dma_start3A_306 : memref<1x128xi32, #tpu.memory_space<vmem>> -> memref<128xi32, #tpu.memory_space<vmem>>
        %dma_start3A_308 = arith.constant 0 : i32
        %dma_start3A_309 = arith.constant 0 : i32
        %dma_start3A_310 = tpu.memref_slice %arg34[%dma_start3A_308, %dma_start3A_309] : memref<10240x64xbf16, #tpu.memory_space<vmem_shared>> -> memref<10240x64xbf16, #tpu.memory_space<vmem_shared>>
        tpu.enqueue_indirect_dma source(%dma_start3A_310 : memref<10240x64xbf16, #tpu.memory_space<vmem_shared>>) target(%arg11 : memref<128x64xbf16, #tpu.memory_space<vmem>>) offsets(%dma_start3A_307 : memref<128xi32, #tpu.memory_space<vmem>>) semaphore(%arg19 : memref<!tpu.dma_semaphore, #tpu.memory_space<semaphore_mem>>)
      } else {
      }
      %mul3A_276 = arith.constant 8 : i32
      %mul3A_277 = arith.muli %scan3A_109, %mul3A_276 : i32
      %add3A_278 = arith.constant 7 : i32
      %add3A_279 = arith.addi %mul3A_277, %add3A_278 : i32
      %dma_wait3A_280 = arith.constant 0 : i32
      %dma_wait3A_281 = arith.constant 0 : i32
      %dma_wait3A_282 = tpu.memref_slice %arg7[%dma_wait3A_280, %dma_wait3A_281] : memref<80x128xi32, #tpu.memory_space<vmem>> -> memref<1x128xi32, #tpu.memory_space<vmem>>
      %dma_wait3A_283 = tpu.memref_squeeze %dma_wait3A_282 : memref<1x128xi32, #tpu.memory_space<vmem>> -> memref<128xi32, #tpu.memory_space<vmem>>
      %dma_wait3A_284 = arith.constant 0 : i32
      %dma_wait3A_285 = arith.constant 0 : i32
      %dma_wait3A_286 = tpu.memref_slice %arg34[%dma_wait3A_284, %dma_wait3A_285] : memref<10240x64xbf16, #tpu.memory_space<vmem_shared>> -> memref<10240x64xbf16, #tpu.memory_space<vmem_shared>>
      tpu.wait_indirect_dma semaphore(%arg24 : memref<!tpu.dma_semaphore, #tpu.memory_space<semaphore_mem>>) src(%dma_wait3A_286 : memref<10240x64xbf16, #tpu.memory_space<vmem_shared>>) dst(%arg16 : memref<128x64xbf16, #tpu.memory_space<vmem>>)
      %dma_start3A_287 = arith.constant 0 : i32
      %dma_start3A_288 = tpu.memref_slice %arg8[%add3A_279, %dma_start3A_287] : memref<80x128xi32, #tpu.memory_space<vmem>> -> memref<1x128xi32, #tpu.memory_space<vmem>>
      %dma_start3A_289 = tpu.memref_squeeze %dma_start3A_288 : memref<1x128xi32, #tpu.memory_space<vmem>> -> memref<128xi32, #tpu.memory_space<vmem>>
      %dma_start3A_290 = arith.constant 0 : i32
      %dma_start3A_291 = arith.constant 0 : i32
      %dma_start3A_292 = tpu.memref_slice %arg33[%dma_start3A_290, %dma_start3A_291] : memref<10240x64xbf16, #tpu.memory_space<vmem_shared>> -> memref<10240x64xbf16, #tpu.memory_space<vmem_shared>>
      tpu.enqueue_indirect_dma source(%arg16 : memref<128x64xbf16, #tpu.memory_space<vmem>>) target(%dma_start3A_292 : memref<10240x64xbf16, #tpu.memory_space<vmem_shared>>) offsets(%dma_start3A_289 : memref<128xi32, #tpu.memory_space<vmem>>) semaphore(%arg32 : memref<!tpu.dma_semaphore, #tpu.memory_space<semaphore_mem>>) {add = true}
      %add3A_293 = arith.constant 4 : i32
      %add3A_294 = arith.addi %add3A_279, %add3A_293 : i32
      %lt3A_295 = arith.constant 80 : i32
      %lt3A_296 = arith.cmpi slt, %add3A_294, %lt3A_295 : i32
      %convert_element_type3A_297 = arith.extui %lt3A_296 : i1 to i32
      %cond3A_298 = arith.constant 0 : i32
      %cond3A_299 = arith.cmpi ne, %convert_element_type3A_297, %cond3A_298 : i32
      scf.if %cond3A_299 {
        %ge3A = arith.constant 8 : i32
        %ge3A_301 = arith.cmpi sge, %add3A_294, %ge3A : i32
        %convert_element_type3A_302 = arith.extui %ge3A_301 : i1 to i32
        %cond3A_303 = arith.constant 0 : i32
        %cond3A_304 = arith.cmpi ne, %convert_element_type3A_302, %cond3A_303 : i32
        scf.if %cond3A_304 {
          %dma_wait3A_311 = arith.constant 0 : i32
          %dma_wait3A_312 = arith.constant 0 : i32
          %dma_wait3A_313 = tpu.memref_slice %arg8[%dma_wait3A_311, %dma_wait3A_312] : memref<80x128xi32, #tpu.memory_space<vmem>> -> memref<1x128xi32, #tpu.memory_space<vmem>>
          %dma_wait3A_314 = tpu.memref_squeeze %dma_wait3A_313 : memref<1x128xi32, #tpu.memory_space<vmem>> -> memref<128xi32, #tpu.memory_space<vmem>>
          %dma_wait3A_315 = arith.constant 0 : i32
          %dma_wait3A_316 = arith.constant 0 : i32
          %dma_wait3A_317 = tpu.memref_slice %arg33[%dma_wait3A_315, %dma_wait3A_316] : memref<10240x64xbf16, #tpu.memory_space<vmem_shared>> -> memref<10240x64xbf16, #tpu.memory_space<vmem_shared>>
          tpu.wait_indirect_dma semaphore(%arg28 : memref<!tpu.dma_semaphore, #tpu.memory_space<semaphore_mem>>) src(%arg12 : memref<128x64xbf16, #tpu.memory_space<vmem>>) dst(%dma_wait3A_317 : memref<10240x64xbf16, #tpu.memory_space<vmem_shared>>)
        } else {
        }
        %dma_start3A_305 = arith.constant 0 : i32
        %dma_start3A_306 = tpu.memref_slice %arg7[%add3A_294, %dma_start3A_305] : memref<80x128xi32, #tpu.memory_space<vmem>> -> memref<1x128xi32, #tpu.memory_space<vmem>>
        %dma_start3A_307 = tpu.memref_squeeze %dma_start3A_306 : memref<1x128xi32, #tpu.memory_space<vmem>> -> memref<128xi32, #tpu.memory_space<vmem>>
        %dma_start3A_308 = arith.constant 0 : i32
        %dma_start3A_309 = arith.constant 0 : i32
        %dma_start3A_310 = tpu.memref_slice %arg34[%dma_start3A_308, %dma_start3A_309] : memref<10240x64xbf16, #tpu.memory_space<vmem_shared>> -> memref<10240x64xbf16, #tpu.memory_space<vmem_shared>>
        tpu.enqueue_indirect_dma source(%dma_start3A_310 : memref<10240x64xbf16, #tpu.memory_space<vmem_shared>>) target(%arg12 : memref<128x64xbf16, #tpu.memory_space<vmem>>) offsets(%dma_start3A_307 : memref<128xi32, #tpu.memory_space<vmem>>) semaphore(%arg20 : memref<!tpu.dma_semaphore, #tpu.memory_space<semaphore_mem>>)
      } else {
      }
      %scan3A_300 = arith.constant 0 : i32
      scf.yield %scan3A_300 : i32
    }
    %scan3A_45 = arith.constant 10 : i32
    %dma_wait3A = arith.constant 0 : i32
    %dma_wait3A_46 = arith.constant 0 : i32
    %dma_wait3A_47 = tpu.memref_slice %arg8[%dma_wait3A, %dma_wait3A_46] : memref<80x128xi32, #tpu.memory_space<vmem>> -> memref<1x128xi32, #tpu.memory_space<vmem>>
    %dma_wait3A_48 = tpu.memref_squeeze %dma_wait3A_47 : memref<1x128xi32, #tpu.memory_space<vmem>> -> memref<128xi32, #tpu.memory_space<vmem>>
    %dma_wait3A_49 = arith.constant 0 : i32
    %dma_wait3A_50 = arith.constant 0 : i32
    %dma_wait3A_51 = tpu.memref_slice %arg33[%dma_wait3A_49, %dma_wait3A_50] : memref<10240x64xbf16, #tpu.memory_space<vmem_shared>> -> memref<10240x64xbf16, #tpu.memory_space<vmem_shared>>
    tpu.wait_indirect_dma semaphore(%arg25 : memref<!tpu.dma_semaphore, #tpu.memory_space<semaphore_mem>>) src(%arg9 : memref<128x64xbf16, #tpu.memory_space<vmem>>) dst(%dma_wait3A_51 : memref<10240x64xbf16, #tpu.memory_space<vmem_shared>>)
    %dma_wait3A_52 = arith.constant 0 : i32
    %dma_wait3A_53 = arith.constant 0 : i32
    %dma_wait3A_54 = tpu.memref_slice %arg8[%dma_wait3A_52, %dma_wait3A_53] : memref<80x128xi32, #tpu.memory_space<vmem>> -> memref<1x128xi32, #tpu.memory_space<vmem>>
    %dma_wait3A_55 = tpu.memref_squeeze %dma_wait3A_54 : memref<1x128xi32, #tpu.memory_space<vmem>> -> memref<128xi32, #tpu.memory_space<vmem>>
    %dma_wait3A_56 = arith.constant 0 : i32
    %dma_wait3A_57 = arith.constant 0 : i32
    %dma_wait3A_58 = tpu.memref_slice %arg33[%dma_wait3A_56, %dma_wait3A_57] : memref<10240x64xbf16, #tpu.memory_space<vmem_shared>> -> memref<10240x64xbf16, #tpu.memory_space<vmem_shared>>
    tpu.wait_indirect_dma semaphore(%arg26 : memref<!tpu.dma_semaphore, #tpu.memory_space<semaphore_mem>>) src(%arg10 : memref<128x64xbf16, #tpu.memory_space<vmem>>) dst(%dma_wait3A_58 : memref<10240x64xbf16, #tpu.memory_space<vmem_shared>>)
    %dma_wait3A_59 = arith.constant 0 : i32
    %dma_wait3A_60 = arith.constant 0 : i32
    %dma_wait3A_61 = tpu.memref_slice %arg8[%dma_wait3A_59, %dma_wait3A_60] : memref<80x128xi32, #tpu.memory_space<vmem>> -> memref<1x128xi32, #tpu.memory_space<vmem>>
    %dma_wait3A_62 = tpu.memref_squeeze %dma_wait3A_61 : memref<1x128xi32, #tpu.memory_space<vmem>> -> memref<128xi32, #tpu.memory_space<vmem>>
    %dma_wait3A_63 = arith.constant 0 : i32
    %dma_wait3A_64 = arith.constant 0 : i32
    %dma_wait3A_65 = tpu.memref_slice %arg33[%dma_wait3A_63, %dma_wait3A_64] : memref<10240x64xbf16, #tpu.memory_space<vmem_shared>> -> memref<10240x64xbf16, #tpu.memory_space<vmem_shared>>
    tpu.wait_indirect_dma semaphore(%arg27 : memref<!tpu.dma_semaphore, #tpu.memory_space<semaphore_mem>>) src(%arg11 : memref<128x64xbf16, #tpu.memory_space<vmem>>) dst(%dma_wait3A_65 : memref<10240x64xbf16, #tpu.memory_space<vmem_shared>>)
    %dma_wait3A_66 = arith.constant 0 : i32
    %dma_wait3A_67 = arith.constant 0 : i32
    %dma_wait3A_68 = tpu.memref_slice %arg8[%dma_wait3A_66, %dma_wait3A_67] : memref<80x128xi32, #tpu.memory_space<vmem>> -> memref<1x128xi32, #tpu.memory_space<vmem>>
    %dma_wait3A_69 = tpu.memref_squeeze %dma_wait3A_68 : memref<1x128xi32, #tpu.memory_space<vmem>> -> memref<128xi32, #tpu.memory_space<vmem>>
    %dma_wait3A_70 = arith.constant 0 : i32
    %dma_wait3A_71 = arith.constant 0 : i32
    %dma_wait3A_72 = tpu.memref_slice %arg33[%dma_wait3A_70, %dma_wait3A_71] : memref<10240x64xbf16, #tpu.memory_space<vmem_shared>> -> memref<10240x64xbf16, #tpu.memory_space<vmem_shared>>
    tpu.wait_indirect_dma semaphore(%arg28 : memref<!tpu.dma_semaphore, #tpu.memory_space<semaphore_mem>>) src(%arg12 : memref<128x64xbf16, #tpu.memory_space<vmem>>) dst(%dma_wait3A_72 : memref<10240x64xbf16, #tpu.memory_space<vmem_shared>>)
    %dma_wait3A_73 = arith.constant 0 : i32
    %dma_wait3A_74 = arith.constant 0 : i32
    %dma_wait3A_75 = tpu.memref_slice %arg8[%dma_wait3A_73, %dma_wait3A_74] : memref<80x128xi32, #tpu.memory_space<vmem>> -> memref<1x128xi32, #tpu.memory_space<vmem>>
    %dma_wait3A_76 = tpu.memref_squeeze %dma_wait3A_75 : memref<1x128xi32, #tpu.memory_space<vmem>> -> memref<128xi32, #tpu.memory_space<vmem>>
    %dma_wait3A_77 = arith.constant 0 : i32
    %dma_wait3A_78 = arith.constant 0 : i32
    %dma_wait3A_79 = tpu.memref_slice %arg33[%dma_wait3A_77, %dma_wait3A_78] : memref<10240x64xbf16, #tpu.memory_space<vmem_shared>> -> memref<10240x64xbf16, #tpu.memory_space<vmem_shared>>
    tpu.wait_indirect_dma semaphore(%arg29 : memref<!tpu.dma_semaphore, #tpu.memory_space<semaphore_mem>>) src(%arg13 : memref<128x64xbf16, #tpu.memory_space<vmem>>) dst(%dma_wait3A_79 : memref<10240x64xbf16, #tpu.memory_space<vmem_shared>>)
    %dma_wait3A_80 = arith.constant 0 : i32
    %dma_wait3A_81 = arith.constant 0 : i32
    %dma_wait3A_82 = tpu.memref_slice %arg8[%dma_wait3A_80, %dma_wait3A_81] : memref<80x128xi32, #tpu.memory_space<vmem>> -> memref<1x128xi32, #tpu.memory_space<vmem>>
    %dma_wait3A_83 = tpu.memref_squeeze %dma_wait3A_82 : memref<1x128xi32, #tpu.memory_space<vmem>> -> memref<128xi32, #tpu.memory_space<vmem>>
    %dma_wait3A_84 = arith.constant 0 : i32
    %dma_wait3A_85 = arith.constant 0 : i32
    %dma_wait3A_86 = tpu.memref_slice %arg33[%dma_wait3A_84, %dma_wait3A_85] : memref<10240x64xbf16, #tpu.memory_space<vmem_shared>> -> memref<10240x64xbf16, #tpu.memory_space<vmem_shared>>
    tpu.wait_indirect_dma semaphore(%arg30 : memref<!tpu.dma_semaphore, #tpu.memory_space<semaphore_mem>>) src(%arg14 : memref<128x64xbf16, #tpu.memory_space<vmem>>) dst(%dma_wait3A_86 : memref<10240x64xbf16, #tpu.memory_space<vmem_shared>>)
    %dma_wait3A_87 = arith.constant 0 : i32
    %dma_wait3A_88 = arith.constant 0 : i32
    %dma_wait3A_89 = tpu.memref_slice %arg8[%dma_wait3A_87, %dma_wait3A_88] : memref<80x128xi32, #tpu.memory_space<vmem>> -> memref<1x128xi32, #tpu.memory_space<vmem>>
    %dma_wait3A_90 = tpu.memref_squeeze %dma_wait3A_89 : memref<1x128xi32, #tpu.memory_space<vmem>> -> memref<128xi32, #tpu.memory_space<vmem>>
    %dma_wait3A_91 = arith.constant 0 : i32
    %dma_wait3A_92 = arith.constant 0 : i32
    %dma_wait3A_93 = tpu.memref_slice %arg33[%dma_wait3A_91, %dma_wait3A_92] : memref<10240x64xbf16, #tpu.memory_space<vmem_shared>> -> memref<10240x64xbf16, #tpu.memory_space<vmem_shared>>
    tpu.wait_indirect_dma semaphore(%arg31 : memref<!tpu.dma_semaphore, #tpu.memory_space<semaphore_mem>>) src(%arg15 : memref<128x64xbf16, #tpu.memory_space<vmem>>) dst(%dma_wait3A_93 : memref<10240x64xbf16, #tpu.memory_space<vmem_shared>>)
    %dma_wait3A_94 = arith.constant 0 : i32
    %dma_wait3A_95 = arith.constant 0 : i32
    %dma_wait3A_96 = tpu.memref_slice %arg8[%dma_wait3A_94, %dma_wait3A_95] : memref<80x128xi32, #tpu.memory_space<vmem>> -> memref<1x128xi32, #tpu.memory_space<vmem>>
    %dma_wait3A_97 = tpu.memref_squeeze %dma_wait3A_96 : memref<1x128xi32, #tpu.memory_space<vmem>> -> memref<128xi32, #tpu.memory_space<vmem>>
    %dma_wait3A_98 = arith.constant 0 : i32
    %dma_wait3A_99 = arith.constant 0 : i32
    %dma_wait3A_100 = tpu.memref_slice %arg33[%dma_wait3A_98, %dma_wait3A_99] : memref<10240x64xbf16, #tpu.memory_space<vmem_shared>> -> memref<10240x64xbf16, #tpu.memory_space<vmem_shared>>
    tpu.wait_indirect_dma semaphore(%arg32 : memref<!tpu.dma_semaphore, #tpu.memory_space<semaphore_mem>>) src(%arg16 : memref<128x64xbf16, #tpu.memory_space<vmem>>) dst(%dma_wait3A_100 : memref<10240x64xbf16, #tpu.memory_space<vmem_shared>>)
    %barrier3A_101 = arith.constant 0 : index
    tpu.barrier barrier_id(%barrier3A_101)
    %scan3A_102 = arith.constant 0 : i32
    %scan3A_103 = arith.constant 0 : i32
    %scan3A_104 = arith.constant 5 : i32
    %scan3A_105 = arith.addi %scan3A_103, %scan3A_104 : i32
    %scan3A_106 = arith.constant 1 : i32
    %scan3A_107 = scf.for %scan3A_109 = %scan3A_103 to %scan3A_105 step %scan3A_106 iter_args(%scan3A_110 = %scan3A_102) -> (i32)  : i32 {
      %mul3A_111 = arith.constant 640 : i32
      %mul3A_112 = arith.muli %arg1, %mul3A_111 : i32
      %mul3A_113 = arith.constant 128 : i32
      %mul3A_114 = arith.muli %scan3A_109, %mul3A_113 : i32
      %add3A_115 = arith.addi %mul3A_112, %mul3A_114 : i32
      "tpu.region"() ({
        %run_scoped3A = tpu.sem_alloc : memref<!tpu.dma_semaphore, #tpu.memory_space<semaphore_mem>>
        %dma_start3A_120 = arith.constant 0 : i32
        %dma_start3A_121 = tpu.memref_slice %arg33[%add3A_115, %dma_start3A_120] : memref<10240x64xbf16, #tpu.memory_space<vmem_shared>> -> memref<128x64xbf16, #tpu.memory_space<vmem_shared>>
        %dma_start3A_122 = arith.constant 0 : i32
        %dma_start3A_123 = tpu.memref_slice %arg33[%add3A_115, %dma_start3A_122] : memref<10240x64xbf16, #tpu.memory_space<vmem_shared>> -> memref<128x64xbf16, #tpu.memory_space<vmem_shared>>
        tpu.enqueue_dma source(%dma_start3A_123 : memref<128x64xbf16, #tpu.memory_space<vmem_shared>>) target(%arg9 : memref<128x64xbf16, #tpu.memory_space<vmem>>) target_semaphore(%run_scoped3A : memref<!tpu.dma_semaphore, #tpu.memory_space<semaphore_mem>>)
        %dma_wait3A_124 = arith.constant 0 : i32
        %dma_wait3A_125 = tpu.memref_slice %arg33[%add3A_115, %dma_wait3A_124] : memref<10240x64xbf16, #tpu.memory_space<vmem_shared>> -> memref<128x64xbf16, #tpu.memory_space<vmem_shared>>
        %dma_wait3A_126 = arith.constant 0 : i32
        %dma_wait3A_127 = tpu.memref_slice %arg33[%add3A_115, %dma_wait3A_126] : memref<10240x64xbf16, #tpu.memory_space<vmem_shared>> -> memref<128x64xbf16, #tpu.memory_space<vmem_shared>>
        tpu.wait_dma2 semaphore(%run_scoped3A : memref<!tpu.dma_semaphore, #tpu.memory_space<semaphore_mem>>) src(%dma_wait3A_127 : memref<128x64xbf16, #tpu.memory_space<vmem_shared>>) dst(%arg9 : memref<128x64xbf16, #tpu.memory_space<vmem>>)
        tpu.yield
      }) : () -> ()
      %mul3A_116 = arith.constant 10240 : i32
      %mul3A_117 = arith.muli %arg0, %mul3A_116 : i32
      %add3A_118 = arith.addi %mul3A_117, %add3A_115 : i32
      "tpu.region"() ({
        %run_scoped3A = tpu.sem_alloc : memref<!tpu.dma_semaphore, #tpu.memory_space<semaphore_mem>>
        %dma_start3A_120 = arith.constant 0 : i32
        %dma_start3A_121 = tpu.memref_slice %arg6[%add3A_118, %dma_start3A_120] : memref<20480x64xbf16, #tpu.memory_space<hbm>> -> memref<128x64xbf16, #tpu.memory_space<hbm>>
        %dma_start3A_122 = arith.constant 0 : i32
        %dma_start3A_123 = tpu.memref_slice %arg6[%add3A_118, %dma_start3A_122] : memref<20480x64xbf16, #tpu.memory_space<hbm>> -> memref<128x64xbf16, #tpu.memory_space<hbm>>
        tpu.enqueue_dma source(%arg9 : memref<128x64xbf16, #tpu.memory_space<vmem>>) target(%dma_start3A_123 : memref<128x64xbf16, #tpu.memory_space<hbm>>) target_semaphore(%run_scoped3A : memref<!tpu.dma_semaphore, #tpu.memory_space<semaphore_mem>>)
        %dma_wait3A_124 = arith.constant 0 : i32
        %dma_wait3A_125 = tpu.memref_slice %arg6[%add3A_118, %dma_wait3A_124] : memref<20480x64xbf16, #tpu.memory_space<hbm>> -> memref<128x64xbf16, #tpu.memory_space<hbm>>
        %dma_wait3A_126 = arith.constant 0 : i32
        %dma_wait3A_127 = tpu.memref_slice %arg6[%add3A_118, %dma_wait3A_126] : memref<20480x64xbf16, #tpu.memory_space<hbm>> -> memref<128x64xbf16, #tpu.memory_space<hbm>>
        tpu.wait_dma2 semaphore(%run_scoped3A : memref<!tpu.dma_semaphore, #tpu.memory_space<semaphore_mem>>) src(%arg9 : memref<128x64xbf16, #tpu.memory_space<vmem>>) dst(%dma_wait3A_127 : memref<128x64xbf16, #tpu.memory_space<hbm>>)
        tpu.yield
      }) : () -> ()
      %scan3A_119 = arith.constant 0 : i32
      scf.yield %scan3A_119 : i32
    }
    %scan3A_108 = arith.constant 5 : i32
    return
  }
}

module attributes {stable_mosaic.version = 14 : i64} {
  func.func @_tc1_body(%arg0: i32, %arg1: memref<32x1280xf32, #tpu.memory_space<vmem>>, %arg2: memref<1280x128xf32, #tpu.memory_space<vmem>>, %arg3: memref<128x64xf32, #tpu.memory_space<vmem>>, %arg4: memref<1280x64xbf16, #tpu.memory_space<vmem>>) attributes {dimension_semantics = [#tpu.dimension_semantics<arbitrary>], iteration_bounds = array<i64: 8>, scalar_prefetch = 0 : i64, scratch_operands = 0 : i64, tpu.core_type = #tpu.core_type<tc>, window_params = [{transform_indices = @transform_0, window_bounds = array<i64: 32, 1280>}, {transform_indices = @transform_1, window_bounds = array<i64: 1280, 128>}, {pipeline_mode = #tpu.pipeline_mode<synchronous>, transform_indices = @transform_2, window_bounds = array<i64: 128, 64>}, {transform_indices = @transform_3, window_bounds = array<i64: 1280, 64>}]} {
    %get3A = arith.constant 0 : index
    %get3A_0 = arith.constant 0 : index
    %get3A_1 = vector.load %arg1[%get3A, %get3A_0] : memref<32x1280xf32, #tpu.memory_space<vmem>>, vector<32x1280xf32>
    %reduce_sum3A = arith.constant dense<0.000000e+00> : vector<1280xf32>
    %reduce_sum3A_2 = vector.multi_reduction <add>, %get3A_1, %reduce_sum3A [0] : vector<32x1280xf32> to vector<1280xf32>
    %add3A = arith.constant 1.000000e+00 : f32
    %add3A_3 = vector.broadcast %add3A : f32 to vector<1280xf32>
    %add3A_4 = arith.addf %add3A_3, %reduce_sum3A_2 : vector<1280xf32>
    %rsqrt3A = math.rsqrt %add3A_4 : vector<1280xf32>
    %broadcast_in_dim3A = vector.shape_cast %rsqrt3A : vector<1280xf32> to vector<1280x1xf32>
    %get3A_5 = arith.constant 0 : index
    %get3A_6 = arith.constant 0 : index
    %get3A_7 = vector.load %arg2[%get3A_5, %get3A_6] : memref<1280x128xf32, #tpu.memory_space<vmem>>, vector<1280x128xf32>
    %get3A_8 = arith.constant 0 : index
    %get3A_9 = arith.constant 0 : index
    %get3A_10 = vector.load %arg3[%get3A_8, %get3A_9] : memref<128x64xf32, #tpu.memory_space<vmem>>, vector<128x64xf32>
    %dot_general3A = arith.constant dense<0.000000e+00> : vector<1280x64xf32>
    %dot_general3A_11 = tpu.matmul %get3A_7, %get3A_10, %dot_general3A {dimension_numbers = #tpu.dot_dimension_numbers<[1], [0], [0], [1], [0, 0, 1, 1], [], []>, transpose_lhs_hint = false} : vector<1280x128xf32>, vector<128x64xf32>, vector<1280x64xf32> -> vector<1280x64xf32>
    %mul3A = vector.broadcast %broadcast_in_dim3A : vector<1280x1xf32> to vector<1280x64xf32>
    %mul3A_12 = arith.mulf %dot_general3A_11, %mul3A : vector<1280x64xf32>
    %convert_element_type3A = arith.truncf %mul3A_12 : vector<1280x64xf32> to vector<1280x64xbf16>
    %swap3A = arith.constant 0 : index
    %swap3A_13 = arith.constant 0 : index
    %swap3A_14 = vector.load %arg4[%swap3A, %swap3A_13] : memref<1280x64xbf16, #tpu.memory_space<vmem>>, vector<1280x64xbf16>
    tpu.vector_store %arg4[%swap3A, %swap3A_13], %convert_element_type3A {strides = array<i32>} : memref<1280x64xbf16, #tpu.memory_space<vmem>>, vector<1280x64xbf16>,
    return
  }
  func.func @transform_0(%arg0: i32) -> (i32, i32) {
    %c0_i32 = arith.constant 0 : i32
    %c0_i32_0 = arith.constant 0 : i32
    return %c0_i32, %arg0 : i32, i32
  }
  func.func @transform_1(%arg0: i32) -> (i32, i32) {
    %c0_i32 = arith.constant 0 : i32
    %c0_i32_0 = arith.constant 0 : i32
    return %arg0, %c0_i32 : i32, i32
  }
  func.func @transform_2(%arg0: i32) -> (i32, i32) {
    %c0_i32 = arith.constant 0 : i32
    %c0_i32_0 = arith.constant 0 : i32
    %c0_i32_1 = arith.constant 0 : i32
    return %c0_i32, %c0_i32_0 : i32, i32
  }
  func.func @transform_3(%arg0: i32) -> (i32, i32) {
    %c0_i32 = arith.constant 0 : i32
    %c0_i32_0 = arith.constant 0 : i32
    return %arg0, %c0_i32 : i32, i32
  }
}

module attributes {stable_mosaic.version = 14 : i64} {
  func.func @_tc2_body(%arg0: i32, %arg1: memref<2x1280x64xbf16, #tpu.memory_space<vmem>>, %arg2: memref<1280x64xbf16, #tpu.memory_space<vmem>>, %arg3: memref<32x1280xf32, #tpu.memory_space<vmem>>, %arg4: memref<1x64xf32, #tpu.memory_space<vmem>>, %arg5: memref<64x64xf32, #tpu.memory_space<vmem>>, %arg6: memref<1280x64xbf16, #tpu.memory_space<vmem>>) attributes {dimension_semantics = [#tpu.dimension_semantics<arbitrary>], iteration_bounds = array<i64: 8>, scalar_prefetch = 0 : i64, scratch_operands = 0 : i64, tpu.core_type = #tpu.core_type<tc>, window_params = [{transform_indices = @transform_0, window_bounds = array<i64: 2, 1280, 64>}, {transform_indices = @transform_1, window_bounds = array<i64: 1280, 64>}, {transform_indices = @transform_2, window_bounds = array<i64: 32, 1280>}, {pipeline_mode = #tpu.pipeline_mode<synchronous>, transform_indices = @transform_3, window_bounds = array<i64: 1, 64>}, {pipeline_mode = #tpu.pipeline_mode<synchronous>, transform_indices = @transform_4, window_bounds = array<i64: 64, 64>}, {transform_indices = @transform_5, window_bounds = array<i64: 1280, 64>}]} {
    %get3A = arith.constant 0 : index
    %get3A_0 = arith.constant 0 : index
    %get3A_1 = vector.load %arg3[%get3A, %get3A_0] : memref<32x1280xf32, #tpu.memory_space<vmem>>, vector<32x1280xf32>
    %reduce_sum3A = arith.constant dense<0.000000e+00> : vector<1280xf32>
    %reduce_sum3A_2 = vector.multi_reduction <add>, %get3A_1, %reduce_sum3A [0] : vector<32x1280xf32> to vector<1280xf32>
    %add3A = arith.constant 1.000000e+00 : f32
    %add3A_3 = vector.broadcast %add3A : f32 to vector<1280xf32>
    %add3A_4 = arith.addf %add3A_3, %reduce_sum3A_2 : vector<1280xf32>
    %rsqrt3A = math.rsqrt %add3A_4 : vector<1280xf32>
    %broadcast_in_dim3A = vector.shape_cast %rsqrt3A : vector<1280xf32> to vector<1280x1xf32>
    %get3A_5 = arith.constant 0 : index
    %get3A_6 = arith.constant 0 : index
    %get3A_7 = arith.constant 0 : index
    %get3A_8 = vector.load %arg1[%get3A_5, %get3A_6, %get3A_7] : memref<2x1280x64xbf16, #tpu.memory_space<vmem>>, vector<1x1280x64xbf16>
    %get3A_9 = vector.shape_cast %get3A_8 : vector<1x1280x64xbf16> to vector<1280x64xbf16>
    %convert_element_type3A = arith.extf %get3A_9 : vector<1280x64xbf16> to vector<1280x64xf32>
    %get3A_10 = arith.constant 1 : index
    %get3A_11 = arith.constant 0 : index
    %get3A_12 = arith.constant 0 : index
    %get3A_13 = vector.load %arg1[%get3A_10, %get3A_11, %get3A_12] : memref<2x1280x64xbf16, #tpu.memory_space<vmem>>, vector<1x1280x64xbf16>
    %get3A_14 = vector.shape_cast %get3A_13 : vector<1x1280x64xbf16> to vector<1280x64xbf16>
    %convert_element_type3A_15 = arith.extf %get3A_14 : vector<1280x64xbf16> to vector<1280x64xf32>
    %add3A_16 = arith.addf %convert_element_type3A, %convert_element_type3A_15 : vector<1280x64xf32>
    %get3A_17 = arith.constant 0 : index
    %get3A_18 = arith.constant 0 : index
    %get3A_19 = vector.load %arg2[%get3A_17, %get3A_18] : memref<1280x64xbf16, #tpu.memory_space<vmem>>, vector<1280x64xbf16>
    %convert_element_type3A_20 = arith.extf %get3A_19 : vector<1280x64xbf16> to vector<1280x64xf32>
    %add3A_21 = arith.addf %add3A_16, %convert_element_type3A_20 : vector<1280x64xf32>
    %mul3A = vector.broadcast %broadcast_in_dim3A : vector<1280x1xf32> to vector<1280x64xf32>
    %mul3A_22 = arith.mulf %add3A_21, %mul3A : vector<1280x64xf32>
    %get3A_23 = arith.constant 0 : index
    %get3A_24 = arith.constant 0 : index
    %get3A_25 = vector.load %arg4[%get3A_23, %get3A_24] : memref<1x64xf32, #tpu.memory_space<vmem>>, vector<1x64xf32>
    %add3A_26 = vector.broadcast %get3A_25 : vector<1x64xf32> to vector<1280x64xf32>
    %add3A_27 = arith.addf %mul3A_22, %add3A_26 : vector<1280x64xf32>
    %max3A = arith.constant 0.000000e+00 : f32
    %max3A_28 = vector.broadcast %max3A : f32 to vector<1280x64xf32>
    %max3A_29 = arith.maximumf %add3A_27, %max3A_28 : vector<1280x64xf32>
    %get3A_30 = arith.constant 0 : index
    %get3A_31 = arith.constant 0 : index
    %get3A_32 = vector.load %arg5[%get3A_30, %get3A_31] : memref<64x64xf32, #tpu.memory_space<vmem>>, vector<64x64xf32>
    %dot_general3A = arith.constant dense<0.000000e+00> : vector<1280x64xf32>
    %dot_general3A_33 = tpu.matmul %max3A_29, %get3A_32, %dot_general3A {dimension_numbers = #tpu.dot_dimension_numbers<[1], [0], [0], [1], [0, 0, 1, 1], [], []>, transpose_lhs_hint = false} : vector<1280x64xf32>, vector<64x64xf32>, vector<1280x64xf32> -> vector<1280x64xf32>
    %mul3A_34 = vector.broadcast %broadcast_in_dim3A : vector<1280x1xf32> to vector<1280x64xf32>
    %mul3A_35 = arith.mulf %dot_general3A_33, %mul3A_34 : vector<1280x64xf32>
    %convert_element_type3A_36 = arith.truncf %mul3A_35 : vector<1280x64xf32> to vector<1280x64xbf16>
    %swap3A = arith.constant 0 : index
    %swap3A_37 = arith.constant 0 : index
    %swap3A_38 = vector.load %arg6[%swap3A, %swap3A_37] : memref<1280x64xbf16, #tpu.memory_space<vmem>>, vector<1280x64xbf16>
    tpu.vector_store %arg6[%swap3A, %swap3A_37], %convert_element_type3A_36 {strides = array<i32>} : memref<1280x64xbf16, #tpu.memory_space<vmem>>, vector<1280x64xbf16>,
    return
  }
  func.func @transform_0(%arg0: i32) -> (i32, i32, i32) {
    %c0_i32 = arith.constant 0 : i32
    %c0_i32_0 = arith.constant 0 : i32
    %c0_i32_1 = arith.constant 0 : i32
    return %c0_i32, %arg0, %c0_i32_0 : i32, i32, i32
  }
  func.func @transform_1(%arg0: i32) -> (i32, i32) {
    %c0_i32 = arith.constant 0 : i32
    %c0_i32_0 = arith.constant 0 : i32
    return %arg0, %c0_i32 : i32, i32
  }
  func.func @transform_2(%arg0: i32) -> (i32, i32) {
    %c0_i32 = arith.constant 0 : i32
    %c0_i32_0 = arith.constant 0 : i32
    return %c0_i32, %arg0 : i32, i32
  }
  func.func @transform_3(%arg0: i32) -> (i32, i32) {
    %c0_i32 = arith.constant 0 : i32
    %c0_i32_0 = arith.constant 0 : i32
    %c0_i32_1 = arith.constant 0 : i32
    return %c0_i32, %c0_i32_0 : i32, i32
  }
  func.func @transform_4(%arg0: i32) -> (i32, i32) {
    %c0_i32 = arith.constant 0 : i32
    %c0_i32_0 = arith.constant 0 : i32
    %c0_i32_1 = arith.constant 0 : i32
    return %c0_i32, %c0_i32_0 : i32, i32
  }
  func.func @transform_5(%arg0: i32) -> (i32, i32) {
    %c0_i32 = arith.constant 0 : i32
    %c0_i32_0 = arith.constant 0 : i32
    return %arg0, %c0_i32 : i32, i32
  }
}

module attributes {stable_mosaic.version = 14 : i64} {
  func.func @_tc3_body(%arg0: i32, %arg1: memref<2x1280x64xbf16, #tpu.memory_space<vmem>>, %arg2: memref<1280x64xbf16, #tpu.memory_space<vmem>>, %arg3: memref<32x1280xf32, #tpu.memory_space<vmem>>, %arg4: memref<1x64xf32, #tpu.memory_space<vmem>>, %arg5: memref<1x1x1280xi32, #tpu.memory_space<vmem>>, %arg6: memref<1x64xf32, #tpu.memory_space<vmem>>, %arg7: memref<1xf32, #tpu.memory_space<smem>>, %arg8: memref<64x1xf32, #tpu.memory_space<vmem>>, %arg9: memref<64x64xf32, #tpu.memory_space<vmem>>, %arg10: memref<64x64xf32, #tpu.memory_space<vmem>>) attributes {dimension_semantics = [#tpu.dimension_semantics<arbitrary>], iteration_bounds = array<i64: 8>, scalar_prefetch = 0 : i64, scratch_operands = 2 : i64, tpu.core_type = #tpu.core_type<tc>, window_params = [{transform_indices = @transform_0, window_bounds = array<i64: 2, 1280, 64>}, {transform_indices = @transform_1, window_bounds = array<i64: 1280, 64>}, {transform_indices = @transform_2, window_bounds = array<i64: 32, 1280>}, {pipeline_mode = #tpu.pipeline_mode<synchronous>, transform_indices = @transform_3, window_bounds = array<i64: 1, 64>}, {transform_indices = @transform_4, window_bounds = array<i64: 1, 1, 1280>}, {pipeline_mode = #tpu.pipeline_mode<synchronous>, transform_indices = @transform_5, window_bounds = array<i64: 1, 64>}, {transform_indices = @transform_6, window_bounds = array<i64: 1>}, {pipeline_mode = #tpu.pipeline_mode<synchronous>, transform_indices = @transform_7, window_bounds = array<i64: 64, 1>}]} {
    %eq3A = arith.constant 0 : i32
    %eq3A_0 = arith.cmpi eq, %arg0, %eq3A : i32
    %convert_element_type3A = arith.extui %eq3A_0 : i1 to i32
    %cond3A = arith.constant 0 : i32
    %cond3A_1 = arith.cmpi ne, %convert_element_type3A, %cond3A : i32
    scf.if %cond3A_1 {
      %broadcast_in_dim3A_67 = arith.constant 0.000000e+00 : f32
      %broadcast_in_dim3A_68 = vector.broadcast %broadcast_in_dim3A_67 : f32 to vector<64x64xf32>
      %swap3A_69 = arith.constant 0 : index
      %swap3A_70 = arith.constant 0 : index
      %swap3A_71 = vector.load %arg9[%swap3A_69, %swap3A_70] : memref<64x64xf32, #tpu.memory_space<vmem>>, vector<64x64xf32>
      tpu.vector_store %arg9[%swap3A_69, %swap3A_70], %broadcast_in_dim3A_68 {strides = array<i32>} : memref<64x64xf32, #tpu.memory_space<vmem>>, vector<64x64xf32>,
      %broadcast_in_dim3A_72 = arith.constant 0.000000e+00 : f32
      %broadcast_in_dim3A_73 = vector.broadcast %broadcast_in_dim3A_72 : f32 to vector<64x64xf32>
      %swap3A_74 = arith.constant 0 : index
      %swap3A_75 = arith.constant 0 : index
      %swap3A_76 = vector.load %arg10[%swap3A_74, %swap3A_75] : memref<64x64xf32, #tpu.memory_space<vmem>>, vector<64x64xf32>
      tpu.vector_store %arg10[%swap3A_74, %swap3A_75], %broadcast_in_dim3A_73 {strides = array<i32>} : memref<64x64xf32, #tpu.memory_space<vmem>>, vector<64x64xf32>,
    } else {
    }
    %get3A = arith.constant 0 : index
    %get3A_2 = arith.constant 0 : index
    %get3A_3 = vector.load %arg3[%get3A, %get3A_2] : memref<32x1280xf32, #tpu.memory_space<vmem>>, vector<32x1280xf32>
    %reduce_sum3A = arith.constant dense<0.000000e+00> : vector<1280xf32>
    %reduce_sum3A_4 = vector.multi_reduction <add>, %get3A_3, %reduce_sum3A [0] : vector<32x1280xf32> to vector<1280xf32>
    %add3A = arith.constant 1.000000e+00 : f32
    %add3A_5 = vector.broadcast %add3A : f32 to vector<1280xf32>
    %add3A_6 = arith.addf %add3A_5, %reduce_sum3A_4 : vector<1280xf32>
    %rsqrt3A = math.rsqrt %add3A_6 : vector<1280xf32>
    %broadcast_in_dim3A = vector.shape_cast %rsqrt3A : vector<1280xf32> to vector<1280x1xf32>
    %get3A_7 = arith.constant 0 : index
    %get3A_8 = arith.constant 0 : index
    %get3A_9 = arith.constant 0 : index
    %get3A_10 = vector.load %arg1[%get3A_7, %get3A_8, %get3A_9] : memref<2x1280x64xbf16, #tpu.memory_space<vmem>>, vector<1x1280x64xbf16>
    %get3A_11 = vector.shape_cast %get3A_10 : vector<1x1280x64xbf16> to vector<1280x64xbf16>
    %convert_element_type3A_12 = arith.extf %get3A_11 : vector<1280x64xbf16> to vector<1280x64xf32>
    %get3A_13 = arith.constant 1 : index
    %get3A_14 = arith.constant 0 : index
    %get3A_15 = arith.constant 0 : index
    %get3A_16 = vector.load %arg1[%get3A_13, %get3A_14, %get3A_15] : memref<2x1280x64xbf16, #tpu.memory_space<vmem>>, vector<1x1280x64xbf16>
    %get3A_17 = vector.shape_cast %get3A_16 : vector<1x1280x64xbf16> to vector<1280x64xbf16>
    %convert_element_type3A_18 = arith.extf %get3A_17 : vector<1280x64xbf16> to vector<1280x64xf32>
    %add3A_19 = arith.addf %convert_element_type3A_12, %convert_element_type3A_18 : vector<1280x64xf32>
    %get3A_20 = arith.constant 0 : index
    %get3A_21 = arith.constant 0 : index
    %get3A_22 = vector.load %arg2[%get3A_20, %get3A_21] : memref<1280x64xbf16, #tpu.memory_space<vmem>>, vector<1280x64xbf16>
    %convert_element_type3A_23 = arith.extf %get3A_22 : vector<1280x64xbf16> to vector<1280x64xf32>
    %add3A_24 = arith.addf %add3A_19, %convert_element_type3A_23 : vector<1280x64xf32>
    %mul3A = vector.broadcast %broadcast_in_dim3A : vector<1280x1xf32> to vector<1280x64xf32>
    %mul3A_25 = arith.mulf %add3A_24, %mul3A : vector<1280x64xf32>
    %get3A_26 = arith.constant 0 : index
    %get3A_27 = arith.constant 0 : index
    %get3A_28 = vector.load %arg4[%get3A_26, %get3A_27] : memref<1x64xf32, #tpu.memory_space<vmem>>, vector<1x64xf32>
    %add3A_29 = vector.broadcast %get3A_28 : vector<1x64xf32> to vector<1280x64xf32>
    %add3A_30 = arith.addf %mul3A_25, %add3A_29 : vector<1280x64xf32>
    %max3A = arith.constant 0.000000e+00 : f32
    %max3A_31 = vector.broadcast %max3A : f32 to vector<1280x64xf32>
    %max3A_32 = arith.maximumf %add3A_30, %max3A_31 : vector<1280x64xf32>
    %get3A_33 = arith.constant 0 : index
    %get3A_34 = arith.constant 0 : index
    %get3A_35 = arith.constant 0 : index
    %get3A_36 = vector.load %arg5[%get3A_33, %get3A_34, %get3A_35] : memref<1x1x1280xi32, #tpu.memory_space<vmem>>, vector<1x1x1280xi32>
    %get3A_37 = vector.shape_cast %get3A_36 : vector<1x1x1280xi32> to vector<1280xi32>
    %iota3A = tpu.iota {dimensions = array<i32: 0>} : vector<64x1280xi32>
    %broadcast_in_dim3A_38 = vector.shape_cast %get3A_37 : vector<1280xi32> to vector<1x1280xi32>
    %eq3A_39 = vector.broadcast %broadcast_in_dim3A_38 : vector<1x1280xi32> to vector<64x1280xi32>
    %eq3A_40 = arith.cmpi eq, %iota3A, %eq3A_39 : vector<64x1280xi32>
    %convert_element_type3A_41 = arith.extui %eq3A_40 : vector<64x1280xi1> to vector<64x1280xi32>
    %convert_element_type3A_42 = arith.sitofp %convert_element_type3A_41 : vector<64x1280xi32> to vector<64x1280xf32>
    %get3A_43 = arith.constant 0 : index
    %get3A_44 = arith.constant 0 : index
    %get3A_45 = vector.load %arg9[%get3A_43, %get3A_44] : memref<64x64xf32, #tpu.memory_space<vmem>>, vector<64x64xf32>
    %dot_general3A = arith.constant dense<0.000000e+00> : vector<64x64xf32>
    %dot_general3A_46 = tpu.matmul %convert_element_type3A_42, %max3A_32, %dot_general3A {dimension_numbers = #tpu.dot_dimension_numbers<[1], [0], [0], [1], [0, 0, 1, 1], [], []>, transpose_lhs_hint = false} : vector<64x1280xf32>, vector<1280x64xf32>, vector<64x64xf32> -> vector<64x64xf32>
    %add3A_47 = arith.addf %get3A_45, %dot_general3A_46 : vector<64x64xf32>
    %swap3A = arith.constant 0 : index
    %swap3A_48 = arith.constant 0 : index
    %swap3A_49 = vector.load %arg9[%swap3A, %swap3A_48] : memref<64x64xf32, #tpu.memory_space<vmem>>, vector<64x64xf32>
    tpu.vector_store %arg9[%swap3A, %swap3A_48], %add3A_47 {strides = array<i32>} : memref<64x64xf32, #tpu.memory_space<vmem>>, vector<64x64xf32>,
    %get3A_50 = arith.constant 0 : index
    %get3A_51 = arith.constant 0 : index
    %get3A_52 = vector.load %arg10[%get3A_50, %get3A_51] : memref<64x64xf32, #tpu.memory_space<vmem>>, vector<64x64xf32>
    %reduce_sum3A_53 = arith.constant dense<0.000000e+00> : vector<64xf32>
    %reduce_sum3A_54 = vector.multi_reduction <add>, %convert_element_type3A_42, %reduce_sum3A_53 [1] : vector<64x1280xf32> to vector<64xf32>
    %broadcast_in_dim3A_55 = vector.shape_cast %reduce_sum3A_54 : vector<64xf32> to vector<64x1xf32>
    %broadcast_in_dim3A_56 = vector.shape_cast %broadcast_in_dim3A_55 : vector<64x1xf32> to vector<64x1xf32>
    %broadcast_in_dim3A_57 = vector.broadcast %broadcast_in_dim3A_56 : vector<64x1xf32> to vector<64x64xf32>
    %add3A_58 = arith.addf %get3A_52, %broadcast_in_dim3A_57 : vector<64x64xf32>
    %swap3A_59 = arith.constant 0 : index
    %swap3A_60 = arith.constant 0 : index
    %swap3A_61 = vector.load %arg10[%swap3A_59, %swap3A_60] : memref<64x64xf32, #tpu.memory_space<vmem>>, vector<64x64xf32>
    tpu.vector_store %arg10[%swap3A_59, %swap3A_60], %add3A_58 {strides = array<i32>} : memref<64x64xf32, #tpu.memory_space<vmem>>, vector<64x64xf32>,
    %eq3A_62 = arith.constant 7 : i32
    %eq3A_63 = arith.cmpi eq, %arg0, %eq3A_62 : i32
    %convert_element_type3A_64 = arith.extui %eq3A_63 : i1 to i32
    %cond3A_65 = arith.constant 0 : i32
    %cond3A_66 = arith.cmpi ne, %convert_element_type3A_64, %cond3A_65 : i32
    scf.if %cond3A_66 {
      %get3A_67 = arith.constant 0 : index
      %get3A_68 = arith.constant 0 : index
      %get3A_69 = vector.load %arg9[%get3A_67, %get3A_68] : memref<64x64xf32, #tpu.memory_space<vmem>>, vector<64x64xf32>
      %get3A_70 = arith.constant 0 : index
      %get3A_71 = arith.constant 0 : index
      %get3A_72 = vector.load %arg10[%get3A_70, %get3A_71] : memref<64x64xf32, #tpu.memory_space<vmem>>, vector<64x64xf32>
      %max3A_73 = arith.constant 1.000000e+00 : f32
      %max3A_74 = vector.broadcast %max3A_73 : f32 to vector<64x64xf32>
      %max3A_75 = arith.maximumf %get3A_72, %max3A_74 : vector<64x64xf32>
      %div3A = arith.divf %get3A_69, %max3A_75 : vector<64x64xf32>
      %get3A_76 = arith.constant 0 : index
      %get3A_77 = arith.constant 0 : index
      %get3A_78 = vector.load %arg6[%get3A_76, %get3A_77] : memref<1x64xf32, #tpu.memory_space<vmem>>, vector<1x64xf32>
      %mul3A_79 = vector.broadcast %get3A_78 : vector<1x64xf32> to vector<64x64xf32>
      %mul3A_80 = arith.mulf %div3A, %mul3A_79 : vector<64x64xf32>
      %reduce_sum3A_81 = arith.constant dense<0.000000e+00> : vector<64xf32>
      %reduce_sum3A_82 = vector.multi_reduction <add>, %mul3A_80, %reduce_sum3A_81 [1] : vector<64x64xf32> to vector<64xf32>
      %broadcast_in_dim3A_83 = vector.shape_cast %reduce_sum3A_82 : vector<64xf32> to vector<64x1xf32>
      %get3A_84 = arith.constant 0 : index
      %get3A_85 = memref.load %arg7[%get3A_84] : memref<1xf32, #tpu.memory_space<smem>>
      %add3A_86 = vector.broadcast %get3A_85 : f32 to vector<64x1xf32>
      %add3A_87 = arith.addf %broadcast_in_dim3A_83, %add3A_86 : vector<64x1xf32>
      %logistic3A = arith.negf %add3A_87 : vector<64x1xf32>
      %logistic3A_88 = math.exp %logistic3A : vector<64x1xf32>
      %logistic3A_89 = arith.constant 1.000000e+00 : f32
      %logistic3A_90 = vector.broadcast %logistic3A_89 : f32 to vector<64x1xf32>
      %logistic3A_91 = arith.addf %logistic3A_90, %logistic3A_88 : vector<64x1xf32>
      %logistic3A_92 = arith.divf %logistic3A_90, %logistic3A_91 : vector<64x1xf32>
      %swap3A_93 = arith.constant 0 : index
      %swap3A_94 = arith.constant 0 : index
      %swap3A_95 = vector.load %arg8[%swap3A_93, %swap3A_94] : memref<64x1xf32, #tpu.memory_space<vmem>>, vector<64x1xf32>
      tpu.vector_store %arg8[%swap3A_93, %swap3A_94], %logistic3A_92 {strides = array<i32>} : memref<64x1xf32, #tpu.memory_space<vmem>>, vector<64x1xf32>,
    } else {
    }
    return
  }
  func.func @transform_0(%arg0: i32) -> (i32, i32, i32) {
    %c0_i32 = arith.constant 0 : i32
    %c0_i32_0 = arith.constant 0 : i32
    %c0_i32_1 = arith.constant 0 : i32
    return %c0_i32, %arg0, %c0_i32_0 : i32, i32, i32
  }
  func.func @transform_1(%arg0: i32) -> (i32, i32) {
    %c0_i32 = arith.constant 0 : i32
    %c0_i32_0 = arith.constant 0 : i32
    return %arg0, %c0_i32 : i32, i32
  }
  func.func @transform_2(%arg0: i32) -> (i32, i32) {
    %c0_i32 = arith.constant 0 : i32
    %c0_i32_0 = arith.constant 0 : i32
    return %c0_i32, %arg0 : i32, i32
  }
  func.func @transform_3(%arg0: i32) -> (i32, i32) {
    %c0_i32 = arith.constant 0 : i32
    %c0_i32_0 = arith.constant 0 : i32
    %c0_i32_1 = arith.constant 0 : i32
    return %c0_i32, %c0_i32_0 : i32, i32
  }
  func.func @transform_4(%arg0: i32) -> (i32, i32, i32) {
    %c0_i32 = arith.constant 0 : i32
    %c0_i32_0 = arith.constant 0 : i32
    %c0_i32_1 = arith.constant 0 : i32
    return %arg0, %c0_i32, %c0_i32_0 : i32, i32, i32
  }
  func.func @transform_5(%arg0: i32) -> (i32, i32) {
    %c0_i32 = arith.constant 0 : i32
    %c0_i32_0 = arith.constant 0 : i32
    %c0_i32_1 = arith.constant 0 : i32
    return %c0_i32, %c0_i32_0 : i32, i32
  }
  func.func @transform_6(%arg0: i32) -> i32 {
    %c0_i32 = arith.constant 0 : i32
    %c0_i32_0 = arith.constant 0 : i32
    return %c0_i32 : i32
  }
  func.func @transform_7(%arg0: i32) -> (i32, i32) {
    %c0_i32 = arith.constant 0 : i32
    %c0_i32_0 = arith.constant 0 : i32
    %c0_i32_1 = arith.constant 0 : i32
    return %c0_i32, %c0_i32_0 : i32, i32
  }
}

</mosaic_0001>

<sc_bundles>
// kernel: kernel.11.cloned.1.call-start
scs
__scs_entry_jumppad:
0x0: {  	(pc) =	sbr.rel $0x88, $3  }
0x1: {  	(tag) =	ssettag $0x0;
	lr =	simm.s32 $0x1  }
0x2: {  	[smem:$0x3F98] =	sst lr;
	_ =	strace $0xD0000000  }
0x3: {  	_ = 	snop  }
0x4: {  	_ = 	snop  }
0x5: {  	_ = 	snop  }
0x6: {  	_ = 	snop  }
0x7: {  	_ = 	snop  }
__scs_overlays_trampoline_lowered:
0x8: {  	[smem:$0x3FA7] =	sst s0  }
0x9: {  	[smem:$0x3FA8] =	sst s1  }
0xa: {  	[smem:$0x3FA9] =	sst s2  }
0xb: {  	[smem:$0x3FAA] =	sst s3  }
0xc: {  	[smem:$0x3FAB] =	sst s4  }
0xd: {  	[smem:$0x3FAC] =	sst s5  }
0xe: {  	[smem:$0x3FAD] =	sst s6  }
0xf: {  	[smem:$0x3FAE] =	sst s7  }
0x10: {  	[smem:$0x3FAF] =	sst s8  }
0x11: {  	[smem:$0x3FB0] =	sst s9;
	s0 =	simm.s32 @!p0 $0x0  }
0x12: {  	s1 =	sld [smem:$0x3F96];
	s0 =	simm.s32 @p0 $0x1  }
0x13: {  	[smem:$0x3FB1] =	sst s0;
	s0 =	simm.s32 @!p1 $0x0  }
0x14: {  	s2 =	sld [smem:$0x3F95];
	s0 =	simm.s32 @p1 $0x1  }
0x15: {  	[smem:$0x3FB2] =	sst s0;
	s0 =	simm.s32 @!p2 $0x0  }
0x16: {  	s3 =	sld [smem:$0x3FDB];
	s0 =	simm.s32 @p2 $0x1  }
0x17: {  	s4 =	simm.s32 $0x1BF5;
	[smem:$0x3FB4] =	sst s0  }
0x18: {  	s0 =	sld [smem:$0x3F97];
	_ =	swait.ge [sflag:s4], $0x0  }
0x19: {  	s7 =	sld [smem:$0x3F98]  }
0x1a: {  	s8 =	sadd.s32 $0xFFFFE003, lr  }
0x1b: {  	s9 =	sadd.s32 $0xFFFFFEF7, lr;
	s5 =	simm.s32 $0xFFFFFFFF;
	p2 =	slt.u32 s8, $0xFFFFF086  }
0x1c: {  	p1 =	slt.u32 s9, $0xF7A;
	s5 =	simm.s32 @!p2 $0x0  }
0x1d: {  	s5 =	simm.s32 @p1 $0x1;
	p0 =	seq.s32 s7, s2  }
0x1e: {  	s7 =	smul.u32 @!p0 $0xF7A, s2;
	p2 =	seq.s32 @!p0 s5, $0x0  }
0x1f: {  	s9 =	smul.u32 $0xF7A, s1;
	s8 =	simm.s32 @!p0 $0x1BF5;
	p2 =	por !p2, p0  }
0x20: {  	[sflag:s8] =	ssyncset.s32 @!p0 $0xFFFFF086;
	s6 =	sadd.s32 @!p0 s3, s7;
	s7 =	simm.s32 @!p0 $0x108  }
0x21: {  	s3 =	sadd.s32 s3, s9;
	s6 =	sadd.s32 @!p0 $0x88, s6;
	s7 =	simm.s32 @p2 $0x1082  }
0x22: {  	[simem:s7], [sflag:s8] =	dma.local @!p0 [hbm:s6], $0xF7A  }
0x23: {  	s9 =	sor.u32 $0xD0000000, s2;
	s6 =	simm.s32 $0x108;
	_ =	swait.ge @!p0 [sflag:s8], $0x0  }
0x24: {  	s3 =	sadd.s32 $0x88, s3;
	s6 =	simm.s32 @!p1 $0x1082;
	[sflag:s4] =	ssyncset.s32 $0xFFFFF086  }
0x25: {  	[simem:s6], [sflag:s4] =	dma.local [hbm:s3], $0xF7A  }
0x26: {  	[smem:$0x3F98] =	sst s1;
	(tag) =	ssettag s2;
	_ =	strace s9  }
0x27: {  	s1 =	sld [smem:$0x3FA8]  }
0x28: {  	s2 =	sld [smem:$0x3FA9]  }
0x29: {  	s4 =	sld [smem:$0x3FAB]  }
0x2a: {  	p0 =	seq.s32 s5, $0x0;
	s5 =	sld [smem:$0x3FAC]  }
0x2b: {  	s6 =	sld [smem:$0x3FAD]  }
0x2c: {  	s7 =	sld [smem:$0x3FAE]  }
0x2d: {  	s3 =	simm.s32 $0x108;
	s8 =	sld [smem:$0x3FAF]  }
0x2e: {  	s3 =	simm.s32 @!p0 $0x1082;
	s9 =	sld [smem:$0x3FB0]  }
0x2f: {  	lr =	sadd.s32 s0, s3;
	s0 =	sld [smem:$0x3FA7]  }
0x30: {  	s3 =	sld [smem:$0x3FAA]  }
0x31: {  	[smem:$0x3FB3] =	sst s10  }
0x32: {  	s10 =	sld [smem:$0x3FB1];
	_ =	sdelay $0x3  }
0x33: {  	p0 =	seq.s32 s10, $0x1;
	s10 =	sld [smem:$0x3FB3];
	_ =	sdelay $0x3  }
0x34: {  	[smem:$0x3FB3] =	sst s10  }
0x35: {  	s10 =	sld [smem:$0x3FB2];
	_ =	sdelay $0x3  }
0x36: {  	p1 =	seq.s32 s10, $0x1;
	s10 =	sld [smem:$0x3FB3];
	_ =	sdelay $0x3  }
0x37: {  	[smem:$0x3FB3] =	sst s10  }
0x38: {  	s10 =	sld [smem:$0x3FB4]  }
0x39: {  	_ = 	snop;
	(pc) =	sbr.ind lr, $3  }
0x3a: {  	_ = 	snop  }
0x3b: {  	_ = 	snop  }
0x3c: {  	p2 =	seq.s32 s10, $0x1;
	s10 =	sld [smem:$0x3FB3]  }
0x3d: {  	_ =	shalt  }
0x3e: {  	_ =	shalt  }
0x3f: {  	_ =	shalt  }
0x40: {  	_ =	shalt  }
0x41: {  	_ =	shalt  }
0x42: {  	_ =	shalt  }
0x43: {  	_ =	shalt  }
0x44: {  	_ =	shalt  }
0x45: {  	_ =	shalt  }
0x46: {  	_ =	shalt  }
0x47: {  	_ =	shalt  }
0x48: {  	_ =	shalt  }
0x49: {  	_ =	shalt  }
0x4a: {  	_ =	shalt  }
0x4b: {  	_ =	shalt  }
0x4c: {  	_ =	shalt  }
0x4d: {  	_ =	shalt  }
0x4e: {  	_ =	shalt  }
0x4f: {  	_ =	shalt  }
0x50: {  	_ =	shalt  }
0x51: {  	_ =	shalt  }
0x52: {  	_ =	shalt  }
0x53: {  	_ =	shalt  }
0x54: {  	_ =	shalt  }
0x55: {  	_ =	shalt  }
0x56: {  	_ =	shalt  }
0x57: {  	_ =	shalt  }
0x58: {  	_ =	shalt  }
0x59: {  	_ =	shalt  }
0x5a: {  	_ =	shalt  }
0x5b: {  	_ =	shalt  }
0x5c: {  	_ =	shalt  }
0x5d: {  	_ =	shalt  }
0x5e: {  	_ =	shalt  }
0x5f: {  	_ =	shalt  }
0x60: {  	_ =	shalt  }
0x61: {  	_ =	shalt  }
0x62: {  	_ =	shalt  }
0x63: {  	_ =	shalt  }
0x64: {  	_ =	shalt  }
0x65: {  	_ =	shalt  }
0x66: {  	_ =	shalt  }
0x67: {  	_ =	shalt  }
0x68: {  	_ =	shalt  }
0x69: {  	_ =	shalt  }
0x6a: {  	_ =	shalt  }
0x6b: {  	_ =	shalt  }
0x6c: {  	_ =	shalt  }
0x6d: {  	_ =	shalt  }
0x6e: {  	_ =	shalt  }
0x6f: {  	_ =	shalt  }
0x70: {  	_ =	shalt  }
0x71: {  	_ =	shalt  }
0x72: {  	_ =	shalt  }
0x73: {  	_ =	shalt  }
0x74: {  	_ =	shalt  }
0x75: {  	_ =	shalt  }
0x76: {  	_ =	shalt  }
0x77: {  	_ =	shalt  }
0x78: {  	_ =	shalt  }
0x79: {  	_ =	shalt  }
0x7a: {  	_ =	shalt  }
0x7b: {  	_ =	shalt  }
0x7c: {  	_ =	shalt  }
0x7d: {  	_ =	shalt  }
0x7e: {  	_ =	shalt  }
0x7f: {  	_ =	shalt  }
0x80: {  	_ =	shalt  }
0x81: {  	_ =	shalt  }
0x82: {  	_ =	shalt  }
0x83: {  	_ =	shalt  }
0x84: {  	_ =	shalt  }
0x85: {  	_ =	shalt  }
0x86: {  	_ =	shalt  }
0x87: {  	_ =	shalt  }
.Lfunc_end0:
.L_simem_size_0:
called_computation.1_lowered:
.L_overlay_start_0:
0x88: {  	s2 =	sld [smem:$0x3FD9]  }
0x89: {  	s3 =	sld [smem:$0x3FFE];
	_ =	sdelay $0x1  }
0x8a: {  	s1 =	srdreg.scid  }
0x8b: {  	s0 =	sand.u32 $0x1, s1  }
0x8c: {  	s16 =	sshll.u32 s0, $0xA;
	s2 =	sadd.s32 s3, s2  }
0x8d: {  	s2 =	sadd.s32 s2, s16  }
0x8e: {  	[smem:$0x3FBF] =	sst s2  }
0x8f: {  	_ = 	snop  }
0x90: {  	(tm) =	ssettm $0x1  }
0x91: {  	s17 =	sld [smem:$0x3FFB];
	_ =	sdelay $0x3  }
0x92: {  	_ =	strace s17  }
0x93: {  	s2 =	sld [smem:$0x3FFC];
	_ =	sdelay $0x3  }
0x94: {  	_ =	strace s2  }
0x95: {  	s2 =	sld [smem:$0x3FFD];
	_ =	sdelay $0x3  }
0x96: {  	_ =	strace s2  }
0x97: {  	_ =	strace $0x8FFFFFFF  }
0x98: {  	s18 =	sld [smem:$0x3FDB];
	_ =	sdelay $0x1  }
0x99: {  	s19 =	simm.s32 $_scs_section_size  }
0x9a: {  	s4 =	simm.s32 $_size__tile_overlayer_lowered;
	s5 =	simm.s32 $_tile_overlayer_lowered  }
0x9b: {  	s22 =	simm.s32 $0x1BFF;
	s21 =	sshll.u32 s5, $0x1;
	s2 =	sadd.s32 s19, s18  }
0x9c: {  	s6 =	simm.s32 $0x0;
	s20 =	sshll.u32 s4, $0x1;
	s4 =	sadd.s32 s21, s2  }
0x9d: {  	[timem:s6], [sflag:s22] =	dma.local [hbm:s4], s20  }
0x9e: {  	_ =	swait.ge [sflag:s22], s20  }
0x9f: {  	s3 =	ssub.s32 $0x0, s20;
	[sflag:s22] =	ssyncset.done $0x0  }
0xa0: {  	[sflag:s22] =	ssyncadd.s32 s3;
	_ =	sdelay $0x1  }
0xa1: {  	s23 =	simm.s32 $0x1B8B  }
0xa2: {  	_ =	swait.ge [sflag:s23], $0x1  }
0xa3: {  	[sflag:s23] =	ssyncset.done $0x0  }
0xa4: {  	s25 =	simm.s32 $0x1B8E;
	s24 =	sld [smem:$0x3FFE];
	[sflag:s23] =	ssyncadd.s32 $0xFFFFFFFF  }
0xa5: {  	s26 =	simm.s32 $execute0_lowered;
	[smem:$0x3FD2] =	sst s25  }
0xa6: {  	s4 =	sshll.u32 s26, $0x1;
	_ =	strace $0x80000049;
	[dreg:$0x1] =	wrdreg $0xFFFFFFFF  }
0xa7: {  	s28 =	simm.s32 $_size_execute0_lowered;
	s2 =	sadd.s32 s2, s4;
	[dreg:$0x0] =	wrdreg $0x0  }
0xa8: {  	s4 =	sshll.u32 s28, $0x1;
	[dreg:$0x2] =	wrdreg s2  }
0xa9: {  	[dreg:$0x3] =	wrdreg s4  }
0xaa: {  	[dreg:$0x4] =	wrdreg $0xC0  }
0xab: {  	_ =	task [dreg:s6], $0x5FFFF  }
0xac: {  	[dreg:$0x1] =	wrdreg $0xFFFFFFFF  }
0xad: {  	[dreg:$0x0] =	wrdreg $0x60  }
0xae: {  	[dreg:$0x2] =	wrdreg s24  }
0xaf: {  	[dreg:$0x3] =	wrdreg $0xD0000  }
0xb0: {  	[dreg:$0x4] =	wrdreg $0x120000  }
0xb1: {  	[dreg:$0x5] =	wrdreg $0x9  }
0xb2: {  	_ =	task.clear_ibuf [dreg:s6], $0x6FFFF;
	_ =	strace $0x90000049  }
0xb3: {  	s29 =	simm.s32 $0x9;
	_ =	strace $0x8000004B  }
0xb4: {  	_ =	swait.ge [sflag:s29], $0x1  }
0xb5: {  	[sflag:s29] =	ssyncadd.s32 $0xFFFFFFFF  }
0xb6: {  	_ =	strace $0x9000004B  }
0xb7: {  	_ =	sfence  }
0xb8: {  	s30 =	sld [smem:$0x0];
	_ =	sdelay $0x2  }
0xb9: {  	s31 =	sshll.u32 s1, $0xD;
	s1 =	sshrl.u32 s1, $0x2  }
0xba: {  	s3 =	sand.u32 $0x4000, s31;
	s1 =	sadd.s32 s1, s30  }
0xbb: {  	s0 =	sor.u32 s3, s0;
	s1 =	sshll.u32 s1, $0x11  }
0xbc: {  	s0 =	sor.u32 s1, s0  }
0xbd: {  	s0 =	sadd.s32 $0x8F2B, s0  }
0xbe: {  	[sflag:s0] =	ssyncadd.remote.s32 $0x1  }
0xbf: {  	_ =	sfence.sel $0xFFFF  }
0xc0: {  	[dreg:$0x0] =	wrdreg $0xFFFFFFFF;
	(pc) =	sbr.abs _section_cstart, $3  }
0xc1: {  	[dreg:$0x1] =	wrdreg $0xFFFFFFFF  }
0xc2: {  	_ =	task.clear_ibuf [dreg:s6], $0x2FFFF;
	_ =	strace $0x9FFFFFFF  }
0xc3: {  	(tm) =	ssettm $0x7FFFFFFF  }
tec
execute0_lowered:
.L_overlay_start_1:
0x0: {  	(tag) =	ssettag $0x1  }
0x1: {  	s0 =	rddreg [dreg:$0x0]  }
0x2: {  	s1 =	rddreg [dreg:$0x1]  }
0x3: {  	s3 =	rddreg [dreg:$0x2];
	s12 =	stileid.u32  }
0x4: {  	s2 =	srdreg.scid;
	s4 =	simm.s32 $0x0;
	s28 =	simm.s32 $0x6000  }
0x5: {  	s30 =	simm.s32 $0x7000;
	s29 =	simm.s32 $0x2;
	s31 =	simm.s32 $0xA000  }
0x6: {  	s5 =	smul.u32 $0xA000, s12;
	s2 =	sand.u32 $0x1, s2;
	s6 =	sshll.u32 s12, $0x1  }
0x7: {  	[smem:$0x7FF] =	sst s4;
	s10 =	smul.u32 $0x280, s12;
	s23 =	sshll.u32 s12, $0x6  }
0x8: {  	s12 =	smul.u32 $0x14000, s12;
	s6 =	sor.u32 s2, s6;
	_ =	strace $0x8000004A  }
0x9: {  	s21 =	ssub.s32 $0x2, s2;
	s2 =	smul.u32 $0x2800, s2;
	s7 =	sshrl.u32 s5, $0x4  }
0xa: {  	s6 =	smul.u32 $0x500, s6;
	s9 =	sshrl.u32 s21, $0x1;
	s5 =	sshrl.u32 s5, $0x1  }
0xb: {  	s25 =	sshrl.u32 s12, $0x2;
	s15 =	sadd.s32 $0x80, s10;
	s17 =	sadd.s32 $0x100, s10  }
0xc: {  	s12 =	simm.s32 $0x8;
	s7 =	sadd.s32 s7, s0;
	s9 =	ssub.s32 s21, s9  }
0xd: {  	s11 =	sadd.s32 s5, s1;
	s5 =	sadd.s32 s5, s3;
	s26 =	sadd.s32 s2, s10  }
0xe: {  	s16 =	sshll.u32 s15, $0x5;
	s18 =	sadd.s32 s2, s17;
	s19 =	sshll.u32 s17, $0x5  }
0xf: {  	s21 =	sadd.s32 $0x180, s10;
	s8 =	sadd.s32 s6, s0;
	s0 =	sadd.s32 $0x29400, s0  }
0x10: {  	s22 =	sadd.s32 $0x1F400, s7;
	s6 =	sor.u32 $0x1C11, s23;
	s7 =	sadd.s32 $0xB400, s7  }
0x11: {  	s13 =	sshll.u32 s26, $0x2;
	s14 =	smax.u32 s9, $0x1;
	[dreg:$0x4] =	wrdreg s22  }
0x12: {  	s23 =	sadd.s32 $0x200, s10;
	s26 =	sshrl.u32 s5, $0x3;
	[dreg:$0x5] =	wrdreg s7  }
0x13: {  	s5 =	simm.s32 $0x3;
	s9 =	simm.s32 $0xC000;
	[dreg:$0x9] =	wrdreg s14  }
0x14: {  	s10 =	simm.s32 $0x5;
	s24 =	sadd.s32 $0x15400, s8;
	[dreg:$0x14] =	wrdreg s26  }
0x15: {  	s8 =	sadd.s32 $0x1400, s8;
	s7 =	sadd.s32 s25, s1;
	[dreg:$0x6] =	wrdreg s24  }
0x16: {  	s22 =	sshll.u32 s21, $0x5;
	s25 =	sshrl.u32 s11, $0x3;
	[dreg:$0x7] =	wrdreg s8  }
0x17: {  	s26 =	simm.s32 $0x5000;
	s11 =	simm.s32 $0x7;
	[dreg:$0x8] =	wrdreg s7  }
0x18: {  	s7 =	sadd.s32 s0, s13;
	s8 =	sadd.s32 s16, s1;
	[dreg:$0x13] =	wrdreg s25  }
0x19: {  	s24 =	sshll.u32 s23, $0x5;
	s25 =	simm.s32 $0x80;
	[dreg:$0xa] =	wrdreg s7  }
0x1a: {  	s16 =	simm.s32 $0xC;
	[dreg:$0xb] =	wrdreg s8;
	s8 =	sshll.u32 s18, $0x2  }
0x1b: {  	s7 =	sadd.s32 s2, s15;
	s15 =	simm.s32 $0xB;
	s20 =	sadd.s32 s0, s8  }
0x1c: {  	s7 =	sshll.u32 s7, $0x2;
	s8 =	sadd.s32 s22, s1;
	[dreg:$0xe] =	wrdreg s20  }
0x1d: {  	s22 =	simm.s32 $0x11;
	s7 =	sadd.s32 s0, s7;
	[dreg:$0xf] =	wrdreg s8  }
0x1e: {  	s8 =	simm.s32 $0x4;
	[dreg:$0xc] =	wrdreg s7;
	s7 =	sadd.s32 s19, s1  }
0x1f: {  	s20 =	simm.s32 $0x10;
	[dreg:$0xd] =	wrdreg s7;
	s7 =	sadd.s32 s2, s21  }
.Ltmp0:
0x20: {  	s2 =	sadd.s32 s2, s23;
	s7 =	sshll.u32 s7, $0x2;
	(pc) =	sbr.rel .LBB2_1-.Ltmp0, $4  }
0x21: {  	s21 =	simm.s32 $0x0;
	s2 =	sshll.u32 s2, $0x2;
	s7 =	sadd.s32 s0, s7  }
0x22: {  	s0 =	sadd.s32 s0, s2;
	s2 =	simm.s32 $0x8000;
	[dreg:$0x10] =	wrdreg s7  }
0x23: {  	s7 =	sadd.s32 s24, s1;
	[dreg:$0x12] =	wrdreg s0;
	s0 =	simm.s32 $0x1  }
0x24: {  	s24 =	simm.s32 $0x9000;
	[dreg:$0x11] =	wrdreg s7;
	s7 =	simm.s32 $0xB000  }
.LBB2_4:
0x25: {  	_ =	swait.ge [sflag:s12], $0x1000  }
0x26: {  	[sflag:s12] =	ssyncset.done $0x0  }
0x27: {  	s13 =	simm.s32 $0x9;
	[sflag:s12] =	ssyncadd.s32 $0xFFFFF000  }
0x28: {  	[spmem:s1] =	stream.indirect.scatter.add.bf16 [tilespmem:s9], [sflag:$0x10], $0x20, s14, s25, $0xb8;
	[tilespmem:$0x17000] =	vst v63  }
0x29: {  	_ =	swait.ge [sflag:s13], $0x1000  }
0x2a: {  	[sflag:s13] =	ssyncset.done $0x0  }
0x2b: {  	s14 =	simm.s32 $0xA;
	[sflag:s13] =	ssyncadd.s32 $0xFFFFF000  }
0x2c: {  	_ =	swait.ge [sflag:s14], $0x1000  }
0x2d: {  	[sflag:s14] =	ssyncset.done $0x0  }
0x2e: {  	[sflag:s14] =	ssyncadd.s32 $0xFFFFF000  }
0x2f: {  	_ =	swait.ge [sflag:s15], $0x1000  }
0x30: {  	[sflag:s15] =	ssyncset.done $0x0  }
0x31: {  	[sflag:s15] =	ssyncadd.s32 $0xFFFFF000  }
0x32: {  	_ =	swait.ge [sflag:s16], $0x1000  }
0x33: {  	[sflag:s16] =	ssyncset.done $0x0  }
0x34: {  	s17 =	simm.s32 $0xD;
	[sflag:s16] =	ssyncadd.s32 $0xFFFFF000  }
0x35: {  	_ =	swait.ge [sflag:s17], $0x1000  }
0x36: {  	[sflag:s17] =	ssyncset.done $0x0  }
0x37: {  	s18 =	simm.s32 $0xE;
	[sflag:s17] =	ssyncadd.s32 $0xFFFFF000  }
0x38: {  	_ =	swait.ge [sflag:s18], $0x1000  }
0x39: {  	[sflag:s18] =	ssyncset.done $0x0  }
0x3a: {  	s19 =	simm.s32 $0xF;
	[sflag:s18] =	ssyncadd.s32 $0xFFFFF000  }
0x3b: {  	_ =	swait.ge [sflag:s19], $0x1000  }
0x3c: {  	[sflag:s19] =	ssyncset.done $0x0  }
0x3d: {  	[sflag:s19] =	ssyncadd.s32 $0xFFFFF000  }
0x3e: {  	_ =	swait.ge [sflag:s20], $0x1000  }
0x3f: {  	[sflag:s20] =	ssyncset.done $0x0  }
0x40: {  	[sflag:s20] =	ssyncadd.s32 $0xFFFFF000  }
0x41: {  	[bflag:$0x0] =	sbarrier.arrive $0xFFFF  }
0x42: {  	s23 =	rddreg [dreg:$0x8]  }
0x43: {  	[tilespmem:s26], [sflag:$0x11] =	stream.linear.gather [spmem:s23], $0x1000, $0x38;
	[tilespmem:$0x17000] =	vst v63  }
0x44: {  	_ =	swait.ge [sflag:s22], $0x1000  }
0x45: {  	[sflag:s22] =	ssyncset.done $0x0  }
0x46: {  	s14 =	rddreg [dreg:$0xa];
	[sflag:s22] =	ssyncadd.s32 $0xFFFFF000  }
0x47: {  	[hbm4b:s14+s4] =	stream.linear.scatter [tilespmem:s26], [sflag:$0x11], $0x1000, $0x38;
	[tilespmem:$0x17000] =	vst v63  }
0x48: {  	_ =	swait.ge [sflag:s22], $0x1000  }
0x49: {  	[sflag:s22] =	ssyncset.done $0x0  }
0x4a: {  	s17 =	rddreg [dreg:$0xb];
	[sflag:s22] =	ssyncadd.s32 $0xFFFFF000  }
0x4b: {  	[tilespmem:s26], [sflag:$0x11] =	stream.linear.gather [spmem:s17], $0x1000, $0x38;
	[tilespmem:$0x17000] =	vst v63  }
0x4c: {  	_ =	swait.ge [sflag:s22], $0x1000  }
0x4d: {  	[sflag:s22] =	ssyncset.done $0x0  }
0x4e: {  	s18 =	rddreg [dreg:$0xc];
	[sflag:s22] =	ssyncadd.s32 $0xFFFFF000  }
0x4f: {  	[hbm4b:s18+s4] =	stream.linear.scatter [tilespmem:s26], [sflag:$0x11], $0x1000, $0x38;
	[tilespmem:$0x17000] =	vst v63  }
0x50: {  	_ =	swait.ge [sflag:s22], $0x1000  }
0x51: {  	[sflag:s22] =	ssyncset.done $0x0  }
0x52: {  	s19 =	rddreg [dreg:$0xd];
	[sflag:s22] =	ssyncadd.s32 $0xFFFFF000  }
0x53: {  	[tilespmem:s26], [sflag:$0x11] =	stream.linear.gather [spmem:s19], $0x1000, $0x38;
	[tilespmem:$0x17000] =	vst v63  }
0x54: {  	_ =	swait.ge [sflag:s22], $0x1000  }
0x55: {  	[sflag:s22] =	ssyncset.done $0x0  }
0x56: {  	s23 =	rddreg [dreg:$0xe];
	[sflag:s22] =	ssyncadd.s32 $0xFFFFF000  }
0x57: {  	[hbm4b:s23+s4] =	stream.linear.scatter [tilespmem:s26], [sflag:$0x11], $0x1000, $0x38;
	[tilespmem:$0x17000] =	vst v63  }
0x58: {  	_ =	swait.ge [sflag:s22], $0x1000  }
0x59: {  	[sflag:s22] =	ssyncset.done $0x0  }
0x5a: {  	s14 =	rddreg [dreg:$0xf];
	[sflag:s22] =	ssyncadd.s32 $0xFFFFF000  }
0x5b: {  	[tilespmem:s26], [sflag:$0x11] =	stream.linear.gather [spmem:s14], $0x1000, $0x38;
	[tilespmem:$0x17000] =	vst v63  }
0x5c: {  	_ =	swait.ge [sflag:s22], $0x1000  }
0x5d: {  	[sflag:s22] =	ssyncset.done $0x0  }
0x5e: {  	s17 =	rddreg [dreg:$0x10];
	[sflag:s22] =	ssyncadd.s32 $0xFFFFF000  }
0x5f: {  	[hbm4b:s17+s4] =	stream.linear.scatter [tilespmem:s26], [sflag:$0x11], $0x1000, $0x38;
	[tilespmem:$0x17000] =	vst v63  }
0x60: {  	_ =	swait.ge [sflag:s22], $0x1000  }
0x61: {  	[sflag:s22] =	ssyncset.done $0x0  }
0x62: {  	s18 =	rddreg [dreg:$0x11];
	[sflag:s22] =	ssyncadd.s32 $0xFFFFF000  }
0x63: {  	[tilespmem:s26], [sflag:$0x11] =	stream.linear.gather [spmem:s18], $0x1000, $0x38;
	[tilespmem:$0x17000] =	vst v63  }
0x64: {  	_ =	swait.ge [sflag:s22], $0x1000  }
0x65: {  	[sflag:s22] =	ssyncset.done $0x0  }
0x66: {  	s19 =	rddreg [dreg:$0x12];
	[sflag:s22] =	ssyncadd.s32 $0xFFFFF000  }
0x67: {  	[hbm4b:s19+s4] =	stream.linear.scatter [tilespmem:s26], [sflag:$0x11], $0x1000, $0x38;
	[tilespmem:$0x17000] =	vst v63  }
0x68: {  	_ =	swait.ge [sflag:s22], $0x1000  }
0x69: {  	s21 =	sadd.s32 $0x1, s21;
	s23 =	rddreg [dreg:$0x9]  }
0x6a: {  	p0 =	sne.s32 s21, s23  }
.Ltmp1:
0x6b: {  	_ = 	snop;
	(pc) =	sbr.rel @!p0 .LBB2_5-.Ltmp1, $3  }
0x6c: {  	_ =	sdelay $0x1  }
0x6d: {  	[sflag:s22] =	ssyncset.done $0x0  }
0x6e: {  	[sflag:s22] =	ssyncadd.s32 $0xFFFFF000  }
.LBB2_1:
0x6f: {  	s13 =	rddreg [dreg:$0x4]  }
0x70: {  	s14 =	rddreg [dreg:$0x13]  }
0x71: {  	[spmem:s14], [sflag:s6] =	dma.local [hbm:s13], $0xA00  }
0x72: {  	_ =	swait.ge [sflag:s22], $0xA00  }
0x73: {  	[sflag:s22] =	ssyncset.done $0x0;
	s19 =	rddreg [dreg:$0x5]  }
0x74: {  	s23 =	rddreg [dreg:$0x14];
	[sflag:s22] =	ssyncadd.s32 $0xFFFFF600  }
0x75: {  	[spmem:s23], [sflag:s6] =	dma.local [hbm:s19], $0xA00  }
0x76: {  	_ =	swait.ge [sflag:s22], $0xA00  }
0x77: {  	[sflag:s22] =	ssyncset.done $0x0  }
0x78: {  	s14 =	rddreg [dreg:$0x6];
	[sflag:s22] =	ssyncadd.s32 $0xFFFFF600  }
0x79: {  	[tilespmem:s4], [sflag:$0x11] =	stream.linear.gather [hbm4b:s14+s4], $0x2800, $0x38;
	[tilespmem:$0x17000] =	vst v63  }
0x7a: {  	_ =	swait.ge [sflag:s22], $0x2800  }
0x7b: {  	[sflag:s22] =	ssyncset.done $0x0  }
0x7c: {  	s18 =	simm.s32 $0x2800;
	s17 =	rddreg [dreg:$0x7];
	[sflag:s22] =	ssyncadd.s32 $0xFFFFD800  }
0x7d: {  	[tilespmem:s18], [sflag:$0x11] =	stream.linear.gather [hbm4b:s17+s4], $0x2800, $0x38;
	[tilespmem:$0x17000] =	vst v63  }
0x7e: {  	_ =	swait.ge [sflag:s22], $0x2800  }
0x7f: {  	[sflag:s22] =	ssyncset.done $0x0  }
0x80: {  	[sflag:s22] =	ssyncadd.s32 $0xFFFFD800  }
0x81: {  	[bflag:$0x0] =	sbarrier.arrive $0xFFFF  }
0x82: {  	[tilespmem:s26], [sflag:$0x1] =	stream.indirect.gather [spmem:s3], $0x20, s4, s25, $0xb8;
	[tilespmem:$0x17000] =	vst v63  }
0x83: {  	_ = 	snop  }
0x84: {  	[tilespmem:s28], [sflag:$0x2] =	stream.indirect.gather [spmem:s3], $0x20, s25, s25, $0xb8;
	[tilespmem:$0x17000] =	vst v63  }
0x85: {  	s19 =	simm.s32 $0x100  }
0x86: {  	[tilespmem:s30], [sflag:$0x3] =	stream.indirect.gather [spmem:s3], $0x20, s19, s25, $0xb8;
	[tilespmem:$0x17000] =	vst v63  }
0x87: {  	s23 =	simm.s32 $0x180  }
0x88: {  	[tilespmem:s2], [sflag:$0x4] =	stream.indirect.gather [spmem:s3], $0x20, s23, s25, $0xb8;
	[tilespmem:$0x17000] =	vst v63  }
0x89: {  	s23 =	simm.s32 $0x0  }
.LBB2_2:
0x8a: {  	_ =	swait.ge [sflag:s0], $0x1000  }
0x8b: {  	s13 =	sshra.s32 s23, $0x2;
	[sflag:s0] =	ssyncset.done $0x0  }
0x8c: {  	p0 =	seq.s32 s23, $0x0;
	s14 =	sadd.s32 $0x2800, s13;
	[sflag:s0] =	ssyncadd.s32 $0xFFFFF000  }
0x8d: {  	[spmem:s1] =	stream.indirect.scatter.add.bf16 [tilespmem:s26], [sflag:$0x9], $0x20, s14, s25, $0xb8;
	[tilespmem:$0x17000] =	vst v63  }
0x8e: {  	s14 =	simm.s32 @!p0 $0xD  }
0x8f: {  	_ =	swait.ge @!p0 [sflag:s14], $0x1000  }
0x90: {  	[sflag:s14] =	ssyncset.done @!p0 $0x0  }
0x91: {  	s17 =	sadd.s32 $0x200, s13;
	[sflag:s14] =	ssyncadd.s32 @!p0 $0xFFFFF000  }
0x92: {  	[tilespmem:s24], [sflag:$0x5] =	stream.indirect.gather [spmem:s3], $0x20, s17, s25, $0xb8;
	[tilespmem:$0x17000] =	vst v63  }
0x93: {  	_ =	swait.ge [sflag:s29], $0x1000  }
0x94: {  	[sflag:s29] =	ssyncset.done $0x0  }
0x95: {  	s18 =	sadd.s32 $0x2880, s13;
	s14 =	simm.s32 @!p0 $0xE;
	[sflag:s29] =	ssyncadd.s32 $0xFFFFF000  }
0x96: {  	[spmem:s1] =	stream.indirect.scatter.add.bf16 [tilespmem:s28], [sflag:$0xA], $0x20, s18, s25, $0xb8;
	[tilespmem:$0x17000] =	vst v63  }
0x97: {  	_ =	swait.ge @!p0 [sflag:s14], $0x1000  }
0x98: {  	[sflag:s14] =	ssyncset.done @!p0 $0x0  }
0x99: {  	s19 =	sadd.s32 $0x280, s13;
	[sflag:s14] =	ssyncadd.s32 @!p0 $0xFFFFF000  }
0x9a: {  	[tilespmem:s31], [sflag:$0x6] =	stream.indirect.gather [spmem:s3], $0x20, s19, s25, $0xb8;
	[tilespmem:$0x17000] =	vst v63  }
0x9b: {  	_ =	swait.ge [sflag:s5], $0x1000  }
0x9c: {  	[sflag:s5] =	ssyncset.done $0x0  }
0x9d: {  	s17 =	sadd.s32 $0x2900, s13;
	s14 =	simm.s32 @!p0 $0xF;
	[sflag:s5] =	ssyncadd.s32 $0xFFFFF000  }
0x9e: {  	[spmem:s1] =	stream.indirect.scatter.add.bf16 [tilespmem:s30], [sflag:$0xB], $0x20, s17, s25, $0xb8;
	[tilespmem:$0x17000] =	vst v63  }
0x9f: {  	_ =	swait.ge @!p0 [sflag:s14], $0x1000  }
0xa0: {  	[sflag:s14] =	ssyncset.done @!p0 $0x0  }
0xa1: {  	s18 =	sadd.s32 $0x300, s13;
	[sflag:s14] =	ssyncadd.s32 @!p0 $0xFFFFF000  }
0xa2: {  	[tilespmem:s7], [sflag:$0x7] =	stream.indirect.gather [spmem:s3], $0x20, s18, s25, $0xb8;
	[tilespmem:$0x17000] =	vst v63  }
0xa3: {  	_ =	swait.ge [sflag:s8], $0x1000  }
0xa4: {  	[sflag:s8] =	ssyncset.done $0x0  }
0xa5: {  	s19 =	sadd.s32 $0x2980, s13;
	s14 =	simm.s32 @!p0 $0x10;
	[sflag:s8] =	ssyncadd.s32 $0xFFFFF000  }
0xa6: {  	[spmem:s1] =	stream.indirect.scatter.add.bf16 [tilespmem:s2], [sflag:$0xC], $0x20, s19, s25, $0xb8;
	[tilespmem:$0x17000] =	vst v63  }
0xa7: {  	_ =	swait.ge @!p0 [sflag:s14], $0x1000  }
0xa8: {  	[sflag:s14] =	ssyncset.done @!p0 $0x0  }
0xa9: {  	s17 =	sadd.s32 $0x380, s13;
	[sflag:s14] =	ssyncadd.s32 @!p0 $0xFFFFF000  }
0xaa: {  	[tilespmem:s9], [sflag:$0x8] =	stream.indirect.gather [spmem:s3], $0x20, s17, s25, $0xb8;
	[tilespmem:$0x17000] =	vst v63  }
0xab: {  	_ =	swait.ge [sflag:s10], $0x1000  }
0xac: {  	p0 =	seq.s32 s23, $0x9000;
	[sflag:s10] =	ssyncset.done $0x0  }
0xad: {  	s18 =	sadd.s32 $0x2A00, s13;
	s14 =	simm.s32 @p0 $0x6;
	[sflag:s10] =	ssyncadd.s32 $0xFFFFF000  }
0xae: {  	[spmem:s1] =	stream.indirect.scatter.add.bf16 [tilespmem:s24], [sflag:$0xD], $0x20, s18, s25, $0xb8;
	[tilespmem:$0x17000] =	vst v63  }
0xaf: {  	_ =	swait.ge @p0 [sflag:s14], $0x1000  }
0xb0: {  	[sflag:s14] =	ssyncset.done @p0 $0x0  }
0xb1: {  	[sflag:s14] =	ssyncadd.s32 @p0 $0xFFFFF000;
	s14 =	sshra.s32 @p0 s23, $0x2  }
0xb2: {  	s17 =	simm.s32 @p0 $0x80;
	s18 =	simm.s32 @p0 $0xA000;
	s14 =	sadd.s32 @p0 $0x2A80, s14  }
0xb3: {  	[spmem:s1] =	stream.indirect.scatter.add.bf16 @p0 [tilespmem:s18], [sflag:$0xE], $0x20, s14, s17, $0xb8;
	[tilespmem:$0x17000] =	vst v63  }
0xb4: {  	s14 =	simm.s32 @!p0 $0x9  }
0xb5: {  	_ =	swait.ge @!p0 [sflag:s14], $0x1000  }
0xb6: {  	[sflag:s14] =	ssyncset.done @!p0 $0x0  }
0xb7: {  	[sflag:s14] =	ssyncadd.s32 @!p0 $0xFFFFF000;
	s14 =	sshra.s32 @!p0 s23, $0x2  }
0xb8: {  	s19 =	simm.s32 @!p0 $0x5000;
	s18 =	simm.s32 @!p0 $0x80;
	s17 =	sadd.s32 @!p0 $0x400, s14  }
0xb9: {  	[tilespmem:s19], [sflag:$0x1] =	stream.indirect.gather @!p0 [spmem:s3], $0x20, s17, s18, $0xb8;
	[tilespmem:$0x17000] =	vst v63  }
0xba: {  	s17 =	simm.s32 @!p0 $0x6  }
0xbb: {  	_ =	swait.ge @!p0 [sflag:s17], $0x1000  }
0xbc: {  	[sflag:s17] =	ssyncset.done @!p0 $0x0  }
0xbd: {  	s19 =	simm.s32 @!p0 $0xA000;
	[sflag:s17] =	ssyncadd.s32 @!p0 $0xFFFFF000;
	s17 =	sadd.s32 @!p0 $0x2A80, s14  }
0xbe: {  	[spmem:s1] =	stream.indirect.scatter.add.bf16 @!p0 [tilespmem:s19], [sflag:$0xE], $0x20, s17, s18, $0xb8;
	[tilespmem:$0x17000] =	vst v63  }
0xbf: {  	s17 =	simm.s32 @!p0 $0xA  }
0xc0: {  	_ =	swait.ge @!p0 [sflag:s17], $0x1000  }
0xc1: {  	[sflag:s17] =	ssyncset.done @!p0 $0x0  }
0xc2: {  	s14 =	sadd.s32 @!p0 $0x480, s14;
	[sflag:s17] =	ssyncadd.s32 @!p0 $0xFFFFF000;
	s17 =	simm.s32 @!p0 $0x6000  }
0xc3: {  	[tilespmem:s17], [sflag:$0x2] =	stream.indirect.gather @!p0 [spmem:s3], $0x20, s14, s18, $0xb8;
	[tilespmem:$0x17000] =	vst v63  }
.Ltmp2:
0xc4: {  	_ = 	snop;
	(pc) =	sbr.rel @p0 .LBB2_4-.Ltmp2, $4  }
0xc5: {  	_ =	swait.ge [sflag:s11], $0x1000  }
0xc6: {  	[sflag:s11] =	ssyncset.done $0x0  }
0xc7: {  	s19 =	sadd.s32 $0x2B00, s13;
	s14 =	sadd.s32 $0x2B80, s13;
	[sflag:s11] =	ssyncadd.s32 $0xFFFFF000  }
0xc8: {  	[spmem:s1] =	stream.indirect.scatter.add.bf16 [tilespmem:s7], [sflag:$0xF], $0x20, s19, s25, $0xb8;
	[tilespmem:$0x17000] =	vst v63  }
0xc9: {  	_ =	swait.ge [sflag:s15], $0x1000  }
0xca: {  	[sflag:s15] =	ssyncset.done $0x0  }
0xcb: {  	s17 =	sadd.s32 $0x500, s13;
	[sflag:s15] =	ssyncadd.s32 $0xFFFFF000  }
0xcc: {  	[tilespmem:s30], [sflag:$0x3] =	stream.indirect.gather [spmem:s3], $0x20, s17, s25, $0xb8;
	[tilespmem:$0x17000] =	vst v63  }
0xcd: {  	_ =	swait.ge [sflag:s12], $0x1000  }
0xce: {  	[sflag:s12] =	ssyncset.done $0x0  }
0xcf: {  	[sflag:s12] =	ssyncadd.s32 $0xFFFFF000  }
0xd0: {  	[spmem:s1] =	stream.indirect.scatter.add.bf16 [tilespmem:s9], [sflag:$0x10], $0x20, s14, s25, $0xb8;
	[tilespmem:$0x17000] =	vst v63  }
.Ltmp3:
0xd1: {  	_ = 	snop;
	(pc) =	sbr.rel .LBB2_2-.Ltmp3, $4  }
0xd2: {  	_ =	swait.ge [sflag:s16], $0x1000  }
0xd3: {  	[sflag:s16] =	ssyncset.done $0x0  }
0xd4: {  	s19 =	sadd.s32 $0x580, s13;
	s23 =	sadd.s32 $0x1000, s23;
	[sflag:s16] =	ssyncadd.s32 $0xFFFFF000  }
0xd5: {  	[tilespmem:s2], [sflag:$0x4] =	stream.indirect.gather [spmem:s3], $0x20, s19, s25, $0xb8;
	[tilespmem:$0x17000] =	vst v63  }
.LBB2_5:
0xd6: {  	_ =	sfence.sel $0x180000  }
0xd7: {  	[bflag:$0x0] =	sbarrier.arrive $0xFFFF  }
0xd8: {  	_ =	strace $0x9000004A  }
0xd9: {  	s0 =	stileid.u32;
	[bflag:$0x2] =	sbarrier.arrive $0xFFFF  }
0xda: {  	p0 =	sne.s32 s0, $0x0;
	s0 =	rddreg [dreg:$0x3]  }
0xdb: {  	s0 =	sadd.s32 @!p0 $0x100000, s0  }
0xdc: {  	[sflag:s0] =	ssyncadd.tile.s32 @!p0 $0x1;
	_ =	shalt  }
.Lfunc_end2:
_tile_overlayer_lowered:
.L_overlay_start_2:
0xdd: {  	(tag) =	ssettag $0x2  }
0xde: {  	s0 =	rddreg [dreg:$0x0];
	s2 =	stileid.u32  }
0xdf: {  	s1 =	rddreg [dreg:$0x1];
	p0 =	sne.s32 s2, $0x0  }
0xe0: {  	s3 =	rddreg [dreg:$0x2];
	[bflag:$0x3] =	sbarrier.arrive $0xFFFF;
	s2 =	simm.s32 @!p0 $0x1C11  }
0xe1: {  	[timem:s3], [sflag:s2] =	dma.local @!p0 [hbm:s0], s1  }
0xe2: {  	s0 =	simm.s32 @!p0 $0x11  }
0xe3: {  	_ =	swait.ge @!p0 [sflag:s0], s1  }
0xe4: {  	s1 =	ssub.s32 @!p0 $0x0, s1;
	[sflag:s0] =	ssyncset.done @!p0 $0x0  }
0xe5: {  	[sflag:s0] =	ssyncadd.s32 @!p0 s1  }
0xe6: {  	[bflag:$0x3] =	sbarrier.arrive $0xFFFF  }
0xe7: {  	_ =	shalt  }

// kernel: kernel.14.cloned.1.call-start
scs
__scs_entry_jumppad:
0x0: {  	(pc) =	sbr.rel $0x88, $3  }
0x1: {  	(tag) =	ssettag $0x0;
	lr =	simm.s32 $0x1  }
0x2: {  	[smem:$0x3F98] =	sst lr;
	_ =	strace $0xD0000000  }
0x3: {  	_ = 	snop  }
0x4: {  	_ = 	snop  }
0x5: {  	_ = 	snop  }
0x6: {  	_ = 	snop  }
0x7: {  	_ = 	snop  }
__scs_overlays_trampoline_lowered:
0x8: {  	[smem:$0x3FA7] =	sst s0  }
0x9: {  	[smem:$0x3FA8] =	sst s1  }
0xa: {  	[smem:$0x3FA9] =	sst s2  }
0xb: {  	[smem:$0x3FAA] =	sst s3  }
0xc: {  	[smem:$0x3FAB] =	sst s4  }
0xd: {  	[smem:$0x3FAC] =	sst s5  }
0xe: {  	[smem:$0x3FAD] =	sst s6  }
0xf: {  	[smem:$0x3FAE] =	sst s7  }
0x10: {  	[smem:$0x3FAF] =	sst s8  }
0x11: {  	[smem:$0x3FB0] =	sst s9;
	s0 =	simm.s32 @!p0 $0x0  }
0x12: {  	s1 =	sld [smem:$0x3F96];
	s0 =	simm.s32 @p0 $0x1  }
0x13: {  	[smem:$0x3FB1] =	sst s0;
	s0 =	simm.s32 @!p1 $0x0  }
0x14: {  	s2 =	sld [smem:$0x3F95];
	s0 =	simm.s32 @p1 $0x1  }
0x15: {  	[smem:$0x3FB2] =	sst s0;
	s0 =	simm.s32 @!p2 $0x0  }
0x16: {  	s3 =	sld [smem:$0x3FDB];
	s0 =	simm.s32 @p2 $0x1  }
0x17: {  	s4 =	simm.s32 $0x1BF5;
	[smem:$0x3FB4] =	sst s0  }
0x18: {  	s0 =	sld [smem:$0x3F97];
	_ =	swait.ge [sflag:s4], $0x0  }
0x19: {  	s7 =	sld [smem:$0x3F98]  }
0x1a: {  	s8 =	sadd.s32 $0xFFFFE003, lr  }
0x1b: {  	s9 =	sadd.s32 $0xFFFFFEF7, lr;
	s5 =	simm.s32 $0xFFFFFFFF;
	p2 =	slt.u32 s8, $0xFFFFF086  }
0x1c: {  	p1 =	slt.u32 s9, $0xF7A;
	s5 =	simm.s32 @!p2 $0x0  }
0x1d: {  	s5 =	simm.s32 @p1 $0x1;
	p0 =	seq.s32 s7, s2  }
0x1e: {  	s7 =	smul.u32 @!p0 $0xF7A, s2;
	p2 =	seq.s32 @!p0 s5, $0x0  }
0x1f: {  	s9 =	smul.u32 $0xF7A, s1;
	s8 =	simm.s32 @!p0 $0x1BF5;
	p2 =	por !p2, p0  }
0x20: {  	[sflag:s8] =	ssyncset.s32 @!p0 $0xFFFFF086;
	s6 =	sadd.s32 @!p0 s3, s7;
	s7 =	simm.s32 @!p0 $0x108  }
0x21: {  	s3 =	sadd.s32 s3, s9;
	s6 =	sadd.s32 @!p0 $0x88, s6;
	s7 =	simm.s32 @p2 $0x1082  }
0x22: {  	[simem:s7], [sflag:s8] =	dma.local @!p0 [hbm:s6], $0xF7A  }
0x23: {  	s9 =	sor.u32 $0xD0000000, s2;
	s6 =	simm.s32 $0x108;
	_ =	swait.ge @!p0 [sflag:s8], $0x0  }
0x24: {  	s3 =	sadd.s32 $0x88, s3;
	s6 =	simm.s32 @!p1 $0x1082;
	[sflag:s4] =	ssyncset.s32 $0xFFFFF086  }
0x25: {  	[simem:s6], [sflag:s4] =	dma.local [hbm:s3], $0xF7A  }
0x26: {  	[smem:$0x3F98] =	sst s1;
	(tag) =	ssettag s2;
	_ =	strace s9  }
0x27: {  	s1 =	sld [smem:$0x3FA8]  }
0x28: {  	s2 =	sld [smem:$0x3FA9]  }
0x29: {  	s4 =	sld [smem:$0x3FAB]  }
0x2a: {  	p0 =	seq.s32 s5, $0x0;
	s5 =	sld [smem:$0x3FAC]  }
0x2b: {  	s6 =	sld [smem:$0x3FAD]  }
0x2c: {  	s7 =	sld [smem:$0x3FAE]  }
0x2d: {  	s3 =	simm.s32 $0x108;
	s8 =	sld [smem:$0x3FAF]  }
0x2e: {  	s3 =	simm.s32 @!p0 $0x1082;
	s9 =	sld [smem:$0x3FB0]  }
0x2f: {  	lr =	sadd.s32 s0, s3;
	s0 =	sld [smem:$0x3FA7]  }
0x30: {  	s3 =	sld [smem:$0x3FAA]  }
0x31: {  	[smem:$0x3FB3] =	sst s10  }
0x32: {  	s10 =	sld [smem:$0x3FB1];
	_ =	sdelay $0x3  }
0x33: {  	p0 =	seq.s32 s10, $0x1;
	s10 =	sld [smem:$0x3FB3];
	_ =	sdelay $0x3  }
0x34: {  	[smem:$0x3FB3] =	sst s10  }
0x35: {  	s10 =	sld [smem:$0x3FB2];
	_ =	sdelay $0x3  }
0x36: {  	p1 =	seq.s32 s10, $0x1;
	s10 =	sld [smem:$0x3FB3];
	_ =	sdelay $0x3  }
0x37: {  	[smem:$0x3FB3] =	sst s10  }
0x38: {  	s10 =	sld [smem:$0x3FB4]  }
0x39: {  	_ = 	snop;
	(pc) =	sbr.ind lr, $3  }
0x3a: {  	_ = 	snop  }
0x3b: {  	_ = 	snop  }
0x3c: {  	p2 =	seq.s32 s10, $0x1;
	s10 =	sld [smem:$0x3FB3]  }
0x3d: {  	_ =	shalt  }
0x3e: {  	_ =	shalt  }
0x3f: {  	_ =	shalt  }
0x40: {  	_ =	shalt  }
0x41: {  	_ =	shalt  }
0x42: {  	_ =	shalt  }
0x43: {  	_ =	shalt  }
0x44: {  	_ =	shalt  }
0x45: {  	_ =	shalt  }
0x46: {  	_ =	shalt  }
0x47: {  	_ =	shalt  }
0x48: {  	_ =	shalt  }
0x49: {  	_ =	shalt  }
0x4a: {  	_ =	shalt  }
0x4b: {  	_ =	shalt  }
0x4c: {  	_ =	shalt  }
0x4d: {  	_ =	shalt  }
0x4e: {  	_ =	shalt  }
0x4f: {  	_ =	shalt  }
0x50: {  	_ =	shalt  }
0x51: {  	_ =	shalt  }
0x52: {  	_ =	shalt  }
0x53: {  	_ =	shalt  }
0x54: {  	_ =	shalt  }
0x55: {  	_ =	shalt  }
0x56: {  	_ =	shalt  }
0x57: {  	_ =	shalt  }
0x58: {  	_ =	shalt  }
0x59: {  	_ =	shalt  }
0x5a: {  	_ =	shalt  }
0x5b: {  	_ =	shalt  }
0x5c: {  	_ =	shalt  }
0x5d: {  	_ =	shalt  }
0x5e: {  	_ =	shalt  }
0x5f: {  	_ =	shalt  }
0x60: {  	_ =	shalt  }
0x61: {  	_ =	shalt  }
0x62: {  	_ =	shalt  }
0x63: {  	_ =	shalt  }
0x64: {  	_ =	shalt  }
0x65: {  	_ =	shalt  }
0x66: {  	_ =	shalt  }
0x67: {  	_ =	shalt  }
0x68: {  	_ =	shalt  }
0x69: {  	_ =	shalt  }
0x6a: {  	_ =	shalt  }
0x6b: {  	_ =	shalt  }
0x6c: {  	_ =	shalt  }
0x6d: {  	_ =	shalt  }
0x6e: {  	_ =	shalt  }
0x6f: {  	_ =	shalt  }
0x70: {  	_ =	shalt  }
0x71: {  	_ =	shalt  }
0x72: {  	_ =	shalt  }
0x73: {  	_ =	shalt  }
0x74: {  	_ =	shalt  }
0x75: {  	_ =	shalt  }
0x76: {  	_ =	shalt  }
0x77: {  	_ =	shalt  }
0x78: {  	_ =	shalt  }
0x79: {  	_ =	shalt  }
0x7a: {  	_ =	shalt  }
0x7b: {  	_ =	shalt  }
0x7c: {  	_ =	shalt  }
0x7d: {  	_ =	shalt  }
0x7e: {  	_ =	shalt  }
0x7f: {  	_ =	shalt  }
0x80: {  	_ =	shalt  }
0x81: {  	_ =	shalt  }
0x82: {  	_ =	shalt  }
0x83: {  	_ =	shalt  }
0x84: {  	_ =	shalt  }
0x85: {  	_ =	shalt  }
0x86: {  	_ =	shalt  }
0x87: {  	_ =	shalt  }
.Lfunc_end0:
.L_simem_size_0:
called_computation.2_lowered:
.L_overlay_start_0:
0x88: {  	s2 =	sld [smem:$0x3FD9]  }
0x89: {  	s3 =	sld [smem:$0x3FFE];
	_ =	sdelay $0x1  }
0x8a: {  	s1 =	srdreg.scid  }
0x8b: {  	s0 =	sand.u32 $0x1, s1  }
0x8c: {  	s16 =	sshll.u32 s0, $0xA;
	s2 =	sadd.s32 s3, s2  }
0x8d: {  	s2 =	sadd.s32 s2, s16  }
0x8e: {  	[smem:$0x3FBF] =	sst s2  }
0x8f: {  	_ = 	snop  }
0x90: {  	(tm) =	ssettm $0x1  }
0x91: {  	s17 =	sld [smem:$0x3FFB];
	_ =	sdelay $0x3  }
0x92: {  	_ =	strace s17  }
0x93: {  	s2 =	sld [smem:$0x3FFC];
	_ =	sdelay $0x3  }
0x94: {  	_ =	strace s2  }
0x95: {  	s2 =	sld [smem:$0x3FFD];
	_ =	sdelay $0x3  }
0x96: {  	_ =	strace s2  }
0x97: {  	_ =	strace $0x8FFFFFFF  }
0x98: {  	s18 =	sld [smem:$0x3FDB];
	_ =	sdelay $0x1  }
0x99: {  	s19 =	simm.s32 $_scs_section_size  }
0x9a: {  	s4 =	simm.s32 $_size__tile_overlayer_lowered;
	s5 =	simm.s32 $_tile_overlayer_lowered  }
0x9b: {  	s22 =	simm.s32 $0x1BFF;
	s21 =	sshll.u32 s5, $0x1;
	s2 =	sadd.s32 s19, s18  }
0x9c: {  	s6 =	simm.s32 $0x0;
	s20 =	sshll.u32 s4, $0x1;
	s4 =	sadd.s32 s21, s2  }
0x9d: {  	[timem:s6], [sflag:s22] =	dma.local [hbm:s4], s20  }
0x9e: {  	_ =	swait.ge [sflag:s22], s20  }
0x9f: {  	s3 =	ssub.s32 $0x0, s20;
	[sflag:s22] =	ssyncset.done $0x0  }
0xa0: {  	[sflag:s22] =	ssyncadd.s32 s3;
	_ =	sdelay $0x1  }
0xa1: {  	s23 =	simm.s32 $0x1B8B  }
0xa2: {  	_ =	swait.ge [sflag:s23], $0x1  }
0xa3: {  	[sflag:s23] =	ssyncset.done $0x0  }
0xa4: {  	s25 =	simm.s32 $0x1B8E;
	s24 =	sld [smem:$0x3FFE];
	[sflag:s23] =	ssyncadd.s32 $0xFFFFFFFF  }
0xa5: {  	s26 =	simm.s32 $execute0_lowered;
	[smem:$0x3FD2] =	sst s25  }
0xa6: {  	s4 =	sshll.u32 s26, $0x1;
	_ =	strace $0x8000004C;
	[dreg:$0x1] =	wrdreg $0xFFFFFFFF  }
0xa7: {  	s28 =	simm.s32 $_size_execute0_lowered;
	s2 =	sadd.s32 s2, s4;
	[dreg:$0x0] =	wrdreg $0x0  }
0xa8: {  	s4 =	sshll.u32 s28, $0x1;
	[dreg:$0x2] =	wrdreg s2  }
0xa9: {  	[dreg:$0x3] =	wrdreg s4  }
0xaa: {  	[dreg:$0x4] =	wrdreg $0xC0  }
0xab: {  	_ =	task [dreg:s6], $0x5FFFF  }
0xac: {  	[dreg:$0x1] =	wrdreg $0xFFFFFFFF  }
0xad: {  	[dreg:$0x0] =	wrdreg $0x60  }
0xae: {  	[dreg:$0x2] =	wrdreg s24  }
0xaf: {  	[dreg:$0x3] =	wrdreg $0xD0000  }
0xb0: {  	[dreg:$0x4] =	wrdreg $0x120000  }
0xb1: {  	[dreg:$0x5] =	wrdreg $0x9  }
0xb2: {  	_ =	task.clear_ibuf [dreg:s6], $0x6FFFF;
	_ =	strace $0x9000004C  }
0xb3: {  	s29 =	simm.s32 $0x9;
	_ =	strace $0x8000004E  }
0xb4: {  	_ =	swait.ge [sflag:s29], $0x1  }
0xb5: {  	[sflag:s29] =	ssyncadd.s32 $0xFFFFFFFF  }
0xb6: {  	_ =	strace $0x9000004E  }
0xb7: {  	_ =	sfence  }
0xb8: {  	s30 =	sld [smem:$0x0];
	_ =	sdelay $0x2  }
0xb9: {  	s31 =	sshll.u32 s1, $0xD;
	s1 =	sshrl.u32 s1, $0x2  }
0xba: {  	s3 =	sand.u32 $0x4000, s31;
	s1 =	sadd.s32 s1, s30  }
0xbb: {  	s0 =	sor.u32 s3, s0;
	s1 =	sshll.u32 s1, $0x11  }
0xbc: {  	s0 =	sor.u32 s1, s0  }
0xbd: {  	s0 =	sadd.s32 $0x8F2B, s0  }
0xbe: {  	[sflag:s0] =	ssyncadd.remote.s32 $0x1  }
0xbf: {  	_ =	sfence.sel $0xFFFF  }
0xc0: {  	[dreg:$0x0] =	wrdreg $0xFFFFFFFF;
	(pc) =	sbr.abs _section_cstart, $3  }
0xc1: {  	[dreg:$0x1] =	wrdreg $0xFFFFFFFF  }
0xc2: {  	_ =	task.clear_ibuf [dreg:s6], $0x2FFFF;
	_ =	strace $0x9FFFFFFF  }
0xc3: {  	(tm) =	ssettm $0x7FFFFFFF  }
tec
execute0_lowered:
.L_overlay_start_1:
0x0: {  	(tag) =	ssettag $0x1  }
0x1: {  	s0 =	rddreg [dreg:$0x0]  }
0x2: {  	s1 =	rddreg [dreg:$0x1]  }
0x3: {  	s3 =	rddreg [dreg:$0x2];
	s12 =	stileid.u32  }
0x4: {  	s2 =	srdreg.scid;
	s4 =	simm.s32 $0x0;
	s28 =	simm.s32 $0x6000  }
0x5: {  	s30 =	simm.s32 $0x7000;
	s29 =	simm.s32 $0x2;
	s31 =	simm.s32 $0xA000  }
0x6: {  	s5 =	smul.u32 $0xA000, s12;
	s2 =	sand.u32 $0x1, s2;
	s6 =	sshll.u32 s12, $0x1  }
0x7: {  	[smem:$0x7FF] =	sst s4;
	s10 =	smul.u32 $0x280, s12;
	s23 =	sshll.u32 s12, $0x6  }
0x8: {  	s12 =	smul.u32 $0x14000, s12;
	s6 =	sor.u32 s2, s6;
	_ =	strace $0x8000004D  }
0x9: {  	s21 =	ssub.s32 $0x2, s2;
	s2 =	smul.u32 $0x2800, s2;
	s7 =	sshrl.u32 s5, $0x4  }
0xa: {  	s6 =	smul.u32 $0x500, s6;
	s9 =	sshrl.u32 s21, $0x1;
	s5 =	sshrl.u32 s5, $0x1  }
0xb: {  	s25 =	sshrl.u32 s12, $0x2;
	s15 =	sadd.s32 $0x80, s10;
	s17 =	sadd.s32 $0x100, s10  }
0xc: {  	s12 =	simm.s32 $0x8;
	s7 =	sadd.s32 s7, s0;
	s9 =	ssub.s32 s21, s9  }
0xd: {  	s11 =	sadd.s32 s5, s1;
	s5 =	sadd.s32 s5, s3;
	s26 =	sadd.s32 s2, s10  }
0xe: {  	s16 =	sshll.u32 s15, $0x5;
	s18 =	sadd.s32 s2, s17;
	s19 =	sshll.u32 s17, $0x5  }
0xf: {  	s21 =	sadd.s32 $0x180, s10;
	s8 =	sadd.s32 s6, s0;
	s0 =	sadd.s32 $0x29400, s0  }
0x10: {  	s22 =	sadd.s32 $0x1F400, s7;
	s6 =	sor.u32 $0x1C11, s23;
	s7 =	sadd.s32 $0xB400, s7  }
0x11: {  	s13 =	sshll.u32 s26, $0x2;
	s14 =	smax.u32 s9, $0x1;
	[dreg:$0x4] =	wrdreg s22  }
0x12: {  	s23 =	sadd.s32 $0x200, s10;
	s26 =	sshrl.u32 s5, $0x3;
	[dreg:$0x5] =	wrdreg s7  }
0x13: {  	s5 =	simm.s32 $0x3;
	s9 =	simm.s32 $0xC000;
	[dreg:$0x9] =	wrdreg s14  }
0x14: {  	s10 =	simm.s32 $0x5;
	s24 =	sadd.s32 $0x15400, s8;
	[dreg:$0x14] =	wrdreg s26  }
0x15: {  	s8 =	sadd.s32 $0x1400, s8;
	s7 =	sadd.s32 s25, s1;
	[dreg:$0x6] =	wrdreg s24  }
0x16: {  	s22 =	sshll.u32 s21, $0x5;
	s25 =	sshrl.u32 s11, $0x3;
	[dreg:$0x7] =	wrdreg s8  }
0x17: {  	s26 =	simm.s32 $0x5000;
	s11 =	simm.s32 $0x7;
	[dreg:$0x8] =	wrdreg s7  }
0x18: {  	s7 =	sadd.s32 s0, s13;
	s8 =	sadd.s32 s16, s1;
	[dreg:$0x13] =	wrdreg s25  }
0x19: {  	s24 =	sshll.u32 s23, $0x5;
	s25 =	simm.s32 $0x80;
	[dreg:$0xa] =	wrdreg s7  }
0x1a: {  	s16 =	simm.s32 $0xC;
	[dreg:$0xb] =	wrdreg s8;
	s8 =	sshll.u32 s18, $0x2  }
0x1b: {  	s7 =	sadd.s32 s2, s15;
	s15 =	simm.s32 $0xB;
	s20 =	sadd.s32 s0, s8  }
0x1c: {  	s7 =	sshll.u32 s7, $0x2;
	s8 =	sadd.s32 s22, s1;
	[dreg:$0xe] =	wrdreg s20  }
0x1d: {  	s22 =	simm.s32 $0x11;
	s7 =	sadd.s32 s0, s7;
	[dreg:$0xf] =	wrdreg s8  }
0x1e: {  	s8 =	simm.s32 $0x4;
	[dreg:$0xc] =	wrdreg s7;
	s7 =	sadd.s32 s19, s1  }
0x1f: {  	s20 =	simm.s32 $0x10;
	[dreg:$0xd] =	wrdreg s7;
	s7 =	sadd.s32 s2, s21  }
.Ltmp0:
0x20: {  	s2 =	sadd.s32 s2, s23;
	s7 =	sshll.u32 s7, $0x2;
	(pc) =	sbr.rel .LBB2_1-.Ltmp0, $4  }
0x21: {  	s21 =	simm.s32 $0x0;
	s2 =	sshll.u32 s2, $0x2;
	s7 =	sadd.s32 s0, s7  }
0x22: {  	s0 =	sadd.s32 s0, s2;
	s2 =	simm.s32 $0x8000;
	[dreg:$0x10] =	wrdreg s7  }
0x23: {  	s7 =	sadd.s32 s24, s1;
	[dreg:$0x12] =	wrdreg s0;
	s0 =	simm.s32 $0x1  }
0x24: {  	s24 =	simm.s32 $0x9000;
	[dreg:$0x11] =	wrdreg s7;
	s7 =	simm.s32 $0xB000  }
.LBB2_4:
0x25: {  	_ =	swait.ge [sflag:s12], $0x1000  }
0x26: {  	[sflag:s12] =	ssyncset.done $0x0  }
0x27: {  	s13 =	simm.s32 $0x9;
	[sflag:s12] =	ssyncadd.s32 $0xFFFFF000  }
0x28: {  	[spmem:s1] =	stream.indirect.scatter.add.bf16 [tilespmem:s9], [sflag:$0x10], $0x20, s14, s25, $0xb8;
	[tilespmem:$0x17000] =	vst v63  }
0x29: {  	_ =	swait.ge [sflag:s13], $0x1000  }
0x2a: {  	[sflag:s13] =	ssyncset.done $0x0  }
0x2b: {  	s14 =	simm.s32 $0xA;
	[sflag:s13] =	ssyncadd.s32 $0xFFFFF000  }
0x2c: {  	_ =	swait.ge [sflag:s14], $0x1000  }
0x2d: {  	[sflag:s14] =	ssyncset.done $0x0  }
0x2e: {  	[sflag:s14] =	ssyncadd.s32 $0xFFFFF000  }
0x2f: {  	_ =	swait.ge [sflag:s15], $0x1000  }
0x30: {  	[sflag:s15] =	ssyncset.done $0x0  }
0x31: {  	[sflag:s15] =	ssyncadd.s32 $0xFFFFF000  }
0x32: {  	_ =	swait.ge [sflag:s16], $0x1000  }
0x33: {  	[sflag:s16] =	ssyncset.done $0x0  }
0x34: {  	s17 =	simm.s32 $0xD;
	[sflag:s16] =	ssyncadd.s32 $0xFFFFF000  }
0x35: {  	_ =	swait.ge [sflag:s17], $0x1000  }
0x36: {  	[sflag:s17] =	ssyncset.done $0x0  }
0x37: {  	s18 =	simm.s32 $0xE;
	[sflag:s17] =	ssyncadd.s32 $0xFFFFF000  }
0x38: {  	_ =	swait.ge [sflag:s18], $0x1000  }
0x39: {  	[sflag:s18] =	ssyncset.done $0x0  }
0x3a: {  	s19 =	simm.s32 $0xF;
	[sflag:s18] =	ssyncadd.s32 $0xFFFFF000  }
0x3b: {  	_ =	swait.ge [sflag:s19], $0x1000  }
0x3c: {  	[sflag:s19] =	ssyncset.done $0x0  }
0x3d: {  	[sflag:s19] =	ssyncadd.s32 $0xFFFFF000  }
0x3e: {  	_ =	swait.ge [sflag:s20], $0x1000  }
0x3f: {  	[sflag:s20] =	ssyncset.done $0x0  }
0x40: {  	[sflag:s20] =	ssyncadd.s32 $0xFFFFF000  }
0x41: {  	[bflag:$0x0] =	sbarrier.arrive $0xFFFF  }
0x42: {  	s23 =	rddreg [dreg:$0x8]  }
0x43: {  	[tilespmem:s26], [sflag:$0x11] =	stream.linear.gather [spmem:s23], $0x1000, $0x38;
	[tilespmem:$0x17000] =	vst v63  }
0x44: {  	_ =	swait.ge [sflag:s22], $0x1000  }
0x45: {  	[sflag:s22] =	ssyncset.done $0x0  }
0x46: {  	s14 =	rddreg [dreg:$0xa];
	[sflag:s22] =	ssyncadd.s32 $0xFFFFF000  }
0x47: {  	[hbm4b:s14+s4] =	stream.linear.scatter [tilespmem:s26], [sflag:$0x11], $0x1000, $0x38;
	[tilespmem:$0x17000] =	vst v63  }
0x48: {  	_ =	swait.ge [sflag:s22], $0x1000  }
0x49: {  	[sflag:s22] =	ssyncset.done $0x0  }
0x4a: {  	s17 =	rddreg [dreg:$0xb];
	[sflag:s22] =	ssyncadd.s32 $0xFFFFF000  }
0x4b: {  	[tilespmem:s26], [sflag:$0x11] =	stream.linear.gather [spmem:s17], $0x1000, $0x38;
	[tilespmem:$0x17000] =	vst v63  }
0x4c: {  	_ =	swait.ge [sflag:s22], $0x1000  }
0x4d: {  	[sflag:s22] =	ssyncset.done $0x0  }
0x4e: {  	s18 =	rddreg [dreg:$0xc];
	[sflag:s22] =	ssyncadd.s32 $0xFFFFF000  }
0x4f: {  	[hbm4b:s18+s4] =	stream.linear.scatter [tilespmem:s26], [sflag:$0x11], $0x1000, $0x38;
	[tilespmem:$0x17000] =	vst v63  }
0x50: {  	_ =	swait.ge [sflag:s22], $0x1000  }
0x51: {  	[sflag:s22] =	ssyncset.done $0x0  }
0x52: {  	s19 =	rddreg [dreg:$0xd];
	[sflag:s22] =	ssyncadd.s32 $0xFFFFF000  }
0x53: {  	[tilespmem:s26], [sflag:$0x11] =	stream.linear.gather [spmem:s19], $0x1000, $0x38;
	[tilespmem:$0x17000] =	vst v63  }
0x54: {  	_ =	swait.ge [sflag:s22], $0x1000  }
0x55: {  	[sflag:s22] =	ssyncset.done $0x0  }
0x56: {  	s23 =	rddreg [dreg:$0xe];
	[sflag:s22] =	ssyncadd.s32 $0xFFFFF000  }
0x57: {  	[hbm4b:s23+s4] =	stream.linear.scatter [tilespmem:s26], [sflag:$0x11], $0x1000, $0x38;
	[tilespmem:$0x17000] =	vst v63  }
0x58: {  	_ =	swait.ge [sflag:s22], $0x1000  }
0x59: {  	[sflag:s22] =	ssyncset.done $0x0  }
0x5a: {  	s14 =	rddreg [dreg:$0xf];
	[sflag:s22] =	ssyncadd.s32 $0xFFFFF000  }
0x5b: {  	[tilespmem:s26], [sflag:$0x11] =	stream.linear.gather [spmem:s14], $0x1000, $0x38;
	[tilespmem:$0x17000] =	vst v63  }
0x5c: {  	_ =	swait.ge [sflag:s22], $0x1000  }
0x5d: {  	[sflag:s22] =	ssyncset.done $0x0  }
0x5e: {  	s17 =	rddreg [dreg:$0x10];
	[sflag:s22] =	ssyncadd.s32 $0xFFFFF000  }
0x5f: {  	[hbm4b:s17+s4] =	stream.linear.scatter [tilespmem:s26], [sflag:$0x11], $0x1000, $0x38;
	[tilespmem:$0x17000] =	vst v63  }
0x60: {  	_ =	swait.ge [sflag:s22], $0x1000  }
0x61: {  	[sflag:s22] =	ssyncset.done $0x0  }
0x62: {  	s18 =	rddreg [dreg:$0x11];
	[sflag:s22] =	ssyncadd.s32 $0xFFFFF000  }
0x63: {  	[tilespmem:s26], [sflag:$0x11] =	stream.linear.gather [spmem:s18], $0x1000, $0x38;
	[tilespmem:$0x17000] =	vst v63  }
0x64: {  	_ =	swait.ge [sflag:s22], $0x1000  }
0x65: {  	[sflag:s22] =	ssyncset.done $0x0  }
0x66: {  	s19 =	rddreg [dreg:$0x12];
	[sflag:s22] =	ssyncadd.s32 $0xFFFFF000  }
0x67: {  	[hbm4b:s19+s4] =	stream.linear.scatter [tilespmem:s26], [sflag:$0x11], $0x1000, $0x38;
	[tilespmem:$0x17000] =	vst v63  }
0x68: {  	_ =	swait.ge [sflag:s22], $0x1000  }
0x69: {  	s21 =	sadd.s32 $0x1, s21;
	s23 =	rddreg [dreg:$0x9]  }
0x6a: {  	p0 =	sne.s32 s21, s23  }
.Ltmp1:
0x6b: {  	_ = 	snop;
	(pc) =	sbr.rel @!p0 .LBB2_5-.Ltmp1, $3  }
0x6c: {  	_ =	sdelay $0x1  }
0x6d: {  	[sflag:s22] =	ssyncset.done $0x0  }
0x6e: {  	[sflag:s22] =	ssyncadd.s32 $0xFFFFF000  }
.LBB2_1:
0x6f: {  	s13 =	rddreg [dreg:$0x4]  }
0x70: {  	s14 =	rddreg [dreg:$0x13]  }
0x71: {  	[spmem:s14], [sflag:s6] =	dma.local [hbm:s13], $0xA00  }
0x72: {  	_ =	swait.ge [sflag:s22], $0xA00  }
0x73: {  	[sflag:s22] =	ssyncset.done $0x0;
	s19 =	rddreg [dreg:$0x5]  }
0x74: {  	s23 =	rddreg [dreg:$0x14];
	[sflag:s22] =	ssyncadd.s32 $0xFFFFF600  }
0x75: {  	[spmem:s23], [sflag:s6] =	dma.local [hbm:s19], $0xA00  }
0x76: {  	_ =	swait.ge [sflag:s22], $0xA00  }
0x77: {  	[sflag:s22] =	ssyncset.done $0x0  }
0x78: {  	s14 =	rddreg [dreg:$0x6];
	[sflag:s22] =	ssyncadd.s32 $0xFFFFF600  }
0x79: {  	[tilespmem:s4], [sflag:$0x11] =	stream.linear.gather [hbm4b:s14+s4], $0x2800, $0x38;
	[tilespmem:$0x17000] =	vst v63  }
0x7a: {  	_ =	swait.ge [sflag:s22], $0x2800  }
0x7b: {  	[sflag:s22] =	ssyncset.done $0x0  }
0x7c: {  	s18 =	simm.s32 $0x2800;
	s17 =	rddreg [dreg:$0x7];
	[sflag:s22] =	ssyncadd.s32 $0xFFFFD800  }
0x7d: {  	[tilespmem:s18], [sflag:$0x11] =	stream.linear.gather [hbm4b:s17+s4], $0x2800, $0x38;
	[tilespmem:$0x17000] =	vst v63  }
0x7e: {  	_ =	swait.ge [sflag:s22], $0x2800  }
0x7f: {  	[sflag:s22] =	ssyncset.done $0x0  }
0x80: {  	[sflag:s22] =	ssyncadd.s32 $0xFFFFD800  }
0x81: {  	[bflag:$0x0] =	sbarrier.arrive $0xFFFF  }
0x82: {  	[tilespmem:s26], [sflag:$0x1] =	stream.indirect.gather [spmem:s3], $0x20, s4, s25, $0xb8;
	[tilespmem:$0x17000] =	vst v63  }
0x83: {  	_ = 	snop  }
0x84: {  	[tilespmem:s28], [sflag:$0x2] =	stream.indirect.gather [spmem:s3], $0x20, s25, s25, $0xb8;
	[tilespmem:$0x17000] =	vst v63  }
0x85: {  	s19 =	simm.s32 $0x100  }
0x86: {  	[tilespmem:s30], [sflag:$0x3] =	stream.indirect.gather [spmem:s3], $0x20, s19, s25, $0xb8;
	[tilespmem:$0x17000] =	vst v63  }
0x87: {  	s23 =	simm.s32 $0x180  }
0x88: {  	[tilespmem:s2], [sflag:$0x4] =	stream.indirect.gather [spmem:s3], $0x20, s23, s25, $0xb8;
	[tilespmem:$0x17000] =	vst v63  }
0x89: {  	s23 =	simm.s32 $0x0  }
.LBB2_2:
0x8a: {  	_ =	swait.ge [sflag:s0], $0x1000  }
0x8b: {  	s13 =	sshra.s32 s23, $0x2;
	[sflag:s0] =	ssyncset.done $0x0  }
0x8c: {  	p0 =	seq.s32 s23, $0x0;
	s14 =	sadd.s32 $0x2800, s13;
	[sflag:s0] =	ssyncadd.s32 $0xFFFFF000  }
0x8d: {  	[spmem:s1] =	stream.indirect.scatter.add.bf16 [tilespmem:s26], [sflag:$0x9], $0x20, s14, s25, $0xb8;
	[tilespmem:$0x17000] =	vst v63  }
0x8e: {  	s14 =	simm.s32 @!p0 $0xD  }
0x8f: {  	_ =	swait.ge @!p0 [sflag:s14], $0x1000  }
0x90: {  	[sflag:s14] =	ssyncset.done @!p0 $0x0  }
0x91: {  	s17 =	sadd.s32 $0x200, s13;
	[sflag:s14] =	ssyncadd.s32 @!p0 $0xFFFFF000  }
0x92: {  	[tilespmem:s24], [sflag:$0x5] =	stream.indirect.gather [spmem:s3], $0x20, s17, s25, $0xb8;
	[tilespmem:$0x17000] =	vst v63  }
0x93: {  	_ =	swait.ge [sflag:s29], $0x1000  }
0x94: {  	[sflag:s29] =	ssyncset.done $0x0  }
0x95: {  	s18 =	sadd.s32 $0x2880, s13;
	s14 =	simm.s32 @!p0 $0xE;
	[sflag:s29] =	ssyncadd.s32 $0xFFFFF000  }
0x96: {  	[spmem:s1] =	stream.indirect.scatter.add.bf16 [tilespmem:s28], [sflag:$0xA], $0x20, s18, s25, $0xb8;
	[tilespmem:$0x17000] =	vst v63  }
0x97: {  	_ =	swait.ge @!p0 [sflag:s14], $0x1000  }
0x98: {  	[sflag:s14] =	ssyncset.done @!p0 $0x0  }
0x99: {  	s19 =	sadd.s32 $0x280, s13;
	[sflag:s14] =	ssyncadd.s32 @!p0 $0xFFFFF000  }
0x9a: {  	[tilespmem:s31], [sflag:$0x6] =	stream.indirect.gather [spmem:s3], $0x20, s19, s25, $0xb8;
	[tilespmem:$0x17000] =	vst v63  }
0x9b: {  	_ =	swait.ge [sflag:s5], $0x1000  }
0x9c: {  	[sflag:s5] =	ssyncset.done $0x0  }
0x9d: {  	s17 =	sadd.s32 $0x2900, s13;
	s14 =	simm.s32 @!p0 $0xF;
	[sflag:s5] =	ssyncadd.s32 $0xFFFFF000  }
0x9e: {  	[spmem:s1] =	stream.indirect.scatter.add.bf16 [tilespmem:s30], [sflag:$0xB], $0x20, s17, s25, $0xb8;
	[tilespmem:$0x17000] =	vst v63  }
0x9f: {  	_ =	swait.ge @!p0 [sflag:s14], $0x1000  }
0xa0: {  	[sflag:s14] =	ssyncset.done @!p0 $0x0  }
0xa1: {  	s18 =	sadd.s32 $0x300, s13;
	[sflag:s14] =	ssyncadd.s32 @!p0 $0xFFFFF000  }
0xa2: {  	[tilespmem:s7], [sflag:$0x7] =	stream.indirect.gather [spmem:s3], $0x20, s18, s25, $0xb8;
	[tilespmem:$0x17000] =	vst v63  }
0xa3: {  	_ =	swait.ge [sflag:s8], $0x1000  }
0xa4: {  	[sflag:s8] =	ssyncset.done $0x0  }
0xa5: {  	s19 =	sadd.s32 $0x2980, s13;
	s14 =	simm.s32 @!p0 $0x10;
	[sflag:s8] =	ssyncadd.s32 $0xFFFFF000  }
0xa6: {  	[spmem:s1] =	stream.indirect.scatter.add.bf16 [tilespmem:s2], [sflag:$0xC], $0x20, s19, s25, $0xb8;
	[tilespmem:$0x17000] =	vst v63  }
0xa7: {  	_ =	swait.ge @!p0 [sflag:s14], $0x1000  }
0xa8: {  	[sflag:s14] =	ssyncset.done @!p0 $0x0  }
0xa9: {  	s17 =	sadd.s32 $0x380, s13;
	[sflag:s14] =	ssyncadd.s32 @!p0 $0xFFFFF000  }
0xaa: {  	[tilespmem:s9], [sflag:$0x8] =	stream.indirect.gather [spmem:s3], $0x20, s17, s25, $0xb8;
	[tilespmem:$0x17000] =	vst v63  }
0xab: {  	_ =	swait.ge [sflag:s10], $0x1000  }
0xac: {  	p0 =	seq.s32 s23, $0x9000;
	[sflag:s10] =	ssyncset.done $0x0  }
0xad: {  	s18 =	sadd.s32 $0x2A00, s13;
	s14 =	simm.s32 @p0 $0x6;
	[sflag:s10] =	ssyncadd.s32 $0xFFFFF000  }
0xae: {  	[spmem:s1] =	stream.indirect.scatter.add.bf16 [tilespmem:s24], [sflag:$0xD], $0x20, s18, s25, $0xb8;
	[tilespmem:$0x17000] =	vst v63  }
0xaf: {  	_ =	swait.ge @p0 [sflag:s14], $0x1000  }
0xb0: {  	[sflag:s14] =	ssyncset.done @p0 $0x0  }
0xb1: {  	[sflag:s14] =	ssyncadd.s32 @p0 $0xFFFFF000;
	s14 =	sshra.s32 @p0 s23, $0x2  }
0xb2: {  	s17 =	simm.s32 @p0 $0x80;
	s18 =	simm.s32 @p0 $0xA000;
	s14 =	sadd.s32 @p0 $0x2A80, s14  }
0xb3: {  	[spmem:s1] =	stream.indirect.scatter.add.bf16 @p0 [tilespmem:s18], [sflag:$0xE], $0x20, s14, s17, $0xb8;
	[tilespmem:$0x17000] =	vst v63  }
0xb4: {  	s14 =	simm.s32 @!p0 $0x9  }
0xb5: {  	_ =	swait.ge @!p0 [sflag:s14], $0x1000  }
0xb6: {  	[sflag:s14] =	ssyncset.done @!p0 $0x0  }
0xb7: {  	[sflag:s14] =	ssyncadd.s32 @!p0 $0xFFFFF000;
	s14 =	sshra.s32 @!p0 s23, $0x2  }
0xb8: {  	s19 =	simm.s32 @!p0 $0x5000;
	s18 =	simm.s32 @!p0 $0x80;
	s17 =	sadd.s32 @!p0 $0x400, s14  }
0xb9: {  	[tilespmem:s19], [sflag:$0x1] =	stream.indirect.gather @!p0 [spmem:s3], $0x20, s17, s18, $0xb8;
	[tilespmem:$0x17000] =	vst v63  }
0xba: {  	s17 =	simm.s32 @!p0 $0x6  }
0xbb: {  	_ =	swait.ge @!p0 [sflag:s17], $0x1000  }
0xbc: {  	[sflag:s17] =	ssyncset.done @!p0 $0x0  }
0xbd: {  	s19 =	simm.s32 @!p0 $0xA000;
	[sflag:s17] =	ssyncadd.s32 @!p0 $0xFFFFF000;
	s17 =	sadd.s32 @!p0 $0x2A80, s14  }
0xbe: {  	[spmem:s1] =	stream.indirect.scatter.add.bf16 @!p0 [tilespmem:s19], [sflag:$0xE], $0x20, s17, s18, $0xb8;
	[tilespmem:$0x17000] =	vst v63  }
0xbf: {  	s17 =	simm.s32 @!p0 $0xA  }
0xc0: {  	_ =	swait.ge @!p0 [sflag:s17], $0x1000  }
0xc1: {  	[sflag:s17] =	ssyncset.done @!p0 $0x0  }
0xc2: {  	s14 =	sadd.s32 @!p0 $0x480, s14;
	[sflag:s17] =	ssyncadd.s32 @!p0 $0xFFFFF000;
	s17 =	simm.s32 @!p0 $0x6000  }
0xc3: {  	[tilespmem:s17], [sflag:$0x2] =	stream.indirect.gather @!p0 [spmem:s3], $0x20, s14, s18, $0xb8;
	[tilespmem:$0x17000] =	vst v63  }
.Ltmp2:
0xc4: {  	_ = 	snop;
	(pc) =	sbr.rel @p0 .LBB2_4-.Ltmp2, $4  }
0xc5: {  	_ =	swait.ge [sflag:s11], $0x1000  }
0xc6: {  	[sflag:s11] =	ssyncset.done $0x0  }
0xc7: {  	s19 =	sadd.s32 $0x2B00, s13;
	s14 =	sadd.s32 $0x2B80, s13;
	[sflag:s11] =	ssyncadd.s32 $0xFFFFF000  }
0xc8: {  	[spmem:s1] =	stream.indirect.scatter.add.bf16 [tilespmem:s7], [sflag:$0xF], $0x20, s19, s25, $0xb8;
	[tilespmem:$0x17000] =	vst v63  }
0xc9: {  	_ =	swait.ge [sflag:s15], $0x1000  }
0xca: {  	[sflag:s15] =	ssyncset.done $0x0  }
0xcb: {  	s17 =	sadd.s32 $0x500, s13;
	[sflag:s15] =	ssyncadd.s32 $0xFFFFF000  }
0xcc: {  	[tilespmem:s30], [sflag:$0x3] =	stream.indirect.gather [spmem:s3], $0x20, s17, s25, $0xb8;
	[tilespmem:$0x17000] =	vst v63  }
0xcd: {  	_ =	swait.ge [sflag:s12], $0x1000  }
0xce: {  	[sflag:s12] =	ssyncset.done $0x0  }
0xcf: {  	[sflag:s12] =	ssyncadd.s32 $0xFFFFF000  }
0xd0: {  	[spmem:s1] =	stream.indirect.scatter.add.bf16 [tilespmem:s9], [sflag:$0x10], $0x20, s14, s25, $0xb8;
	[tilespmem:$0x17000] =	vst v63  }
.Ltmp3:
0xd1: {  	_ = 	snop;
	(pc) =	sbr.rel .LBB2_2-.Ltmp3, $4  }
0xd2: {  	_ =	swait.ge [sflag:s16], $0x1000  }
0xd3: {  	[sflag:s16] =	ssyncset.done $0x0  }
0xd4: {  	s19 =	sadd.s32 $0x580, s13;
	s23 =	sadd.s32 $0x1000, s23;
	[sflag:s16] =	ssyncadd.s32 $0xFFFFF000  }
0xd5: {  	[tilespmem:s2], [sflag:$0x4] =	stream.indirect.gather [spmem:s3], $0x20, s19, s25, $0xb8;
	[tilespmem:$0x17000] =	vst v63  }
.LBB2_5:
0xd6: {  	_ =	sfence.sel $0x180000  }
0xd7: {  	[bflag:$0x0] =	sbarrier.arrive $0xFFFF  }
0xd8: {  	_ =	strace $0x9000004D  }
0xd9: {  	s0 =	stileid.u32;
	[bflag:$0x2] =	sbarrier.arrive $0xFFFF  }
0xda: {  	p0 =	sne.s32 s0, $0x0;
	s0 =	rddreg [dreg:$0x3]  }
0xdb: {  	s0 =	sadd.s32 @!p0 $0x100000, s0  }
0xdc: {  	[sflag:s0] =	ssyncadd.tile.s32 @!p0 $0x1;
	_ =	shalt  }
.Lfunc_end2:
_tile_overlayer_lowered:
.L_overlay_start_2:
0xdd: {  	(tag) =	ssettag $0x2  }
0xde: {  	s0 =	rddreg [dreg:$0x0];
	s2 =	stileid.u32  }
0xdf: {  	s1 =	rddreg [dreg:$0x1];
	p0 =	sne.s32 s2, $0x0  }
0xe0: {  	s3 =	rddreg [dreg:$0x2];
	[bflag:$0x3] =	sbarrier.arrive $0xFFFF;
	s2 =	simm.s32 @!p0 $0x1C11  }
0xe1: {  	[timem:s3], [sflag:s2] =	dma.local @!p0 [hbm:s0], s1  }
0xe2: {  	s0 =	simm.s32 @!p0 $0x11  }
0xe3: {  	_ =	swait.ge @!p0 [sflag:s0], s1  }
0xe4: {  	s1 =	ssub.s32 @!p0 $0x0, s1;
	[sflag:s0] =	ssyncset.done @!p0 $0x0  }
0xe5: {  	[sflag:s0] =	ssyncadd.s32 @!p0 s1  }
0xe6: {  	[bflag:$0x3] =	sbarrier.arrive $0xFFFF  }
0xe7: {  	_ =	shalt  }

// kernel: kernel.8.cloned.1.call-start
scs
__scs_entry_jumppad:
0x0: {  	(pc) =	sbr.rel $0x88, $3  }
0x1: {  	(tag) =	ssettag $0x0;
	lr =	simm.s32 $0x1  }
0x2: {  	[smem:$0x3F98] =	sst lr;
	_ =	strace $0xD0000000  }
0x3: {  	_ = 	snop  }
0x4: {  	_ = 	snop  }
0x5: {  	_ = 	snop  }
0x6: {  	_ = 	snop  }
0x7: {  	_ = 	snop  }
__scs_overlays_trampoline_lowered:
0x8: {  	[smem:$0x3FA7] =	sst s0  }
0x9: {  	[smem:$0x3FA8] =	sst s1  }
0xa: {  	[smem:$0x3FA9] =	sst s2  }
0xb: {  	[smem:$0x3FAA] =	sst s3  }
0xc: {  	[smem:$0x3FAB] =	sst s4  }
0xd: {  	[smem:$0x3FAC] =	sst s5  }
0xe: {  	[smem:$0x3FAD] =	sst s6  }
0xf: {  	[smem:$0x3FAE] =	sst s7  }
0x10: {  	[smem:$0x3FAF] =	sst s8  }
0x11: {  	[smem:$0x3FB0] =	sst s9;
	s0 =	simm.s32 @!p0 $0x0  }
0x12: {  	s1 =	sld [smem:$0x3F96];
	s0 =	simm.s32 @p0 $0x1  }
0x13: {  	[smem:$0x3FB1] =	sst s0;
	s0 =	simm.s32 @!p1 $0x0  }
0x14: {  	s2 =	sld [smem:$0x3F95];
	s0 =	simm.s32 @p1 $0x1  }
0x15: {  	[smem:$0x3FB2] =	sst s0;
	s0 =	simm.s32 @!p2 $0x0  }
0x16: {  	s3 =	sld [smem:$0x3FDB];
	s0 =	simm.s32 @p2 $0x1  }
0x17: {  	s4 =	simm.s32 $0x1BF5;
	[smem:$0x3FB4] =	sst s0  }
0x18: {  	s0 =	sld [smem:$0x3F97];
	_ =	swait.ge [sflag:s4], $0x0  }
0x19: {  	s7 =	sld [smem:$0x3F98]  }
0x1a: {  	s8 =	sadd.s32 $0xFFFFE003, lr  }
0x1b: {  	s9 =	sadd.s32 $0xFFFFFEF7, lr;
	s5 =	simm.s32 $0xFFFFFFFF;
	p2 =	slt.u32 s8, $0xFFFFF086  }
0x1c: {  	p1 =	slt.u32 s9, $0xF7A;
	s5 =	simm.s32 @!p2 $0x0  }
0x1d: {  	s5 =	simm.s32 @p1 $0x1;
	p0 =	seq.s32 s7, s2  }
0x1e: {  	s7 =	smul.u32 @!p0 $0xF7A, s2;
	p2 =	seq.s32 @!p0 s5, $0x0  }
0x1f: {  	s9 =	smul.u32 $0xF7A, s1;
	s8 =	simm.s32 @!p0 $0x1BF5;
	p2 =	por !p2, p0  }
0x20: {  	[sflag:s8] =	ssyncset.s32 @!p0 $0xFFFFF086;
	s6 =	sadd.s32 @!p0 s3, s7;
	s7 =	simm.s32 @!p0 $0x108  }
0x21: {  	s3 =	sadd.s32 s3, s9;
	s6 =	sadd.s32 @!p0 $0x88, s6;
	s7 =	simm.s32 @p2 $0x1082  }
0x22: {  	[simem:s7], [sflag:s8] =	dma.local @!p0 [hbm:s6], $0xF7A  }
0x23: {  	s9 =	sor.u32 $0xD0000000, s2;
	s6 =	simm.s32 $0x108;
	_ =	swait.ge @!p0 [sflag:s8], $0x0  }
0x24: {  	s3 =	sadd.s32 $0x88, s3;
	s6 =	simm.s32 @!p1 $0x1082;
	[sflag:s4] =	ssyncset.s32 $0xFFFFF086  }
0x25: {  	[simem:s6], [sflag:s4] =	dma.local [hbm:s3], $0xF7A  }
0x26: {  	[smem:$0x3F98] =	sst s1;
	(tag) =	ssettag s2;
	_ =	strace s9  }
0x27: {  	s1 =	sld [smem:$0x3FA8]  }
0x28: {  	s2 =	sld [smem:$0x3FA9]  }
0x29: {  	s4 =	sld [smem:$0x3FAB]  }
0x2a: {  	p0 =	seq.s32 s5, $0x0;
	s5 =	sld [smem:$0x3FAC]  }
0x2b: {  	s6 =	sld [smem:$0x3FAD]  }
0x2c: {  	s7 =	sld [smem:$0x3FAE]  }
0x2d: {  	s3 =	simm.s32 $0x108;
	s8 =	sld [smem:$0x3FAF]  }
0x2e: {  	s3 =	simm.s32 @!p0 $0x1082;
	s9 =	sld [smem:$0x3FB0]  }
0x2f: {  	lr =	sadd.s32 s0, s3;
	s0 =	sld [smem:$0x3FA7]  }
0x30: {  	s3 =	sld [smem:$0x3FAA]  }
0x31: {  	[smem:$0x3FB3] =	sst s10  }
0x32: {  	s10 =	sld [smem:$0x3FB1];
	_ =	sdelay $0x3  }
0x33: {  	p0 =	seq.s32 s10, $0x1;
	s10 =	sld [smem:$0x3FB3];
	_ =	sdelay $0x3  }
0x34: {  	[smem:$0x3FB3] =	sst s10  }
0x35: {  	s10 =	sld [smem:$0x3FB2];
	_ =	sdelay $0x3  }
0x36: {  	p1 =	seq.s32 s10, $0x1;
	s10 =	sld [smem:$0x3FB3];
	_ =	sdelay $0x3  }
0x37: {  	[smem:$0x3FB3] =	sst s10  }
0x38: {  	s10 =	sld [smem:$0x3FB4]  }
0x39: {  	_ = 	snop;
	(pc) =	sbr.ind lr, $3  }
0x3a: {  	_ = 	snop  }
0x3b: {  	_ = 	snop  }
0x3c: {  	p2 =	seq.s32 s10, $0x1;
	s10 =	sld [smem:$0x3FB3]  }
0x3d: {  	_ =	shalt  }
0x3e: {  	_ =	shalt  }
0x3f: {  	_ =	shalt  }
0x40: {  	_ =	shalt  }
0x41: {  	_ =	shalt  }
0x42: {  	_ =	shalt  }
0x43: {  	_ =	shalt  }
0x44: {  	_ =	shalt  }
0x45: {  	_ =	shalt  }
0x46: {  	_ =	shalt  }
0x47: {  	_ =	shalt  }
0x48: {  	_ =	shalt  }
0x49: {  	_ =	shalt  }
0x4a: {  	_ =	shalt  }
0x4b: {  	_ =	shalt  }
0x4c: {  	_ =	shalt  }
0x4d: {  	_ =	shalt  }
0x4e: {  	_ =	shalt  }
0x4f: {  	_ =	shalt  }
0x50: {  	_ =	shalt  }
0x51: {  	_ =	shalt  }
0x52: {  	_ =	shalt  }
0x53: {  	_ =	shalt  }
0x54: {  	_ =	shalt  }
0x55: {  	_ =	shalt  }
0x56: {  	_ =	shalt  }
0x57: {  	_ =	shalt  }
0x58: {  	_ =	shalt  }
0x59: {  	_ =	shalt  }
0x5a: {  	_ =	shalt  }
0x5b: {  	_ =	shalt  }
0x5c: {  	_ =	shalt  }
0x5d: {  	_ =	shalt  }
0x5e: {  	_ =	shalt  }
0x5f: {  	_ =	shalt  }
0x60: {  	_ =	shalt  }
0x61: {  	_ =	shalt  }
0x62: {  	_ =	shalt  }
0x63: {  	_ =	shalt  }
0x64: {  	_ =	shalt  }
0x65: {  	_ =	shalt  }
0x66: {  	_ =	shalt  }
0x67: {  	_ =	shalt  }
0x68: {  	_ =	shalt  }
0x69: {  	_ =	shalt  }
0x6a: {  	_ =	shalt  }
0x6b: {  	_ =	shalt  }
0x6c: {  	_ =	shalt  }
0x6d: {  	_ =	shalt  }
0x6e: {  	_ =	shalt  }
0x6f: {  	_ =	shalt  }
0x70: {  	_ =	shalt  }
0x71: {  	_ =	shalt  }
0x72: {  	_ =	shalt  }
0x73: {  	_ =	shalt  }
0x74: {  	_ =	shalt  }
0x75: {  	_ =	shalt  }
0x76: {  	_ =	shalt  }
0x77: {  	_ =	shalt  }
0x78: {  	_ =	shalt  }
0x79: {  	_ =	shalt  }
0x7a: {  	_ =	shalt  }
0x7b: {  	_ =	shalt  }
0x7c: {  	_ =	shalt  }
0x7d: {  	_ =	shalt  }
0x7e: {  	_ =	shalt  }
0x7f: {  	_ =	shalt  }
0x80: {  	_ =	shalt  }
0x81: {  	_ =	shalt  }
0x82: {  	_ =	shalt  }
0x83: {  	_ =	shalt  }
0x84: {  	_ =	shalt  }
0x85: {  	_ =	shalt  }
0x86: {  	_ =	shalt  }
0x87: {  	_ =	shalt  }
.Lfunc_end0:
.L_simem_size_0:
called_computation_lowered:
.L_overlay_start_0:
0x88: {  	s2 =	sld [smem:$0x3FD9]  }
0x89: {  	s3 =	sld [smem:$0x3FFE];
	_ =	sdelay $0x1  }
0x8a: {  	s1 =	srdreg.scid  }
0x8b: {  	s0 =	sand.u32 $0x1, s1  }
0x8c: {  	s16 =	sshll.u32 s0, $0xA;
	s2 =	sadd.s32 s3, s2  }
0x8d: {  	s2 =	sadd.s32 s2, s16  }
0x8e: {  	[smem:$0x3FBF] =	sst s2  }
0x8f: {  	_ = 	snop  }
0x90: {  	(tm) =	ssettm $0x1  }
0x91: {  	s17 =	sld [smem:$0x3FFB];
	_ =	sdelay $0x3  }
0x92: {  	_ =	strace s17  }
0x93: {  	s2 =	sld [smem:$0x3FFC];
	_ =	sdelay $0x3  }
0x94: {  	_ =	strace s2  }
0x95: {  	s2 =	sld [smem:$0x3FFD];
	_ =	sdelay $0x3  }
0x96: {  	_ =	strace s2  }
0x97: {  	_ =	strace $0x8FFFFFFF  }
0x98: {  	s18 =	sld [smem:$0x3FDB];
	_ =	sdelay $0x1  }
0x99: {  	s19 =	simm.s32 $_scs_section_size  }
0x9a: {  	s4 =	simm.s32 $_size__tile_overlayer_lowered;
	s5 =	simm.s32 $_tile_overlayer_lowered  }
0x9b: {  	s22 =	simm.s32 $0x1BFF;
	s21 =	sshll.u32 s5, $0x1;
	s2 =	sadd.s32 s19, s18  }
0x9c: {  	s6 =	simm.s32 $0x0;
	s20 =	sshll.u32 s4, $0x1;
	s4 =	sadd.s32 s21, s2  }
0x9d: {  	[timem:s6], [sflag:s22] =	dma.local [hbm:s4], s20  }
0x9e: {  	_ =	swait.ge [sflag:s22], s20  }
0x9f: {  	s3 =	ssub.s32 $0x0, s20;
	[sflag:s22] =	ssyncset.done $0x0  }
0xa0: {  	[sflag:s22] =	ssyncadd.s32 s3;
	_ =	sdelay $0x1  }
0xa1: {  	s23 =	simm.s32 $0x1B8B  }
0xa2: {  	_ =	swait.ge [sflag:s23], $0x1  }
0xa3: {  	[sflag:s23] =	ssyncset.done $0x0  }
0xa4: {  	s25 =	simm.s32 $0x1B8E;
	s24 =	sld [smem:$0x3FFE];
	[sflag:s23] =	ssyncadd.s32 $0xFFFFFFFF  }
0xa5: {  	s26 =	simm.s32 $execute0_lowered;
	[smem:$0x3FD2] =	sst s25  }
0xa6: {  	s4 =	sshll.u32 s26, $0x1;
	_ =	strace $0x80000046;
	[dreg:$0x1] =	wrdreg $0xFFFFFFFF  }
0xa7: {  	s28 =	simm.s32 $_size_execute0_lowered;
	s2 =	sadd.s32 s2, s4;
	[dreg:$0x0] =	wrdreg $0x0  }
0xa8: {  	s4 =	sshll.u32 s28, $0x1;
	[dreg:$0x2] =	wrdreg s2  }
0xa9: {  	[dreg:$0x3] =	wrdreg s4  }
0xaa: {  	[dreg:$0x4] =	wrdreg $0xC0  }
0xab: {  	_ =	task [dreg:s6], $0x5FFFF  }
0xac: {  	[dreg:$0x1] =	wrdreg $0xFFFFFFFF  }
0xad: {  	[dreg:$0x0] =	wrdreg $0x60  }
0xae: {  	[dreg:$0x2] =	wrdreg s24  }
0xaf: {  	[dreg:$0x3] =	wrdreg $0x9  }
0xb0: {  	_ =	task.clear_ibuf [dreg:s6], $0x4FFFF;
	_ =	strace $0x90000046  }
0xb1: {  	s29 =	simm.s32 $0x9;
	_ =	strace $0x80000048  }
0xb2: {  	_ =	swait.ge [sflag:s29], $0x1  }
0xb3: {  	[sflag:s29] =	ssyncadd.s32 $0xFFFFFFFF  }
0xb4: {  	_ =	strace $0x90000048  }
0xb5: {  	_ =	sfence  }
0xb6: {  	s30 =	sld [smem:$0x0];
	_ =	sdelay $0x2  }
0xb7: {  	s31 =	sshll.u32 s1, $0xD;
	s1 =	sshrl.u32 s1, $0x2  }
0xb8: {  	s3 =	sand.u32 $0x4000, s31;
	s1 =	sadd.s32 s1, s30  }
0xb9: {  	s0 =	sor.u32 s3, s0;
	s1 =	sshll.u32 s1, $0x11  }
0xba: {  	s0 =	sor.u32 s1, s0  }
0xbb: {  	s0 =	sadd.s32 $0x8F2B, s0  }
0xbc: {  	[sflag:s0] =	ssyncadd.remote.s32 $0x1  }
0xbd: {  	_ =	sfence.sel $0xFFFF  }
0xbe: {  	[dreg:$0x0] =	wrdreg $0xFFFFFFFF;
	(pc) =	sbr.abs _section_cstart, $3  }
0xbf: {  	[dreg:$0x1] =	wrdreg $0xFFFFFFFF  }
0xc0: {  	_ =	task.clear_ibuf [dreg:s6], $0x2FFFF;
	_ =	strace $0x9FFFFFFF  }
0xc1: {  	(tm) =	ssettm $0x7FFFFFFF  }
tec
execute0_lowered:
.L_overlay_start_1:
0x0: {  	(tag) =	ssettag $0x1  }
0x1: {  	s1 =	srdreg.scid  }
0x2: {  	s0 =	stileid.u32;
	s5 =	rddreg [dreg:$0x0]  }
0x3: {  	s2 =	simm.s32 $0x0;
	s8 =	simm.s32 $0x80;
	s9 =	simm.s32 $0x400  }
0x4: {  	s10 =	simm.s32 $0x0;
	s3 =	sand.u32 $0x1, s1;
	s29 =	sshll.u32 s0, $0x1  }
0x5: {  	s30 =	sshrl.u32 s0, $0x2;
	s1 =	rddreg [dreg:$0x1];
	s4 =	sor.u32 s3, s29  }
0x6: {  	[smem:$0x7FF] =	sst s2;
	s6 =	smul.u32 $0x14000, s30;
	s7 =	sshll.u32 s4, $0x7  }
0x7: {  	s3 =	ssub.s32 $0x2, s3;
	s4 =	smul.u32 $0x500, s4;
	s7 =	sand.u32 $0x380, s7  }
0x8: {  	_ =	strace $0x80000047;
	s31 =	sshrl.u32 s3, $0x1;
	s6 =	sor.u32 s6, s7  }
0x9: {  	s4 =	sadd.s32 s4, s5;
	s7 =	simm.s32 $0x2800;
	s6 =	sshrl.u32 s6, $0x3  }
0xa: {  	s5 =	sadd.s32 s6, s5;
	s6 =	ssub.s32 s3, s31;
	s3 =	sadd.s32 $0x1400, s4  }
0xb: {  	v0 =	vimm.f32 $0.0e+00;
	v1 =	vimm.f32 $1.000000000e+00;
	s4 =	sadd.s32 $0xB400, s5;
	s5 =	smax.u32 s6, $0x1;
	s6 =	simm.s32 $0x1  }
.LBB2_1:
0xc: {  	[tilespmem:s2], [sflag:$0x1] =	stream.linear.gather [hbm4b:s3+s2], $0x2800, $0x38;
	[tilespmem:$0x5000] =	vst v63  }
0xd: {  	_ =	swait.ge [sflag:s6], $0x2800  }
0xe: {  	[sflag:s6] =	ssyncset.done $0x0  }
0xf: {  	s11 =	simm.s32 $0x0;
	[sflag:s6] =	ssyncadd.s32 $0xFFFFD800  }
.LBB2_2:
0x10: {  	p0 =	sne.s32 s11, $0x9F00  }
.Ltmp0:
0x11: {  	s12 =	sshra.s32 s11, $0x2;
	(pc) =	sbr.rel @p0 .LBB2_2-.Ltmp0, $4  }
0x12: {  	[tilespmem:s12+$0x2800] =	vst v0  }
0x13: {  	[tilespmem:s12+$0x2810] =	vst v0  }
0x14: {  	[tilespmem:s12+$0x2820] =	vst v0  }
0x15: {  	s11 =	sadd.s32 $0x100, s11;
	[tilespmem:s12+$0x2830] =	vst v0  }
0x16: {  	s11 =	simm.s32 $0x0  }
.LBB2_4:
0x17: {  	s12 =	sshra.s32 s11, $0x2  }
0x18: {  	v2 =	vld [tilespmem:s12+$0x0];
	_ =	sdelay $0x7  }
0x19: {  	[tilespmem:v2+s7+$0x0] =	vst.idx.add.f32.msk $0xffff, v1  }
0x1a: {  	v2 =	vld [tilespmem:s12+$0x10];
	_ =	sdelay $0x7  }
0x1b: {  	[tilespmem:v2+s7+$0x0] =	vst.idx.add.f32.msk $0xffff, v1  }
0x1c: {  	v2 =	vld [tilespmem:s12+$0x20];
	_ =	sdelay $0x7  }
0x1d: {  	[tilespmem:v2+s7+$0x0] =	vst.idx.add.f32.msk $0xffff, v1  }
0x1e: {  	v2 =	vld [tilespmem:s12+$0x30];
	_ =	sdelay $0x2  }
0x1f: {  	p0 =	sne.s32 s11, $0x9F00  }
.Ltmp1:
0x20: {  	_ = 	snop;
	(pc) =	sbr.rel @p0 .LBB2_4-.Ltmp1, $2  }
0x21: {  	_ =	sdelay $0x2  }
0x22: {  	s11 =	sadd.s32 $0x100, s11;
	[tilespmem:v2+s7+$0x0] =	vst.idx.add.f32.msk $0xffff, v1  }
0x23: {  	s10 =	sadd.s32 $0x1, s10  }
0x24: {  	p0 =	sne.s32 s10, s5  }
.Ltmp2:
0x25: {  	_ = 	snop;
	(pc) =	sbr.rel @p0 .LBB2_1-.Ltmp2, $4  }
0x26: {  	[hbm4b:s4+s8] =	stream.strided.scatter [tilespmem:s7], [sflag:$0x1], $0x2800, s9, s8, $0x38;
	[tilespmem:$0x5000] =	vst v63  }
0x27: {  	_ =	swait.ge [sflag:s6], $0x2800  }
0x28: {  	[sflag:s6] =	ssyncset.done $0x0  }
0x29: {  	[sflag:s6] =	ssyncadd.s32 $0xFFFFD800  }
0x2a: {  	_ =	sfence.sel $0x180000  }
0x2b: {  	[bflag:$0x0] =	sbarrier.arrive $0xFFFF  }
0x2c: {  	p0 =	sne.s32 s0, $0x0;
	_ =	strace $0x90000047  }
0x2d: {  	s0 =	sadd.s32 @!p0 $0x100000, s1;
	[bflag:$0x2] =	sbarrier.arrive $0xFFFF  }
0x2e: {  	[sflag:s0] =	ssyncadd.tile.s32 @!p0 $0x1;
	_ =	shalt  }
.Lfunc_end2:
_tile_overlayer_lowered:
.L_overlay_start_2:
0x2f: {  	(tag) =	ssettag $0x2  }
0x30: {  	s0 =	rddreg [dreg:$0x0];
	s2 =	stileid.u32  }
0x31: {  	s1 =	rddreg [dreg:$0x1];
	p0 =	sne.s32 s2, $0x0  }
0x32: {  	s3 =	rddreg [dreg:$0x2];
	[bflag:$0x3] =	sbarrier.arrive $0xFFFF;
	s2 =	simm.s32 @!p0 $0x1C01  }
0x33: {  	[timem:s3], [sflag:s2] =	dma.local @!p0 [hbm:s0], s1  }
0x34: {  	s0 =	simm.s32 @!p0 $0x1  }
0x35: {  	_ =	swait.ge @!p0 [sflag:s0], s1  }
0x36: {  	s1 =	ssub.s32 @!p0 $0x0, s1;
	[sflag:s0] =	ssyncset.done @!p0 $0x0  }
0x37: {  	[sflag:s0] =	ssyncadd.s32 @!p0 s1  }
0x38: {  	[bflag:$0x3] =	sbarrier.arrive $0xFFFF  }
0x39: {  	_ =	shalt  }

</sc_bundles>
